<compile_context>
chip_gen: v7x
topology: tpu7x:2x2x1
jax: 0.10.2.dev20260603
libtpu: 0.0.44.dev20260713+nightly
codegen_flags: <defaults>
</compile_context>

<pallas_src>
import functools

import jax
import jax.numpy as jnp
from jax import lax
from jax.experimental import pallas as pl
from jax.experimental.pallas import tpu as pltpu
from jax.experimental.pallas import tpu_sc as plsc

N = 10000
E = 320000
IN_DIM = 128
HID = 64
OUT = 64

NA = 10240
NW = 32
CHUNK = 128
CH = 80
EPT = CH * CHUNK
E_PAD = NW * EPT
NBUF = 4
RPT = N // 16

_mesh = plsc.VectorSubcoreMesh(core_axis_name="c", subcore_axis_name="s")


_HR = NA // 16
_HCH = _HR // 128


def _deg_body(dst_hbm, out_hbm, didx, hist, iidx, hacc):
    cid = lax.axis_index("c")
    sid = lax.axis_index("s")
    w = cid * 16 + sid

    pltpu.sync_copy(dst_hbm.at[w], didx)

    zeros16 = jnp.zeros((16,), jnp.float32)

    def zero_body(i, carry):
        hist[i, :] = zeros16
        return carry

    lax.fori_loop(0, _HR, zero_body, 0)

    iota16 = lax.iota(jnp.int32, 16)
    for c in range(_HCH):
        for k in range(8):
            iidx[c, pl.ds(k * 16, 16)] = c * 128 + k * 16 + iota16
    pltpu.sync_copy(hist.at[pl.ds(sid * (_HR // 16), _HR // 16)],
                    hacc.at[pl.ds(sid * (_HR // 16), _HR // 16)])
    plsc.subcore_barrier()

    ones16 = jnp.ones((16,), jnp.float32)

    def acc_body(i, carry):
        idxv = didx[pl.ds(i * 16, 16)]
        row = lax.shift_right_logical(idxv, 4)
        col = lax.bitwise_and(idxv, 15)
        plsc.addupdate_scatter(hist, [row, col], ones16)
        return carry

    lax.fori_loop(0, EPT // 16, acc_body, 0)

    for c in range(_HCH):
        pltpu.sync_copy(hist.at[pl.ds(c * 128, 128)], hacc.at[iidx.at[c]],
                        add=True)
    plsc.subcore_barrier()

    pltpu.sync_copy(hacc.at[pl.ds(sid * (_HR // 16), _HR // 16)],
                    out_hbm.at[cid, pl.ds(sid * (_HR // 16), _HR // 16)])


_deg_kernel = functools.partial(
    pl.kernel,
    out_type=jax.ShapeDtypeStruct((2, _HR, 16), jnp.float32),
    mesh=_mesh,
    compiler_params=pltpu.CompilerParams(needs_layout_passes=False,
                                         use_tc_tiling_on_sc=False),
    scratch_types=[
        pltpu.VMEM((EPT,), jnp.int32),
        pltpu.VMEM((_HR, 16), jnp.float32),
        pltpu.VMEM((_HCH, 128), jnp.int32),
        pltpu.VMEM_SHARED((_HR, 16), jnp.float32),
    ],
)(_deg_body)


def _prop_body(g_hbm, src_hbm, dst_hbm, out_hbm, sidx, didx, rows, zbuf, accum,
               *gsems):
    cid = lax.axis_index("c")
    sid = lax.axis_index("s")
    w = cid * 16 + sid

    pltpu.sync_copy(src_hbm.at[w], sidx)
    pltpu.sync_copy(dst_hbm.at[w], didx)
    for b in range(NBUF):
        pltpu.async_copy(g_hbm.at[sidx.at[b]], rows.at[b], gsems[b])

    zeros16 = jnp.zeros((16,), jnp.float32)

    def zero_body(i, carry):
        r = i // 4
        zbuf[r, pl.ds((i % 4) * 16, 16)] = zeros16
        return carry

    lax.fori_loop(0, 125 * 4, zero_body, 0)
    for r in range(5):
        pltpu.sync_copy(zbuf.at[pl.ds(0, 125)],
                        accum.at[pl.ds(sid * RPT + r * 125, 125)])
    plsc.subcore_barrier()

    def body(j0, carry):
        for b in range(NBUF):
            j = j0 + b
            pltpu.make_async_copy(g_hbm.at[sidx.at[j]], rows.at[b],
                                  gsems[b]).wait()
            pltpu.sync_copy(rows.at[b], accum.at[didx.at[j]], add=True)

            @pl.when(j + NBUF < CH)
            def _():
                pltpu.async_copy(g_hbm.at[sidx.at[j + NBUF]], rows.at[b],
                                 gsems[b])
        return carry

    lax.fori_loop(0, CH // NBUF, lambda i, c: body(i * NBUF, c), 0)
    plsc.subcore_barrier()

    pltpu.sync_copy(accum.at[pl.ds(sid * RPT, RPT)],
                    out_hbm.at[cid, pl.ds(sid * RPT, RPT)])


_prop_kernel = functools.partial(
    pl.kernel,
    out_type=jax.ShapeDtypeStruct((2, N, HID), jnp.float32),
    mesh=_mesh,
    compiler_params=pltpu.CompilerParams(needs_layout_passes=False,
                                         use_tc_tiling_on_sc=False),
    scratch_types=[
        pltpu.VMEM((CH, CHUNK), jnp.int32),
        pltpu.VMEM((CH, CHUNK), jnp.int32),
        pltpu.VMEM((NBUF, CHUNK, HID), jnp.float32),
        pltpu.VMEM((128, HID), jnp.float32),
        pltpu.VMEM_SHARED((NA, HID), jnp.float32),
    ] + [pltpu.SemaphoreType.DMA] * NBUF,
)(_prop_body)


NH = N // 2
PW = 2 * HID
RB = 1000
_GRID = NH // RB


def _tc1_body(x_ref, wet_ref, be_ref, w1t_ref, h_ref, hw_ref):
    h = jnp.dot(x_ref[...], wet_ref[...], preferred_element_type=jnp.float32)
    h = jnp.maximum(h + be_ref[...], 0.0)
    h_ref[...] = h
    hw_ref[...] = jnp.dot(h, w1t_ref[...], preferred_element_type=jnp.float32)


def _tc2_body(p_ref, g1_ref, dinv_ref, b1_ref, w2t_ref, h1_ref, g2_ref):
    dinv = dinv_ref[...]
    s = p_ref[0] + p_ref[1] + g1_ref[...]
    h1 = jnp.maximum(s * dinv + b1_ref[...], 0.0)
    h1_ref[...] = h1
    hw = jnp.dot(h1, w2t_ref[...], preferred_element_type=jnp.float32)
    g2_ref[...] = hw * dinv


def _tc3_body(p_ref, g2_ref, dinv_ref, b2_ref, h_ref, h1_ref,
              wca_ref, wcb_ref, wcc_ref, bc_ref, out_ref):
    s = p_ref[0] + p_ref[1] + g2_ref[...]
    h2 = jnp.maximum(s * dinv_ref[...] + b2_ref[...], 0.0)
    out = jnp.dot(h_ref[...], wca_ref[...], preferred_element_type=jnp.float32)
    out = out + jnp.dot(h1_ref[...], wcb_ref[...], preferred_element_type=jnp.float32)
    out = out + jnp.dot(h2, wcc_ref[...], preferred_element_type=jnp.float32)
    out_ref[...] = out + bc_ref[...]


def _row_spec(cols):
    return pl.BlockSpec((RB, cols), lambda i: (i, 0))


def _full_spec(shape):
    return pl.BlockSpec(shape, lambda i: tuple(0 for _ in shape))


_P_SPEC = pl.BlockSpec((2, RB, PW), lambda i: (0, i, 0))
_OUT_ROW = jax.ShapeDtypeStruct((NH, PW), jnp.float32)

_tc1_call = pl.pallas_call(
    _tc1_body,
    grid=(_GRID,),
    in_specs=[_row_spec(2 * IN_DIM), _full_spec((2 * IN_DIM, PW)),
              _full_spec((1, PW)), _full_spec((PW, PW))],
    out_specs=[_row_spec(PW)] * 2,
    out_shape=[_OUT_ROW] * 2,
)

_tc2_call = pl.pallas_call(
    _tc2_body,
    grid=(_GRID,),
    in_specs=[_P_SPEC, _row_spec(PW), _row_spec(PW),
              _full_spec((1, PW)), _full_spec((PW, PW))],
    out_specs=[_row_spec(PW)] * 2,
    out_shape=[_OUT_ROW] * 2,
)

_tc3_call = pl.pallas_call(
    _tc3_body,
    grid=(_GRID,),
    in_specs=[_P_SPEC, _row_spec(PW), _row_spec(PW), _full_spec((1, PW)),
              _row_spec(PW), _row_spec(PW),
              _full_spec((PW, PW)), _full_spec((PW, PW)),
              _full_spec((PW, PW)), _full_spec((1, PW))],
    out_specs=[_row_spec(PW)],
    out_shape=[_OUT_ROW],
)


def _bd(w):
    z = jnp.zeros_like(w)
    return jnp.concatenate(
        [jnp.concatenate([w, z], axis=1), jnp.concatenate([z, w], axis=1)],
        axis=0)


def kernel(x, edge_index, W_embed, b_embed, W1, b1, W2, b2, Wc, bc):
    f32 = jnp.float32
    src = edge_index[0]
    dst = edge_index[1]
    pad = E_PAD - E
    arp = jnp.arange(pad, dtype=jnp.int32)
    srcp = jnp.concatenate([src, arp % N])
    dstp = jnp.concatenate([dst, N + arp % (NA - N)])
    src3 = srcp.reshape(NW, CH, CHUNK)
    dst3 = dstp.reshape(NW, CH, CHUNK)
    dstf = dstp.reshape(NW, EPT)

    wet2 = _bd(W_embed.T.astype(f32))
    w1t2 = _bd(W1.T.astype(f32))
    w2t2 = _bd(W2.T.astype(f32))
    wca2 = _bd(Wc[:, :HID].T.astype(f32))
    wcb2 = _bd(Wc[:, HID:2 * HID].T.astype(f32))
    wcc2 = _bd(Wc[:, 2 * HID:].T.astype(f32))
    be2 = jnp.concatenate([b_embed, b_embed]).reshape(1, PW)
    b12 = jnp.concatenate([b1, b1]).reshape(1, PW)
    b22 = jnp.concatenate([b2, b2]).reshape(1, PW)
    bc2 = jnp.concatenate([bc, bc]).reshape(1, PW)
    xp = x.reshape(NH, 2 * IN_DIM)

    degc = _deg_kernel(dstf)

    h, hw1 = _tc1_call(xp, wet2, be2, w1t2)

    degf = (degc[0] + degc[1]).reshape(NA)[:N]
    dinv = jnp.broadcast_to(
        lax.rsqrt(degf + 1.0).reshape(NH, 2, 1), (NH, 2, HID)).reshape(NH, PW)
    g1 = hw1 * dinv

    p1 = _prop_kernel(g1.reshape(N, HID), src3, dst3)

    h1, g2 = _tc2_call(p1.reshape(2, NH, PW), g1, dinv, b12, w2t2)

    p2 = _prop_kernel(g2.reshape(N, HID), src3, dst3)

    (out,) = _tc3_call(p2.reshape(2, NH, PW), g2, dinv, b22, h, h1,
                       wca2, wcb2, wcc2, bc2)
    return out.reshape(N, HID)

# --- scband reference (transcript-rebuilt; emitter-appended) ---
"""Pipeline reference for scband-h2-gcn-68143951118604 (READ-ONLY COPY).

The authoritative reference and input builder live on the scoring server;
editing this copy changes nothing except your own understanding.
"""

import jax, jax.numpy as jnp
import numpy as np

N = 10000
E = 320000
IN_DIM = 128
HID = 64
OUT = 64


def setup_inputs(seed: int = 0) -> dict:
    key = jax.random.key(seed)
    ks = jax.random.split(key, 10)
    x = jax.random.normal(ks[0], (N, IN_DIM), dtype=jnp.float32)
    edge_index = jax.random.randint(ks[1], (2, E), 0, N, dtype=jnp.int32)
    s = 1.0 / np.sqrt(IN_DIM)
    W_embed = jax.random.uniform(ks[2], (HID, IN_DIM), minval=-s, maxval=s, dtype=jnp.float32)
    b_embed = jax.random.uniform(ks[3], (HID,), minval=-s, maxval=s, dtype=jnp.float32)
    sh = 1.0 / np.sqrt(HID)
    W1 = jax.random.uniform(ks[4], (HID, HID), minval=-sh, maxval=sh, dtype=jnp.float32)
    b1 = jnp.zeros((HID,), dtype=jnp.float32)
    W2 = jax.random.uniform(ks[5], (HID, HID), minval=-sh, maxval=sh, dtype=jnp.float32)
    b2 = jnp.zeros((HID,), dtype=jnp.float32)
    sc = 1.0 / np.sqrt(HID * 3)
    Wc = jax.random.uniform(ks[6], (OUT, HID * 3), minval=-sc, maxval=sc, dtype=jnp.float32)
    bc = jax.random.uniform(ks[7], (OUT,), minval=-sc, maxval=sc, dtype=jnp.float32)
    return {"x": x, "edge_index": edge_index, "W_embed": W_embed, "b_embed": b_embed,
            "W1": W1, "b1": b1, "W2": W2, "b2": b2, "Wc": Wc, "bc": bc}


def reference(x, edge_index, W_embed, b_embed, W1, b1, W2, b2, Wc, bc):
    num_nodes = x.shape[0]
    # GCNConv: add self-loops + symmetric normalization (deg^-1/2 A deg^-1/2)
    loop = jnp.arange(num_nodes, dtype=edge_index.dtype)
    src = jnp.concatenate([edge_index[0], loop])
    dst = jnp.concatenate([edge_index[1], loop])
    deg = jax.ops.segment_sum(jnp.ones_like(src, dtype=x.dtype), dst, num_segments=num_nodes)
    dinv = jnp.where(deg > 0, jax.lax.rsqrt(jnp.maximum(deg, 1e-12)), 0.0)
    norm = dinv[src] * dinv[dst]

    # embed + relu (dropout is identity in eval mode)
    h = jax.nn.relu(x @ W_embed.T + b_embed)
    reps = [h]
    for W, b in ((W1, b1), (W2, b2)):
        hw = h @ W.T
        msg = hw[src] * norm[:, None]
        h = jax.ops.segment_sum(msg, dst, num_segments=num_nodes) + b
        h = jax.nn.relu(h)
        reps.append(h)
    h = jnp.concatenate(reps, axis=-1)  # ego-neighbor separation
    return h @ Wc.T + bc

if __name__ == "__main__":
    import jax
    _d = setup_inputs()
    print(jax.jit(kernel)(*tuple(_d.values())))

</pallas_src>

<mosaic_0001>
#map = affine_map<(d0, d1) -> (0, 0)>
#map1 = affine_map<(d0, d1) -> (0, 0, 0)>
module attributes {stable_mosaic.version = 14 : i64} {
  func.func @_deg_body(%arg0: i32, %arg1: i32, %arg2: memref<32x10240xi32, #tpu.memory_space<hbm>>, %arg3: memref<2x640x16xf32, #tpu.memory_space<hbm>>, %arg4: memref<10240xi32, #tpu.memory_space<vmem>>, %arg5: memref<640x16xf32, #tpu.memory_space<vmem>>, %arg6: memref<5x128xi32, #tpu.memory_space<vmem>>, %arg7: memref<640x16xf32, #tpu.memory_space<vmem_shared>>) attributes {dimension_semantics = [#tpu.dimension_semantics<core_parallel>, #tpu.dimension_semantics<subcore_parallel>], iteration_bounds = array<i64: 2, 16>, scalar_prefetch = 0 : i64, scratch_operands = 4 : i64, tpu.core_type = #tpu.core_type<sc_vector_subcore>, window_params = [{transform_indices = #map}, {transform_indices = #map1}]} {
    %mul3A = arith.constant 16 : i32
    %mul3A_0 = arith.muli %arg0, %mul3A : i32
    %add3A = arith.addi %mul3A_0, %arg1 : i32
    "tpu.region"() ({
      %run_scoped3A_307 = tpu.sem_alloc : memref<!tpu.dma_semaphore, #tpu.memory_space<semaphore_mem>>
      %dma_start3A = arith.constant 0 : i32
      %dma_start3A_308 = tpu.memref_slice %arg2[%add3A, %dma_start3A] : memref<32x10240xi32, #tpu.memory_space<hbm>> -> memref<1x10240xi32, #tpu.memory_space<hbm>>
      %dma_start3A_309 = tpu.memref_squeeze %dma_start3A_308 : memref<1x10240xi32, #tpu.memory_space<hbm>> -> memref<10240xi32, #tpu.memory_space<hbm>>
      %dma_start3A_310 = arith.constant 0 : i32
      %dma_start3A_311 = tpu.memref_slice %arg2[%add3A, %dma_start3A_310] : memref<32x10240xi32, #tpu.memory_space<hbm>> -> memref<1x10240xi32, #tpu.memory_space<hbm>>
      %dma_start3A_312 = tpu.memref_squeeze %dma_start3A_311 : memref<1x10240xi32, #tpu.memory_space<hbm>> -> memref<10240xi32, #tpu.memory_space<hbm>>
      tpu.enqueue_dma source(%dma_start3A_312 : memref<10240xi32, #tpu.memory_space<hbm>>) target(%arg4 : memref<10240xi32, #tpu.memory_space<vmem>>) target_semaphore(%run_scoped3A_307 : memref<!tpu.dma_semaphore, #tpu.memory_space<semaphore_mem>>)
      %dma_wait3A = arith.constant 0 : i32
      %dma_wait3A_313 = tpu.memref_slice %arg2[%add3A, %dma_wait3A] : memref<32x10240xi32, #tpu.memory_space<hbm>> -> memref<1x10240xi32, #tpu.memory_space<hbm>>
      %dma_wait3A_314 = tpu.memref_squeeze %dma_wait3A_313 : memref<1x10240xi32, #tpu.memory_space<hbm>> -> memref<10240xi32, #tpu.memory_space<hbm>>
      %dma_wait3A_315 = arith.constant 0 : i32
      %dma_wait3A_316 = tpu.memref_slice %arg2[%add3A, %dma_wait3A_315] : memref<32x10240xi32, #tpu.memory_space<hbm>> -> memref<1x10240xi32, #tpu.memory_space<hbm>>
      %dma_wait3A_317 = tpu.memref_squeeze %dma_wait3A_316 : memref<1x10240xi32, #tpu.memory_space<hbm>> -> memref<10240xi32, #tpu.memory_space<hbm>>
      tpu.wait_dma2 semaphore(%run_scoped3A_307 : memref<!tpu.dma_semaphore, #tpu.memory_space<semaphore_mem>>) src(%dma_wait3A_317 : memref<10240xi32, #tpu.memory_space<hbm>>) dst(%arg4 : memref<10240xi32, #tpu.memory_space<vmem>>)
      tpu.yield
    }) : () -> ()
    %broadcast_in_dim3A = arith.constant 0.000000e+00 : f32
    %broadcast_in_dim3A_1 = vector.broadcast %broadcast_in_dim3A : f32 to vector<16xf32>
    %scan3A = arith.constant 0 : i32
    %scan3A_2 = arith.constant 0 : i32
    %scan3A_3 = arith.constant 640 : i32
    %scan3A_4 = arith.addi %scan3A_2, %scan3A_3 : i32
    %scan3A_5 = arith.constant 1 : i32
    scf.for %scan3A_307 = %scan3A_2 to %scan3A_4 step %scan3A_5  : i32 {
      %swap3A_308 = arith.index_cast %scan3A_307 : i32 to index
      %swap3A_309 = arith.constant 0 : index
      %swap3A_310 = tpu.vector_load %arg5[%swap3A_308, %swap3A_309] {strides = array<i32>} : memref<640x16xf32, #tpu.memory_space<vmem>>, vector<16xf32>,
      tpu.vector_store %arg5[%swap3A_308, %swap3A_309], %broadcast_in_dim3A_1 {strides = array<i32>} : memref<640x16xf32, #tpu.memory_space<vmem>>, vector<16xf32>,
    }
    %scan3A_6 = arith.constant 640 : i32
    %iota3A = tpu.iota {dimensions = array<i32: 0>} : vector<16xi32>
    %add3A_7 = arith.constant 0 : i32
    %add3A_8 = vector.broadcast %add3A_7 : i32 to vector<16xi32>
    %add3A_9 = arith.addi %add3A_8, %iota3A : vector<16xi32>
    %swap3A = arith.constant 0 : i32
    %swap3A_10 = arith.index_cast %swap3A : i32 to index
    %swap3A_11 = arith.constant 0 : index
    %swap3A_12 = tpu.vector_load %arg6[%swap3A_10, %swap3A_11] {strides = array<i32>} : memref<5x128xi32, #tpu.memory_space<vmem>>, vector<16xi32>,
    tpu.vector_store %arg6[%swap3A_10, %swap3A_11], %add3A_9 {strides = array<i32>} : memref<5x128xi32, #tpu.memory_space<vmem>>, vector<16xi32>,
    %add3A_13 = arith.constant 16 : i32
    %add3A_14 = vector.broadcast %add3A_13 : i32 to vector<16xi32>
    %add3A_15 = arith.addi %add3A_14, %iota3A : vector<16xi32>
    %swap3A_16 = arith.constant 0 : i32
    %swap3A_17 = arith.index_cast %swap3A_16 : i32 to index
    %swap3A_18 = arith.constant 16 : index
    %swap3A_19 = tpu.vector_load %arg6[%swap3A_17, %swap3A_18] {strides = array<i32>} : memref<5x128xi32, #tpu.memory_space<vmem>>, vector<16xi32>,
    tpu.vector_store %arg6[%swap3A_17, %swap3A_18], %add3A_15 {strides = array<i32>} : memref<5x128xi32, #tpu.memory_space<vmem>>, vector<16xi32>,
    %add3A_20 = arith.constant 32 : i32
    %add3A_21 = vector.broadcast %add3A_20 : i32 to vector<16xi32>
    %add3A_22 = arith.addi %add3A_21, %iota3A : vector<16xi32>
    %swap3A_23 = arith.constant 0 : i32
    %swap3A_24 = arith.index_cast %swap3A_23 : i32 to index
    %swap3A_25 = arith.constant 32 : index
    %swap3A_26 = tpu.vector_load %arg6[%swap3A_24, %swap3A_25] {strides = array<i32>} : memref<5x128xi32, #tpu.memory_space<vmem>>, vector<16xi32>,
    tpu.vector_store %arg6[%swap3A_24, %swap3A_25], %add3A_22 {strides = array<i32>} : memref<5x128xi32, #tpu.memory_space<vmem>>, vector<16xi32>,
    %add3A_27 = arith.constant 48 : i32
    %add3A_28 = vector.broadcast %add3A_27 : i32 to vector<16xi32>
    %add3A_29 = arith.addi %add3A_28, %iota3A : vector<16xi32>
    %swap3A_30 = arith.constant 0 : i32
    %swap3A_31 = arith.index_cast %swap3A_30 : i32 to index
    %swap3A_32 = arith.constant 48 : index
    %swap3A_33 = tpu.vector_load %arg6[%swap3A_31, %swap3A_32] {strides = array<i32>} : memref<5x128xi32, #tpu.memory_space<vmem>>, vector<16xi32>,
    tpu.vector_store %arg6[%swap3A_31, %swap3A_32], %add3A_29 {strides = array<i32>} : memref<5x128xi32, #tpu.memory_space<vmem>>, vector<16xi32>,
    %add3A_34 = arith.constant 64 : i32
    %add3A_35 = vector.broadcast %add3A_34 : i32 to vector<16xi32>
    %add3A_36 = arith.addi %add3A_35, %iota3A : vector<16xi32>
    %swap3A_37 = arith.constant 0 : i32
    %swap3A_38 = arith.index_cast %swap3A_37 : i32 to index
    %swap3A_39 = arith.constant 64 : index
    %swap3A_40 = tpu.vector_load %arg6[%swap3A_38, %swap3A_39] {strides = array<i32>} : memref<5x128xi32, #tpu.memory_space<vmem>>, vector<16xi32>,
    tpu.vector_store %arg6[%swap3A_38, %swap3A_39], %add3A_36 {strides = array<i32>} : memref<5x128xi32, #tpu.memory_space<vmem>>, vector<16xi32>,
    %add3A_41 = arith.constant 80 : i32
    %add3A_42 = vector.broadcast %add3A_41 : i32 to vector<16xi32>
    %add3A_43 = arith.addi %add3A_42, %iota3A : vector<16xi32>
    %swap3A_44 = arith.constant 0 : i32
    %swap3A_45 = arith.index_cast %swap3A_44 : i32 to index
    %swap3A_46 = arith.constant 80 : index
    %swap3A_47 = tpu.vector_load %arg6[%swap3A_45, %swap3A_46] {strides = array<i32>} : memref<5x128xi32, #tpu.memory_space<vmem>>, vector<16xi32>,
    tpu.vector_store %arg6[%swap3A_45, %swap3A_46], %add3A_43 {strides = array<i32>} : memref<5x128xi32, #tpu.memory_space<vmem>>, vector<16xi32>,
    %add3A_48 = arith.constant 96 : i32
    %add3A_49 = vector.broadcast %add3A_48 : i32 to vector<16xi32>
    %add3A_50 = arith.addi %add3A_49, %iota3A : vector<16xi32>
    %swap3A_51 = arith.constant 0 : i32
    %swap3A_52 = arith.index_cast %swap3A_51 : i32 to index
    %swap3A_53 = arith.constant 96 : index
    %swap3A_54 = tpu.vector_load %arg6[%swap3A_52, %swap3A_53] {strides = array<i32>} : memref<5x128xi32, #tpu.memory_space<vmem>>, vector<16xi32>,
    tpu.vector_store %arg6[%swap3A_52, %swap3A_53], %add3A_50 {strides = array<i32>} : memref<5x128xi32, #tpu.memory_space<vmem>>, vector<16xi32>,
    %add3A_55 = arith.constant 112 : i32
    %add3A_56 = vector.broadcast %add3A_55 : i32 to vector<16xi32>
    %add3A_57 = arith.addi %add3A_56, %iota3A : vector<16xi32>
    %swap3A_58 = arith.constant 0 : i32
    %swap3A_59 = arith.index_cast %swap3A_58 : i32 to index
    %swap3A_60 = arith.constant 112 : index
    %swap3A_61 = tpu.vector_load %arg6[%swap3A_59, %swap3A_60] {strides = array<i32>} : memref<5x128xi32, #tpu.memory_space<vmem>>, vector<16xi32>,
    tpu.vector_store %arg6[%swap3A_59, %swap3A_60], %add3A_57 {strides = array<i32>} : memref<5x128xi32, #tpu.memory_space<vmem>>, vector<16xi32>,
    %add3A_62 = arith.constant 128 : i32
    %add3A_63 = vector.broadcast %add3A_62 : i32 to vector<16xi32>
    %add3A_64 = arith.addi %add3A_63, %iota3A : vector<16xi32>
    %swap3A_65 = arith.constant 1 : i32
    %swap3A_66 = arith.index_cast %swap3A_65 : i32 to index
    %swap3A_67 = arith.constant 0 : index
    %swap3A_68 = tpu.vector_load %arg6[%swap3A_66, %swap3A_67] {strides = array<i32>} : memref<5x128xi32, #tpu.memory_space<vmem>>, vector<16xi32>,
    tpu.vector_store %arg6[%swap3A_66, %swap3A_67], %add3A_64 {strides = array<i32>} : memref<5x128xi32, #tpu.memory_space<vmem>>, vector<16xi32>,
    %add3A_69 = arith.constant 144 : i32
    %add3A_70 = vector.broadcast %add3A_69 : i32 to vector<16xi32>
    %add3A_71 = arith.addi %add3A_70, %iota3A : vector<16xi32>
    %swap3A_72 = arith.constant 1 : i32
    %swap3A_73 = arith.index_cast %swap3A_72 : i32 to index
    %swap3A_74 = arith.constant 16 : index
    %swap3A_75 = tpu.vector_load %arg6[%swap3A_73, %swap3A_74] {strides = array<i32>} : memref<5x128xi32, #tpu.memory_space<vmem>>, vector<16xi32>,
    tpu.vector_store %arg6[%swap3A_73, %swap3A_74], %add3A_71 {strides = array<i32>} : memref<5x128xi32, #tpu.memory_space<vmem>>, vector<16xi32>,
    %add3A_76 = arith.constant 160 : i32
    %add3A_77 = vector.broadcast %add3A_76 : i32 to vector<16xi32>
    %add3A_78 = arith.addi %add3A_77, %iota3A : vector<16xi32>
    %swap3A_79 = arith.constant 1 : i32
    %swap3A_80 = arith.index_cast %swap3A_79 : i32 to index
    %swap3A_81 = arith.constant 32 : index
    %swap3A_82 = tpu.vector_load %arg6[%swap3A_80, %swap3A_81] {strides = array<i32>} : memref<5x128xi32, #tpu.memory_space<vmem>>, vector<16xi32>,
    tpu.vector_store %arg6[%swap3A_80, %swap3A_81], %add3A_78 {strides = array<i32>} : memref<5x128xi32, #tpu.memory_space<vmem>>, vector<16xi32>,
    %add3A_83 = arith.constant 176 : i32
    %add3A_84 = vector.broadcast %add3A_83 : i32 to vector<16xi32>
    %add3A_85 = arith.addi %add3A_84, %iota3A : vector<16xi32>
    %swap3A_86 = arith.constant 1 : i32
    %swap3A_87 = arith.index_cast %swap3A_86 : i32 to index
    %swap3A_88 = arith.constant 48 : index
    %swap3A_89 = tpu.vector_load %arg6[%swap3A_87, %swap3A_88] {strides = array<i32>} : memref<5x128xi32, #tpu.memory_space<vmem>>, vector<16xi32>,
    tpu.vector_store %arg6[%swap3A_87, %swap3A_88], %add3A_85 {strides = array<i32>} : memref<5x128xi32, #tpu.memory_space<vmem>>, vector<16xi32>,
    %add3A_90 = arith.constant 192 : i32
    %add3A_91 = vector.broadcast %add3A_90 : i32 to vector<16xi32>
    %add3A_92 = arith.addi %add3A_91, %iota3A : vector<16xi32>
    %swap3A_93 = arith.constant 1 : i32
    %swap3A_94 = arith.index_cast %swap3A_93 : i32 to index
    %swap3A_95 = arith.constant 64 : index
    %swap3A_96 = tpu.vector_load %arg6[%swap3A_94, %swap3A_95] {strides = array<i32>} : memref<5x128xi32, #tpu.memory_space<vmem>>, vector<16xi32>,
    tpu.vector_store %arg6[%swap3A_94, %swap3A_95], %add3A_92 {strides = array<i32>} : memref<5x128xi32, #tpu.memory_space<vmem>>, vector<16xi32>,
    %add3A_97 = arith.constant 208 : i32
    %add3A_98 = vector.broadcast %add3A_97 : i32 to vector<16xi32>
    %add3A_99 = arith.addi %add3A_98, %iota3A : vector<16xi32>
    %swap3A_100 = arith.constant 1 : i32
    %swap3A_101 = arith.index_cast %swap3A_100 : i32 to index
    %swap3A_102 = arith.constant 80 : index
    %swap3A_103 = tpu.vector_load %arg6[%swap3A_101, %swap3A_102] {strides = array<i32>} : memref<5x128xi32, #tpu.memory_space<vmem>>, vector<16xi32>,
    tpu.vector_store %arg6[%swap3A_101, %swap3A_102], %add3A_99 {strides = array<i32>} : memref<5x128xi32, #tpu.memory_space<vmem>>, vector<16xi32>,
    %add3A_104 = arith.constant 224 : i32
    %add3A_105 = vector.broadcast %add3A_104 : i32 to vector<16xi32>
    %add3A_106 = arith.addi %add3A_105, %iota3A : vector<16xi32>
    %swap3A_107 = arith.constant 1 : i32
    %swap3A_108 = arith.index_cast %swap3A_107 : i32 to index
    %swap3A_109 = arith.constant 96 : index
    %swap3A_110 = tpu.vector_load %arg6[%swap3A_108, %swap3A_109] {strides = array<i32>} : memref<5x128xi32, #tpu.memory_space<vmem>>, vector<16xi32>,
    tpu.vector_store %arg6[%swap3A_108, %swap3A_109], %add3A_106 {strides = array<i32>} : memref<5x128xi32, #tpu.memory_space<vmem>>, vector<16xi32>,
    %add3A_111 = arith.constant 240 : i32
    %add3A_112 = vector.broadcast %add3A_111 : i32 to vector<16xi32>
    %add3A_113 = arith.addi %add3A_112, %iota3A : vector<16xi32>
    %swap3A_114 = arith.constant 1 : i32
    %swap3A_115 = arith.index_cast %swap3A_114 : i32 to index
    %swap3A_116 = arith.constant 112 : index
    %swap3A_117 = tpu.vector_load %arg6[%swap3A_115, %swap3A_116] {strides = array<i32>} : memref<5x128xi32, #tpu.memory_space<vmem>>, vector<16xi32>,
    tpu.vector_store %arg6[%swap3A_115, %swap3A_116], %add3A_113 {strides = array<i32>} : memref<5x128xi32, #tpu.memory_space<vmem>>, vector<16xi32>,
    %add3A_118 = arith.constant 256 : i32
    %add3A_119 = vector.broadcast %add3A_118 : i32 to vector<16xi32>
    %add3A_120 = arith.addi %add3A_119, %iota3A : vector<16xi32>
    %swap3A_121 = arith.constant 2 : i32
    %swap3A_122 = arith.index_cast %swap3A_121 : i32 to index
    %swap3A_123 = arith.constant 0 : index
    %swap3A_124 = tpu.vector_load %arg6[%swap3A_122, %swap3A_123] {strides = array<i32>} : memref<5x128xi32, #tpu.memory_space<vmem>>, vector<16xi32>,
    tpu.vector_store %arg6[%swap3A_122, %swap3A_123], %add3A_120 {strides = array<i32>} : memref<5x128xi32, #tpu.memory_space<vmem>>, vector<16xi32>,
    %add3A_125 = arith.constant 272 : i32
    %add3A_126 = vector.broadcast %add3A_125 : i32 to vector<16xi32>
    %add3A_127 = arith.addi %add3A_126, %iota3A : vector<16xi32>
    %swap3A_128 = arith.constant 2 : i32
    %swap3A_129 = arith.index_cast %swap3A_128 : i32 to index
    %swap3A_130 = arith.constant 16 : index
    %swap3A_131 = tpu.vector_load %arg6[%swap3A_129, %swap3A_130] {strides = array<i32>} : memref<5x128xi32, #tpu.memory_space<vmem>>, vector<16xi32>,
    tpu.vector_store %arg6[%swap3A_129, %swap3A_130], %add3A_127 {strides = array<i32>} : memref<5x128xi32, #tpu.memory_space<vmem>>, vector<16xi32>,
    %add3A_132 = arith.constant 288 : i32
    %add3A_133 = vector.broadcast %add3A_132 : i32 to vector<16xi32>
    %add3A_134 = arith.addi %add3A_133, %iota3A : vector<16xi32>
    %swap3A_135 = arith.constant 2 : i32
    %swap3A_136 = arith.index_cast %swap3A_135 : i32 to index
    %swap3A_137 = arith.constant 32 : index
    %swap3A_138 = tpu.vector_load %arg6[%swap3A_136, %swap3A_137] {strides = array<i32>} : memref<5x128xi32, #tpu.memory_space<vmem>>, vector<16xi32>,
    tpu.vector_store %arg6[%swap3A_136, %swap3A_137], %add3A_134 {strides = array<i32>} : memref<5x128xi32, #tpu.memory_space<vmem>>, vector<16xi32>,
    %add3A_139 = arith.constant 304 : i32
    %add3A_140 = vector.broadcast %add3A_139 : i32 to vector<16xi32>
    %add3A_141 = arith.addi %add3A_140, %iota3A : vector<16xi32>
    %swap3A_142 = arith.constant 2 : i32
    %swap3A_143 = arith.index_cast %swap3A_142 : i32 to index
    %swap3A_144 = arith.constant 48 : index
    %swap3A_145 = tpu.vector_load %arg6[%swap3A_143, %swap3A_144] {strides = array<i32>} : memref<5x128xi32, #tpu.memory_space<vmem>>, vector<16xi32>,
    tpu.vector_store %arg6[%swap3A_143, %swap3A_144], %add3A_141 {strides = array<i32>} : memref<5x128xi32, #tpu.memory_space<vmem>>, vector<16xi32>,
    %add3A_146 = arith.constant 320 : i32
    %add3A_147 = vector.broadcast %add3A_146 : i32 to vector<16xi32>
    %add3A_148 = arith.addi %add3A_147, %iota3A : vector<16xi32>
    %swap3A_149 = arith.constant 2 : i32
    %swap3A_150 = arith.index_cast %swap3A_149 : i32 to index
    %swap3A_151 = arith.constant 64 : index
    %swap3A_152 = tpu.vector_load %arg6[%swap3A_150, %swap3A_151] {strides = array<i32>} : memref<5x128xi32, #tpu.memory_space<vmem>>, vector<16xi32>,
    tpu.vector_store %arg6[%swap3A_150, %swap3A_151], %add3A_148 {strides = array<i32>} : memref<5x128xi32, #tpu.memory_space<vmem>>, vector<16xi32>,
    %add3A_153 = arith.constant 336 : i32
    %add3A_154 = vector.broadcast %add3A_153 : i32 to vector<16xi32>
    %add3A_155 = arith.addi %add3A_154, %iota3A : vector<16xi32>
    %swap3A_156 = arith.constant 2 : i32
    %swap3A_157 = arith.index_cast %swap3A_156 : i32 to index
    %swap3A_158 = arith.constant 80 : index
    %swap3A_159 = tpu.vector_load %arg6[%swap3A_157, %swap3A_158] {strides = array<i32>} : memref<5x128xi32, #tpu.memory_space<vmem>>, vector<16xi32>,
    tpu.vector_store %arg6[%swap3A_157, %swap3A_158], %add3A_155 {strides = array<i32>} : memref<5x128xi32, #tpu.memory_space<vmem>>, vector<16xi32>,
    %add3A_160 = arith.constant 352 : i32
    %add3A_161 = vector.broadcast %add3A_160 : i32 to vector<16xi32>
    %add3A_162 = arith.addi %add3A_161, %iota3A : vector<16xi32>
    %swap3A_163 = arith.constant 2 : i32
    %swap3A_164 = arith.index_cast %swap3A_163 : i32 to index
    %swap3A_165 = arith.constant 96 : index
    %swap3A_166 = tpu.vector_load %arg6[%swap3A_164, %swap3A_165] {strides = array<i32>} : memref<5x128xi32, #tpu.memory_space<vmem>>, vector<16xi32>,
    tpu.vector_store %arg6[%swap3A_164, %swap3A_165], %add3A_162 {strides = array<i32>} : memref<5x128xi32, #tpu.memory_space<vmem>>, vector<16xi32>,
    %add3A_167 = arith.constant 368 : i32
    %add3A_168 = vector.broadcast %add3A_167 : i32 to vector<16xi32>
    %add3A_169 = arith.addi %add3A_168, %iota3A : vector<16xi32>
    %swap3A_170 = arith.constant 2 : i32
    %swap3A_171 = arith.index_cast %swap3A_170 : i32 to index
    %swap3A_172 = arith.constant 112 : index
    %swap3A_173 = tpu.vector_load %arg6[%swap3A_171, %swap3A_172] {strides = array<i32>} : memref<5x128xi32, #tpu.memory_space<vmem>>, vector<16xi32>,
    tpu.vector_store %arg6[%swap3A_171, %swap3A_172], %add3A_169 {strides = array<i32>} : memref<5x128xi32, #tpu.memory_space<vmem>>, vector<16xi32>,
    %add3A_174 = arith.constant 384 : i32
    %add3A_175 = vector.broadcast %add3A_174 : i32 to vector<16xi32>
    %add3A_176 = arith.addi %add3A_175, %iota3A : vector<16xi32>
    %swap3A_177 = arith.constant 3 : i32
    %swap3A_178 = arith.index_cast %swap3A_177 : i32 to index
    %swap3A_179 = arith.constant 0 : index
    %swap3A_180 = tpu.vector_load %arg6[%swap3A_178, %swap3A_179] {strides = array<i32>} : memref<5x128xi32, #tpu.memory_space<vmem>>, vector<16xi32>,
    tpu.vector_store %arg6[%swap3A_178, %swap3A_179], %add3A_176 {strides = array<i32>} : memref<5x128xi32, #tpu.memory_space<vmem>>, vector<16xi32>,
    %add3A_181 = arith.constant 400 : i32
    %add3A_182 = vector.broadcast %add3A_181 : i32 to vector<16xi32>
    %add3A_183 = arith.addi %add3A_182, %iota3A : vector<16xi32>
    %swap3A_184 = arith.constant 3 : i32
    %swap3A_185 = arith.index_cast %swap3A_184 : i32 to index
    %swap3A_186 = arith.constant 16 : index
    %swap3A_187 = tpu.vector_load %arg6[%swap3A_185, %swap3A_186] {strides = array<i32>} : memref<5x128xi32, #tpu.memory_space<vmem>>, vector<16xi32>,
    tpu.vector_store %arg6[%swap3A_185, %swap3A_186], %add3A_183 {strides = array<i32>} : memref<5x128xi32, #tpu.memory_space<vmem>>, vector<16xi32>,
    %add3A_188 = arith.constant 416 : i32
    %add3A_189 = vector.broadcast %add3A_188 : i32 to vector<16xi32>
    %add3A_190 = arith.addi %add3A_189, %iota3A : vector<16xi32>
    %swap3A_191 = arith.constant 3 : i32
    %swap3A_192 = arith.index_cast %swap3A_191 : i32 to index
    %swap3A_193 = arith.constant 32 : index
    %swap3A_194 = tpu.vector_load %arg6[%swap3A_192, %swap3A_193] {strides = array<i32>} : memref<5x128xi32, #tpu.memory_space<vmem>>, vector<16xi32>,
    tpu.vector_store %arg6[%swap3A_192, %swap3A_193], %add3A_190 {strides = array<i32>} : memref<5x128xi32, #tpu.memory_space<vmem>>, vector<16xi32>,
    %add3A_195 = arith.constant 432 : i32
    %add3A_196 = vector.broadcast %add3A_195 : i32 to vector<16xi32>
    %add3A_197 = arith.addi %add3A_196, %iota3A : vector<16xi32>
    %swap3A_198 = arith.constant 3 : i32
    %swap3A_199 = arith.index_cast %swap3A_198 : i32 to index
    %swap3A_200 = arith.constant 48 : index
    %swap3A_201 = tpu.vector_load %arg6[%swap3A_199, %swap3A_200] {strides = array<i32>} : memref<5x128xi32, #tpu.memory_space<vmem>>, vector<16xi32>,
    tpu.vector_store %arg6[%swap3A_199, %swap3A_200], %add3A_197 {strides = array<i32>} : memref<5x128xi32, #tpu.memory_space<vmem>>, vector<16xi32>,
    %add3A_202 = arith.constant 448 : i32
    %add3A_203 = vector.broadcast %add3A_202 : i32 to vector<16xi32>
    %add3A_204 = arith.addi %add3A_203, %iota3A : vector<16xi32>
    %swap3A_205 = arith.constant 3 : i32
    %swap3A_206 = arith.index_cast %swap3A_205 : i32 to index
    %swap3A_207 = arith.constant 64 : index
    %swap3A_208 = tpu.vector_load %arg6[%swap3A_206, %swap3A_207] {strides = array<i32>} : memref<5x128xi32, #tpu.memory_space<vmem>>, vector<16xi32>,
    tpu.vector_store %arg6[%swap3A_206, %swap3A_207], %add3A_204 {strides = array<i32>} : memref<5x128xi32, #tpu.memory_space<vmem>>, vector<16xi32>,
    %add3A_209 = arith.constant 464 : i32
    %add3A_210 = vector.broadcast %add3A_209 : i32 to vector<16xi32>
    %add3A_211 = arith.addi %add3A_210, %iota3A : vector<16xi32>
    %swap3A_212 = arith.constant 3 : i32
    %swap3A_213 = arith.index_cast %swap3A_212 : i32 to index
    %swap3A_214 = arith.constant 80 : index
    %swap3A_215 = tpu.vector_load %arg6[%swap3A_213, %swap3A_214] {strides = array<i32>} : memref<5x128xi32, #tpu.memory_space<vmem>>, vector<16xi32>,
    tpu.vector_store %arg6[%swap3A_213, %swap3A_214], %add3A_211 {strides = array<i32>} : memref<5x128xi32, #tpu.memory_space<vmem>>, vector<16xi32>,
    %add3A_216 = arith.constant 480 : i32
    %add3A_217 = vector.broadcast %add3A_216 : i32 to vector<16xi32>
    %add3A_218 = arith.addi %add3A_217, %iota3A : vector<16xi32>
    %swap3A_219 = arith.constant 3 : i32
    %swap3A_220 = arith.index_cast %swap3A_219 : i32 to index
    %swap3A_221 = arith.constant 96 : index
    %swap3A_222 = tpu.vector_load %arg6[%swap3A_220, %swap3A_221] {strides = array<i32>} : memref<5x128xi32, #tpu.memory_space<vmem>>, vector<16xi32>,
    tpu.vector_store %arg6[%swap3A_220, %swap3A_221], %add3A_218 {strides = array<i32>} : memref<5x128xi32, #tpu.memory_space<vmem>>, vector<16xi32>,
    %add3A_223 = arith.constant 496 : i32
    %add3A_224 = vector.broadcast %add3A_223 : i32 to vector<16xi32>
    %add3A_225 = arith.addi %add3A_224, %iota3A : vector<16xi32>
    %swap3A_226 = arith.constant 3 : i32
    %swap3A_227 = arith.index_cast %swap3A_226 : i32 to index
    %swap3A_228 = arith.constant 112 : index
    %swap3A_229 = tpu.vector_load %arg6[%swap3A_227, %swap3A_228] {strides = array<i32>} : memref<5x128xi32, #tpu.memory_space<vmem>>, vector<16xi32>,
    tpu.vector_store %arg6[%swap3A_227, %swap3A_228], %add3A_225 {strides = array<i32>} : memref<5x128xi32, #tpu.memory_space<vmem>>, vector<16xi32>,
    %add3A_230 = arith.constant 512 : i32
    %add3A_231 = vector.broadcast %add3A_230 : i32 to vector<16xi32>
    %add3A_232 = arith.addi %add3A_231, %iota3A : vector<16xi32>
    %swap3A_233 = arith.constant 4 : i32
    %swap3A_234 = arith.index_cast %swap3A_233 : i32 to index
    %swap3A_235 = arith.constant 0 : index
    %swap3A_236 = tpu.vector_load %arg6[%swap3A_234, %swap3A_235] {strides = array<i32>} : memref<5x128xi32, #tpu.memory_space<vmem>>, vector<16xi32>,
    tpu.vector_store %arg6[%swap3A_234, %swap3A_235], %add3A_232 {strides = array<i32>} : memref<5x128xi32, #tpu.memory_space<vmem>>, vector<16xi32>,
    %add3A_237 = arith.constant 528 : i32
    %add3A_238 = vector.broadcast %add3A_237 : i32 to vector<16xi32>
    %add3A_239 = arith.addi %add3A_238, %iota3A : vector<16xi32>
    %swap3A_240 = arith.constant 4 : i32
    %swap3A_241 = arith.index_cast %swap3A_240 : i32 to index
    %swap3A_242 = arith.constant 16 : index
    %swap3A_243 = tpu.vector_load %arg6[%swap3A_241, %swap3A_242] {strides = array<i32>} : memref<5x128xi32, #tpu.memory_space<vmem>>, vector<16xi32>,
    tpu.vector_store %arg6[%swap3A_241, %swap3A_242], %add3A_239 {strides = array<i32>} : memref<5x128xi32, #tpu.memory_space<vmem>>, vector<16xi32>,
    %add3A_244 = arith.constant 544 : i32
    %add3A_245 = vector.broadcast %add3A_244 : i32 to vector<16xi32>
    %add3A_246 = arith.addi %add3A_245, %iota3A : vector<16xi32>
    %swap3A_247 = arith.constant 4 : i32
    %swap3A_248 = arith.index_cast %swap3A_247 : i32 to index
    %swap3A_249 = arith.constant 32 : index
    %swap3A_250 = tpu.vector_load %arg6[%swap3A_248, %swap3A_249] {strides = array<i32>} : memref<5x128xi32, #tpu.memory_space<vmem>>, vector<16xi32>,
    tpu.vector_store %arg6[%swap3A_248, %swap3A_249], %add3A_246 {strides = array<i32>} : memref<5x128xi32, #tpu.memory_space<vmem>>, vector<16xi32>,
    %add3A_251 = arith.constant 560 : i32
    %add3A_252 = vector.broadcast %add3A_251 : i32 to vector<16xi32>
    %add3A_253 = arith.addi %add3A_252, %iota3A : vector<16xi32>
    %swap3A_254 = arith.constant 4 : i32
    %swap3A_255 = arith.index_cast %swap3A_254 : i32 to index
    %swap3A_256 = arith.constant 48 : index
    %swap3A_257 = tpu.vector_load %arg6[%swap3A_255, %swap3A_256] {strides = array<i32>} : memref<5x128xi32, #tpu.memory_space<vmem>>, vector<16xi32>,
    tpu.vector_store %arg6[%swap3A_255, %swap3A_256], %add3A_253 {strides = array<i32>} : memref<5x128xi32, #tpu.memory_space<vmem>>, vector<16xi32>,
    %add3A_258 = arith.constant 576 : i32
    %add3A_259 = vector.broadcast %add3A_258 : i32 to vector<16xi32>
    %add3A_260 = arith.addi %add3A_259, %iota3A : vector<16xi32>
    %swap3A_261 = arith.constant 4 : i32
    %swap3A_262 = arith.index_cast %swap3A_261 : i32 to index
    %swap3A_263 = arith.constant 64 : index
    %swap3A_264 = tpu.vector_load %arg6[%swap3A_262, %swap3A_263] {strides = array<i32>} : memref<5x128xi32, #tpu.memory_space<vmem>>, vector<16xi32>,
    tpu.vector_store %arg6[%swap3A_262, %swap3A_263], %add3A_260 {strides = array<i32>} : memref<5x128xi32, #tpu.memory_space<vmem>>, vector<16xi32>,
    %add3A_265 = arith.constant 592 : i32
    %add3A_266 = vector.broadcast %add3A_265 : i32 to vector<16xi32>
    %add3A_267 = arith.addi %add3A_266, %iota3A : vector<16xi32>
    %swap3A_268 = arith.constant 4 : i32
    %swap3A_269 = arith.index_cast %swap3A_268 : i32 to index
    %swap3A_270 = arith.constant 80 : index
    %swap3A_271 = tpu.vector_load %arg6[%swap3A_269, %swap3A_270] {strides = array<i32>} : memref<5x128xi32, #tpu.memory_space<vmem>>, vector<16xi32>,
    tpu.vector_store %arg6[%swap3A_269, %swap3A_270], %add3A_267 {strides = array<i32>} : memref<5x128xi32, #tpu.memory_space<vmem>>, vector<16xi32>,
    %add3A_272 = arith.constant 608 : i32
    %add3A_273 = vector.broadcast %add3A_272 : i32 to vector<16xi32>
    %add3A_274 = arith.addi %add3A_273, %iota3A : vector<16xi32>
    %swap3A_275 = arith.constant 4 : i32
    %swap3A_276 = arith.index_cast %swap3A_275 : i32 to index
    %swap3A_277 = arith.constant 96 : index
    %swap3A_278 = tpu.vector_load %arg6[%swap3A_276, %swap3A_277] {strides = array<i32>} : memref<5x128xi32, #tpu.memory_space<vmem>>, vector<16xi32>,
    tpu.vector_store %arg6[%swap3A_276, %swap3A_277], %add3A_274 {strides = array<i32>} : memref<5x128xi32, #tpu.memory_space<vmem>>, vector<16xi32>,
    %add3A_279 = arith.constant 624 : i32
    %add3A_280 = vector.broadcast %add3A_279 : i32 to vector<16xi32>
    %add3A_281 = arith.addi %add3A_280, %iota3A : vector<16xi32>
    %swap3A_282 = arith.constant 4 : i32
    %swap3A_283 = arith.index_cast %swap3A_282 : i32 to index
    %swap3A_284 = arith.constant 112 : index
    %swap3A_285 = tpu.vector_load %arg6[%swap3A_283, %swap3A_284] {strides = array<i32>} : memref<5x128xi32, #tpu.memory_space<vmem>>, vector<16xi32>,
    tpu.vector_store %arg6[%swap3A_283, %swap3A_284], %add3A_281 {strides = array<i32>} : memref<5x128xi32, #tpu.memory_space<vmem>>, vector<16xi32>,
    %mul3A_286 = arith.constant 40 : i32
    %mul3A_287 = arith.muli %arg1, %mul3A_286 : i32
    %mul3A_288 = arith.constant 40 : i32
    %mul3A_289 = arith.muli %arg1, %mul3A_288 : i32
    "tpu.region"() ({
      %run_scoped3A_307 = tpu.sem_alloc : memref<!tpu.dma_semaphore, #tpu.memory_space<semaphore_mem>>
      %dma_start3A = arith.constant 0 : i32
      %dma_start3A_308 = tpu.memref_slice %arg5[%mul3A_287, %dma_start3A] : memref<640x16xf32, #tpu.memory_space<vmem>> -> memref<40x16xf32, #tpu.memory_space<vmem>>
      %dma_start3A_309 = arith.constant 0 : i32
      %dma_start3A_310 = tpu.memref_slice %arg7[%mul3A_289, %dma_start3A_309] : memref<640x16xf32, #tpu.memory_space<vmem_shared>> -> memref<40x16xf32, #tpu.memory_space<vmem_shared>>
      %dma_start3A_311 = arith.constant 0 : i32
      %dma_start3A_312 = tpu.memref_slice %arg7[%mul3A_289, %dma_start3A_311] : memref<640x16xf32, #tpu.memory_space<vmem_shared>> -> memref<40x16xf32, #tpu.memory_space<vmem_shared>>
      %dma_start3A_313 = arith.constant 0 : i32
      %dma_start3A_314 = tpu.memref_slice %arg5[%mul3A_287, %dma_start3A_313] : memref<640x16xf32, #tpu.memory_space<vmem>> -> memref<40x16xf32, #tpu.memory_space<vmem>>
      tpu.enqueue_dma source(%dma_start3A_314 : memref<40x16xf32, #tpu.memory_space<vmem>>) target(%dma_start3A_312 : memref<40x16xf32, #tpu.memory_space<vmem_shared>>) target_semaphore(%run_scoped3A_307 : memref<!tpu.dma_semaphore, #tpu.memory_space<semaphore_mem>>)
      %dma_wait3A = arith.constant 0 : i32
      %dma_wait3A_315 = tpu.memref_slice %arg5[%mul3A_287, %dma_wait3A] : memref<640x16xf32, #tpu.memory_space<vmem>> -> memref<40x16xf32, #tpu.memory_space<vmem>>
      %dma_wait3A_316 = arith.constant 0 : i32
      %dma_wait3A_317 = tpu.memref_slice %arg7[%mul3A_289, %dma_wait3A_316] : memref<640x16xf32, #tpu.memory_space<vmem_shared>> -> memref<40x16xf32, #tpu.memory_space<vmem_shared>>
      %dma_wait3A_318 = arith.constant 0 : i32
      %dma_wait3A_319 = tpu.memref_slice %arg7[%mul3A_289, %dma_wait3A_318] : memref<640x16xf32, #tpu.memory_space<vmem_shared>> -> memref<40x16xf32, #tpu.memory_space<vmem_shared>>
      %dma_wait3A_320 = arith.constant 0 : i32
      %dma_wait3A_321 = tpu.memref_slice %arg5[%mul3A_287, %dma_wait3A_320] : memref<640x16xf32, #tpu.memory_space<vmem>> -> memref<40x16xf32, #tpu.memory_space<vmem>>
      tpu.wait_dma2 semaphore(%run_scoped3A_307 : memref<!tpu.dma_semaphore, #tpu.memory_space<semaphore_mem>>) src(%dma_wait3A_321 : memref<40x16xf32, #tpu.memory_space<vmem>>) dst(%dma_wait3A_319 : memref<40x16xf32, #tpu.memory_space<vmem_shared>>)
      tpu.yield
    }) : () -> ()
    %barrier3A = arith.constant 0 : index
    tpu.barrier barrier_id(%barrier3A)
    %broadcast_in_dim3A_290 = arith.constant 1.000000e+00 : f32
    %broadcast_in_dim3A_291 = vector.broadcast %broadcast_in_dim3A_290 : f32 to vector<16xf32>
    %scan3A_292 = arith.constant 0 : i32
    %scan3A_293 = arith.constant 0 : i32
    %scan3A_294 = arith.constant 640 : i32
    %scan3A_295 = arith.addi %scan3A_293, %scan3A_294 : i32
    %scan3A_296 = arith.constant 1 : i32
    scf.for %scan3A_307 = %scan3A_293 to %scan3A_295 step %scan3A_296  : i32 {
      %mul3A_308 = arith.constant 16 : i32
      %mul3A_309 = arith.muli %scan3A_307, %mul3A_308 : i32
      %get3A = arith.index_cast %mul3A_309 : i32 to index
      %get3A_310 = tpu.vector_load %arg4[%get3A] {strides = array<i32>} : memref<10240xi32, #tpu.memory_space<vmem>>, vector<16xi32>,
      %shift_right_logical3A = arith.constant 4 : i32
      %shift_right_logical3A_311 = vector.broadcast %shift_right_logical3A : i32 to vector<16xi32>
      %shift_right_logical3A_312 = arith.shrui %get3A_310, %shift_right_logical3A_311 : vector<16xi32>
      %and3A = arith.constant 15 : i32
      %and3A_313 = vector.broadcast %and3A : i32 to vector<16xi32>
      %and3A_314 = arith.andi %get3A_310, %and3A_313 : vector<16xi32>
      tpu.vector_store_idx %arg5[%shift_right_logical3A_312, %and3A_314], %broadcast_in_dim3A_291 {add = true} : memref<640x16xf32, #tpu.memory_space<vmem>>[vector<16xi32>, vector<16xi32>], vector<16xf32>,
    }
    %scan3A_297 = arith.constant 640 : i32
    %run_scoped3A = arith.constant 0 : i32
    "tpu.region"() ({
      %run_scoped3A_307 = tpu.sem_alloc : memref<!tpu.dma_semaphore, #tpu.memory_space<semaphore_mem>>
      %dma_start3A = arith.constant 0 : i32
      %dma_start3A_308 = arith.constant 0 : i32
      %dma_start3A_309 = tpu.memref_slice %arg5[%dma_start3A, %dma_start3A_308] : memref<640x16xf32, #tpu.memory_space<vmem>> -> memref<128x16xf32, #tpu.memory_space<vmem>>
      %dma_start3A_310 = arith.constant 0 : i32
      %dma_start3A_311 = tpu.memref_slice %arg6[%run_scoped3A, %dma_start3A_310] : memref<5x128xi32, #tpu.memory_space<vmem>> -> memref<1x128xi32, #tpu.memory_space<vmem>>
      %dma_start3A_312 = tpu.memref_squeeze %dma_start3A_311 : memref<1x128xi32, #tpu.memory_space<vmem>> -> memref<128xi32, #tpu.memory_space<vmem>>
      %dma_start3A_313 = arith.constant 0 : i32
      %dma_start3A_314 = arith.constant 0 : i32
      %dma_start3A_315 = tpu.memref_slice %arg7[%dma_start3A_313, %dma_start3A_314] : memref<640x16xf32, #tpu.memory_space<vmem_shared>> -> memref<640x16xf32, #tpu.memory_space<vmem_shared>>
      tpu.enqueue_indirect_dma source(%dma_start3A_309 : memref<128x16xf32, #tpu.memory_space<vmem>>) target(%dma_start3A_315 : memref<640x16xf32, #tpu.memory_space<vmem_shared>>) offsets(%dma_start3A_312 : memref<128xi32, #tpu.memory_space<vmem>>) semaphore(%run_scoped3A_307 : memref<!tpu.dma_semaphore, #tpu.memory_space<semaphore_mem>>) {add = true}
      %dma_wait3A = arith.constant 0 : i32
      %dma_wait3A_316 = arith.constant 0 : i32
      %dma_wait3A_317 = tpu.memref_slice %arg5[%dma_wait3A, %dma_wait3A_316] : memref<640x16xf32, #tpu.memory_space<vmem>> -> memref<128x16xf32, #tpu.memory_space<vmem>>
      %dma_wait3A_318 = arith.constant 0 : i32
      %dma_wait3A_319 = tpu.memref_slice %arg6[%run_scoped3A, %dma_wait3A_318] : memref<5x128xi32, #tpu.memory_space<vmem>> -> memref<1x128xi32, #tpu.memory_space<vmem>>
      %dma_wait3A_320 = tpu.memref_squeeze %dma_wait3A_319 : memref<1x128xi32, #tpu.memory_space<vmem>> -> memref<128xi32, #tpu.memory_space<vmem>>
      %dma_wait3A_321 = arith.constant 0 : i32
      %dma_wait3A_322 = arith.constant 0 : i32
      %dma_wait3A_323 = tpu.memref_slice %arg7[%dma_wait3A_321, %dma_wait3A_322] : memref<640x16xf32, #tpu.memory_space<vmem_shared>> -> memref<640x16xf32, #tpu.memory_space<vmem_shared>>
      tpu.wait_indirect_dma semaphore(%run_scoped3A_307 : memref<!tpu.dma_semaphore, #tpu.memory_space<semaphore_mem>>) src(%dma_wait3A_317 : memref<128x16xf32, #tpu.memory_space<vmem>>) dst(%dma_wait3A_323 : memref<640x16xf32, #tpu.memory_space<vmem_shared>>)
      tpu.yield
    }) : () -> ()
    %run_scoped3A_298 = arith.constant 1 : i32
    "tpu.region"() ({
      %run_scoped3A_307 = tpu.sem_alloc : memref<!tpu.dma_semaphore, #tpu.memory_space<semaphore_mem>>
      %dma_start3A = arith.constant 128 : i32
      %dma_start3A_308 = arith.constant 0 : i32
      %dma_start3A_309 = tpu.memref_slice %arg5[%dma_start3A, %dma_start3A_308] : memref<640x16xf32, #tpu.memory_space<vmem>> -> memref<128x16xf32, #tpu.memory_space<vmem>>
      %dma_start3A_310 = arith.constant 0 : i32
      %dma_start3A_311 = tpu.memref_slice %arg6[%run_scoped3A_298, %dma_start3A_310] : memref<5x128xi32, #tpu.memory_space<vmem>> -> memref<1x128xi32, #tpu.memory_space<vmem>>
      %dma_start3A_312 = tpu.memref_squeeze %dma_start3A_311 : memref<1x128xi32, #tpu.memory_space<vmem>> -> memref<128xi32, #tpu.memory_space<vmem>>
      %dma_start3A_313 = arith.constant 0 : i32
      %dma_start3A_314 = arith.constant 0 : i32
      %dma_start3A_315 = tpu.memref_slice %arg7[%dma_start3A_313, %dma_start3A_314] : memref<640x16xf32, #tpu.memory_space<vmem_shared>> -> memref<640x16xf32, #tpu.memory_space<vmem_shared>>
      tpu.enqueue_indirect_dma source(%dma_start3A_309 : memref<128x16xf32, #tpu.memory_space<vmem>>) target(%dma_start3A_315 : memref<640x16xf32, #tpu.memory_space<vmem_shared>>) offsets(%dma_start3A_312 : memref<128xi32, #tpu.memory_space<vmem>>) semaphore(%run_scoped3A_307 : memref<!tpu.dma_semaphore, #tpu.memory_space<semaphore_mem>>) {add = true}
      %dma_wait3A = arith.constant 128 : i32
      %dma_wait3A_316 = arith.constant 0 : i32
      %dma_wait3A_317 = tpu.memref_slice %arg5[%dma_wait3A, %dma_wait3A_316] : memref<640x16xf32, #tpu.memory_space<vmem>> -> memref<128x16xf32, #tpu.memory_space<vmem>>
      %dma_wait3A_318 = arith.constant 0 : i32
      %dma_wait3A_319 = tpu.memref_slice %arg6[%run_scoped3A_298, %dma_wait3A_318] : memref<5x128xi32, #tpu.memory_space<vmem>> -> memref<1x128xi32, #tpu.memory_space<vmem>>
      %dma_wait3A_320 = tpu.memref_squeeze %dma_wait3A_319 : memref<1x128xi32, #tpu.memory_space<vmem>> -> memref<128xi32, #tpu.memory_space<vmem>>
      %dma_wait3A_321 = arith.constant 0 : i32
      %dma_wait3A_322 = arith.constant 0 : i32
      %dma_wait3A_323 = tpu.memref_slice %arg7[%dma_wait3A_321, %dma_wait3A_322] : memref<640x16xf32, #tpu.memory_space<vmem_shared>> -> memref<640x16xf32, #tpu.memory_space<vmem_shared>>
      tpu.wait_indirect_dma semaphore(%run_scoped3A_307 : memref<!tpu.dma_semaphore, #tpu.memory_space<semaphore_mem>>) src(%dma_wait3A_317 : memref<128x16xf32, #tpu.memory_space<vmem>>) dst(%dma_wait3A_323 : memref<640x16xf32, #tpu.memory_space<vmem_shared>>)
      tpu.yield
    }) : () -> ()
    %run_scoped3A_299 = arith.constant 2 : i32
    "tpu.region"() ({
      %run_scoped3A_307 = tpu.sem_alloc : memref<!tpu.dma_semaphore, #tpu.memory_space<semaphore_mem>>
      %dma_start3A = arith.constant 256 : i32
      %dma_start3A_308 = arith.constant 0 : i32
      %dma_start3A_309 = tpu.memref_slice %arg5[%dma_start3A, %dma_start3A_308] : memref<640x16xf32, #tpu.memory_space<vmem>> -> memref<128x16xf32, #tpu.memory_space<vmem>>
      %dma_start3A_310 = arith.constant 0 : i32
      %dma_start3A_311 = tpu.memref_slice %arg6[%run_scoped3A_299, %dma_start3A_310] : memref<5x128xi32, #tpu.memory_space<vmem>> -> memref<1x128xi32, #tpu.memory_space<vmem>>
      %dma_start3A_312 = tpu.memref_squeeze %dma_start3A_311 : memref<1x128xi32, #tpu.memory_space<vmem>> -> memref<128xi32, #tpu.memory_space<vmem>>
      %dma_start3A_313 = arith.constant 0 : i32
      %dma_start3A_314 = arith.constant 0 : i32
      %dma_start3A_315 = tpu.memref_slice %arg7[%dma_start3A_313, %dma_start3A_314] : memref<640x16xf32, #tpu.memory_space<vmem_shared>> -> memref<640x16xf32, #tpu.memory_space<vmem_shared>>
      tpu.enqueue_indirect_dma source(%dma_start3A_309 : memref<128x16xf32, #tpu.memory_space<vmem>>) target(%dma_start3A_315 : memref<640x16xf32, #tpu.memory_space<vmem_shared>>) offsets(%dma_start3A_312 : memref<128xi32, #tpu.memory_space<vmem>>) semaphore(%run_scoped3A_307 : memref<!tpu.dma_semaphore, #tpu.memory_space<semaphore_mem>>) {add = true}
      %dma_wait3A = arith.constant 256 : i32
      %dma_wait3A_316 = arith.constant 0 : i32
      %dma_wait3A_317 = tpu.memref_slice %arg5[%dma_wait3A, %dma_wait3A_316] : memref<640x16xf32, #tpu.memory_space<vmem>> -> memref<128x16xf32, #tpu.memory_space<vmem>>
      %dma_wait3A_318 = arith.constant 0 : i32
      %dma_wait3A_319 = tpu.memref_slice %arg6[%run_scoped3A_299, %dma_wait3A_318] : memref<5x128xi32, #tpu.memory_space<vmem>> -> memref<1x128xi32, #tpu.memory_space<vmem>>
      %dma_wait3A_320 = tpu.memref_squeeze %dma_wait3A_319 : memref<1x128xi32, #tpu.memory_space<vmem>> -> memref<128xi32, #tpu.memory_space<vmem>>
      %dma_wait3A_321 = arith.constant 0 : i32
      %dma_wait3A_322 = arith.constant 0 : i32
      %dma_wait3A_323 = tpu.memref_slice %arg7[%dma_wait3A_321, %dma_wait3A_322] : memref<640x16xf32, #tpu.memory_space<vmem_shared>> -> memref<640x16xf32, #tpu.memory_space<vmem_shared>>
      tpu.wait_indirect_dma semaphore(%run_scoped3A_307 : memref<!tpu.dma_semaphore, #tpu.memory_space<semaphore_mem>>) src(%dma_wait3A_317 : memref<128x16xf32, #tpu.memory_space<vmem>>) dst(%dma_wait3A_323 : memref<640x16xf32, #tpu.memory_space<vmem_shared>>)
      tpu.yield
    }) : () -> ()
    %run_scoped3A_300 = arith.constant 3 : i32
    "tpu.region"() ({
      %run_scoped3A_307 = tpu.sem_alloc : memref<!tpu.dma_semaphore, #tpu.memory_space<semaphore_mem>>
      %dma_start3A = arith.constant 384 : i32
      %dma_start3A_308 = arith.constant 0 : i32
      %dma_start3A_309 = tpu.memref_slice %arg5[%dma_start3A, %dma_start3A_308] : memref<640x16xf32, #tpu.memory_space<vmem>> -> memref<128x16xf32, #tpu.memory_space<vmem>>
      %dma_start3A_310 = arith.constant 0 : i32
      %dma_start3A_311 = tpu.memref_slice %arg6[%run_scoped3A_300, %dma_start3A_310] : memref<5x128xi32, #tpu.memory_space<vmem>> -> memref<1x128xi32, #tpu.memory_space<vmem>>
      %dma_start3A_312 = tpu.memref_squeeze %dma_start3A_311 : memref<1x128xi32, #tpu.memory_space<vmem>> -> memref<128xi32, #tpu.memory_space<vmem>>
      %dma_start3A_313 = arith.constant 0 : i32
      %dma_start3A_314 = arith.constant 0 : i32
      %dma_start3A_315 = tpu.memref_slice %arg7[%dma_start3A_313, %dma_start3A_314] : memref<640x16xf32, #tpu.memory_space<vmem_shared>> -> memref<640x16xf32, #tpu.memory_space<vmem_shared>>
      tpu.enqueue_indirect_dma source(%dma_start3A_309 : memref<128x16xf32, #tpu.memory_space<vmem>>) target(%dma_start3A_315 : memref<640x16xf32, #tpu.memory_space<vmem_shared>>) offsets(%dma_start3A_312 : memref<128xi32, #tpu.memory_space<vmem>>) semaphore(%run_scoped3A_307 : memref<!tpu.dma_semaphore, #tpu.memory_space<semaphore_mem>>) {add = true}
      %dma_wait3A = arith.constant 384 : i32
      %dma_wait3A_316 = arith.constant 0 : i32
      %dma_wait3A_317 = tpu.memref_slice %arg5[%dma_wait3A, %dma_wait3A_316] : memref<640x16xf32, #tpu.memory_space<vmem>> -> memref<128x16xf32, #tpu.memory_space<vmem>>
      %dma_wait3A_318 = arith.constant 0 : i32
      %dma_wait3A_319 = tpu.memref_slice %arg6[%run_scoped3A_300, %dma_wait3A_318] : memref<5x128xi32, #tpu.memory_space<vmem>> -> memref<1x128xi32, #tpu.memory_space<vmem>>
      %dma_wait3A_320 = tpu.memref_squeeze %dma_wait3A_319 : memref<1x128xi32, #tpu.memory_space<vmem>> -> memref<128xi32, #tpu.memory_space<vmem>>
      %dma_wait3A_321 = arith.constant 0 : i32
      %dma_wait3A_322 = arith.constant 0 : i32
      %dma_wait3A_323 = tpu.memref_slice %arg7[%dma_wait3A_321, %dma_wait3A_322] : memref<640x16xf32, #tpu.memory_space<vmem_shared>> -> memref<640x16xf32, #tpu.memory_space<vmem_shared>>
      tpu.wait_indirect_dma semaphore(%run_scoped3A_307 : memref<!tpu.dma_semaphore, #tpu.memory_space<semaphore_mem>>) src(%dma_wait3A_317 : memref<128x16xf32, #tpu.memory_space<vmem>>) dst(%dma_wait3A_323 : memref<640x16xf32, #tpu.memory_space<vmem_shared>>)
      tpu.yield
    }) : () -> ()
    %run_scoped3A_301 = arith.constant 4 : i32
    "tpu.region"() ({
      %run_scoped3A_307 = tpu.sem_alloc : memref<!tpu.dma_semaphore, #tpu.memory_space<semaphore_mem>>
      %dma_start3A = arith.constant 512 : i32
      %dma_start3A_308 = arith.constant 0 : i32
      %dma_start3A_309 = tpu.memref_slice %arg5[%dma_start3A, %dma_start3A_308] : memref<640x16xf32, #tpu.memory_space<vmem>> -> memref<128x16xf32, #tpu.memory_space<vmem>>
      %dma_start3A_310 = arith.constant 0 : i32
      %dma_start3A_311 = tpu.memref_slice %arg6[%run_scoped3A_301, %dma_start3A_310] : memref<5x128xi32, #tpu.memory_space<vmem>> -> memref<1x128xi32, #tpu.memory_space<vmem>>
      %dma_start3A_312 = tpu.memref_squeeze %dma_start3A_311 : memref<1x128xi32, #tpu.memory_space<vmem>> -> memref<128xi32, #tpu.memory_space<vmem>>
      %dma_start3A_313 = arith.constant 0 : i32
      %dma_start3A_314 = arith.constant 0 : i32
      %dma_start3A_315 = tpu.memref_slice %arg7[%dma_start3A_313, %dma_start3A_314] : memref<640x16xf32, #tpu.memory_space<vmem_shared>> -> memref<640x16xf32, #tpu.memory_space<vmem_shared>>
      tpu.enqueue_indirect_dma source(%dma_start3A_309 : memref<128x16xf32, #tpu.memory_space<vmem>>) target(%dma_start3A_315 : memref<640x16xf32, #tpu.memory_space<vmem_shared>>) offsets(%dma_start3A_312 : memref<128xi32, #tpu.memory_space<vmem>>) semaphore(%run_scoped3A_307 : memref<!tpu.dma_semaphore, #tpu.memory_space<semaphore_mem>>) {add = true}
      %dma_wait3A = arith.constant 512 : i32
      %dma_wait3A_316 = arith.constant 0 : i32
      %dma_wait3A_317 = tpu.memref_slice %arg5[%dma_wait3A, %dma_wait3A_316] : memref<640x16xf32, #tpu.memory_space<vmem>> -> memref<128x16xf32, #tpu.memory_space<vmem>>
      %dma_wait3A_318 = arith.constant 0 : i32
      %dma_wait3A_319 = tpu.memref_slice %arg6[%run_scoped3A_301, %dma_wait3A_318] : memref<5x128xi32, #tpu.memory_space<vmem>> -> memref<1x128xi32, #tpu.memory_space<vmem>>
      %dma_wait3A_320 = tpu.memref_squeeze %dma_wait3A_319 : memref<1x128xi32, #tpu.memory_space<vmem>> -> memref<128xi32, #tpu.memory_space<vmem>>
      %dma_wait3A_321 = arith.constant 0 : i32
      %dma_wait3A_322 = arith.constant 0 : i32
      %dma_wait3A_323 = tpu.memref_slice %arg7[%dma_wait3A_321, %dma_wait3A_322] : memref<640x16xf32, #tpu.memory_space<vmem_shared>> -> memref<640x16xf32, #tpu.memory_space<vmem_shared>>
      tpu.wait_indirect_dma semaphore(%run_scoped3A_307 : memref<!tpu.dma_semaphore, #tpu.memory_space<semaphore_mem>>) src(%dma_wait3A_317 : memref<128x16xf32, #tpu.memory_space<vmem>>) dst(%dma_wait3A_323 : memref<640x16xf32, #tpu.memory_space<vmem_shared>>)
      tpu.yield
    }) : () -> ()
    %barrier3A_302 = arith.constant 0 : index
    tpu.barrier barrier_id(%barrier3A_302)
    %mul3A_303 = arith.constant 40 : i32
    %mul3A_304 = arith.muli %arg1, %mul3A_303 : i32
    %mul3A_305 = arith.constant 40 : i32
    %mul3A_306 = arith.muli %arg1, %mul3A_305 : i32
    "tpu.region"() ({
      %run_scoped3A_307 = tpu.sem_alloc : memref<!tpu.dma_semaphore, #tpu.memory_space<semaphore_mem>>
      %dma_start3A = arith.constant 0 : i32
      %dma_start3A_308 = tpu.memref_slice %arg3[%arg0, %mul3A_306, %dma_start3A] : memref<2x640x16xf32, #tpu.memory_space<hbm>> -> memref<1x40x16xf32, #tpu.memory_space<hbm>>
      %dma_start3A_309 = tpu.memref_squeeze %dma_start3A_308 : memref<1x40x16xf32, #tpu.memory_space<hbm>> -> memref<40x16xf32, #tpu.memory_space<hbm>>
      %dma_start3A_310 = arith.constant 0 : i32
      %dma_start3A_311 = tpu.memref_slice %arg7[%mul3A_304, %dma_start3A_310] : memref<640x16xf32, #tpu.memory_space<vmem_shared>> -> memref<40x16xf32, #tpu.memory_space<vmem_shared>>
      tpu.enqueue_dma source(%dma_start3A_311 : memref<40x16xf32, #tpu.memory_space<vmem_shared>>) target(%dma_start3A_309 : memref<40x16xf32, #tpu.memory_space<hbm>>) target_semaphore(%run_scoped3A_307 : memref<!tpu.dma_semaphore, #tpu.memory_space<semaphore_mem>>)
      %dma_wait3A = arith.constant 0 : i32
      %dma_wait3A_312 = tpu.memref_slice %arg3[%arg0, %mul3A_306, %dma_wait3A] : memref<2x640x16xf32, #tpu.memory_space<hbm>> -> memref<1x40x16xf32, #tpu.memory_space<hbm>>
      %dma_wait3A_313 = tpu.memref_squeeze %dma_wait3A_312 : memref<1x40x16xf32, #tpu.memory_space<hbm>> -> memref<40x16xf32, #tpu.memory_space<hbm>>
      %dma_wait3A_314 = arith.constant 0 : i32
      %dma_wait3A_315 = tpu.memref_slice %arg7[%mul3A_304, %dma_wait3A_314] : memref<640x16xf32, #tpu.memory_space<vmem_shared>> -> memref<40x16xf32, #tpu.memory_space<vmem_shared>>
      tpu.wait_dma2 semaphore(%run_scoped3A_307 : memref<!tpu.dma_semaphore, #tpu.memory_space<semaphore_mem>>) src(%dma_wait3A_315 : memref<40x16xf32, #tpu.memory_space<vmem_shared>>) dst(%dma_wait3A_313 : memref<40x16xf32, #tpu.memory_space<hbm>>)
      tpu.yield
    }) : () -> ()
    return
  }
}

#map = affine_map<(d0, d1) -> (0, 0)>
#map1 = affine_map<(d0, d1) -> (0, 0, 0)>
module attributes {stable_mosaic.version = 14 : i64} {
  func.func @_prop_body(%arg0: i32, %arg1: i32, %arg2: memref<10000x64xf32, #tpu.memory_space<hbm>>, %arg3: memref<32x80x128xi32, #tpu.memory_space<hbm>>, %arg4: memref<32x80x128xi32, #tpu.memory_space<hbm>>, %arg5: memref<2x10000x64xf32, #tpu.memory_space<hbm>>, %arg6: memref<80x128xi32, #tpu.memory_space<vmem>>, %arg7: memref<80x128xi32, #tpu.memory_space<vmem>>, %arg8: memref<4x128x64xf32, #tpu.memory_space<vmem>>, %arg9: memref<128x64xf32, #tpu.memory_space<vmem>>, %arg10: memref<10240x64xf32, #tpu.memory_space<vmem_shared>>, %arg11: memref<!tpu.dma_semaphore, #tpu.memory_space<semaphore_mem>>, %arg12: memref<!tpu.dma_semaphore, #tpu.memory_space<semaphore_mem>>, %arg13: memref<!tpu.dma_semaphore, #tpu.memory_space<semaphore_mem>>, %arg14: memref<!tpu.dma_semaphore, #tpu.memory_space<semaphore_mem>>) attributes {dimension_semantics = [#tpu.dimension_semantics<core_parallel>, #tpu.dimension_semantics<subcore_parallel>], iteration_bounds = array<i64: 2, 16>, scalar_prefetch = 0 : i64, scratch_operands = 9 : i64, tpu.core_type = #tpu.core_type<sc_vector_subcore>, window_params = [{transform_indices = #map}, {transform_indices = #map1}, {transform_indices = #map1}, {transform_indices = #map1}]} {
    %mul3A = arith.constant 16 : i32
    %mul3A_0 = arith.muli %arg0, %mul3A : i32
    %add3A = arith.addi %mul3A_0, %arg1 : i32
    "tpu.region"() ({
      %run_scoped3A = tpu.sem_alloc : memref<!tpu.dma_semaphore, #tpu.memory_space<semaphore_mem>>
      %dma_start3A_85 = arith.constant 0 : i32
      %dma_start3A_86 = arith.constant 0 : i32
      %dma_start3A_87 = tpu.memref_slice %arg3[%add3A, %dma_start3A_85, %dma_start3A_86] : memref<32x80x128xi32, #tpu.memory_space<hbm>> -> memref<1x80x128xi32, #tpu.memory_space<hbm>>
      %dma_start3A_88 = tpu.memref_squeeze %dma_start3A_87 : memref<1x80x128xi32, #tpu.memory_space<hbm>> -> memref<80x128xi32, #tpu.memory_space<hbm>>
      %dma_start3A_89 = arith.constant 0 : i32
      %dma_start3A_90 = arith.constant 0 : i32
      %dma_start3A_91 = tpu.memref_slice %arg3[%add3A, %dma_start3A_89, %dma_start3A_90] : memref<32x80x128xi32, #tpu.memory_space<hbm>> -> memref<1x80x128xi32, #tpu.memory_space<hbm>>
      %dma_start3A_92 = tpu.memref_squeeze %dma_start3A_91 : memref<1x80x128xi32, #tpu.memory_space<hbm>> -> memref<80x128xi32, #tpu.memory_space<hbm>>
      tpu.enqueue_dma source(%dma_start3A_92 : memref<80x128xi32, #tpu.memory_space<hbm>>) target(%arg6 : memref<80x128xi32, #tpu.memory_space<vmem>>) target_semaphore(%run_scoped3A : memref<!tpu.dma_semaphore, #tpu.memory_space<semaphore_mem>>)
      %dma_wait3A = arith.constant 0 : i32
      %dma_wait3A_93 = arith.constant 0 : i32
      %dma_wait3A_94 = tpu.memref_slice %arg3[%add3A, %dma_wait3A, %dma_wait3A_93] : memref<32x80x128xi32, #tpu.memory_space<hbm>> -> memref<1x80x128xi32, #tpu.memory_space<hbm>>
      %dma_wait3A_95 = tpu.memref_squeeze %dma_wait3A_94 : memref<1x80x128xi32, #tpu.memory_space<hbm>> -> memref<80x128xi32, #tpu.memory_space<hbm>>
      %dma_wait3A_96 = arith.constant 0 : i32
      %dma_wait3A_97 = arith.constant 0 : i32
      %dma_wait3A_98 = tpu.memref_slice %arg3[%add3A, %dma_wait3A_96, %dma_wait3A_97] : memref<32x80x128xi32, #tpu.memory_space<hbm>> -> memref<1x80x128xi32, #tpu.memory_space<hbm>>
      %dma_wait3A_99 = tpu.memref_squeeze %dma_wait3A_98 : memref<1x80x128xi32, #tpu.memory_space<hbm>> -> memref<80x128xi32, #tpu.memory_space<hbm>>
      tpu.wait_dma2 semaphore(%run_scoped3A : memref<!tpu.dma_semaphore, #tpu.memory_space<semaphore_mem>>) src(%dma_wait3A_99 : memref<80x128xi32, #tpu.memory_space<hbm>>) dst(%arg6 : memref<80x128xi32, #tpu.memory_space<vmem>>)
      tpu.yield
    }) : () -> ()
    "tpu.region"() ({
      %run_scoped3A = tpu.sem_alloc : memref<!tpu.dma_semaphore, #tpu.memory_space<semaphore_mem>>
      %dma_start3A_85 = arith.constant 0 : i32
      %dma_start3A_86 = arith.constant 0 : i32
      %dma_start3A_87 = tpu.memref_slice %arg4[%add3A, %dma_start3A_85, %dma_start3A_86] : memref<32x80x128xi32, #tpu.memory_space<hbm>> -> memref<1x80x128xi32, #tpu.memory_space<hbm>>
      %dma_start3A_88 = tpu.memref_squeeze %dma_start3A_87 : memref<1x80x128xi32, #tpu.memory_space<hbm>> -> memref<80x128xi32, #tpu.memory_space<hbm>>
      %dma_start3A_89 = arith.constant 0 : i32
      %dma_start3A_90 = arith.constant 0 : i32
      %dma_start3A_91 = tpu.memref_slice %arg4[%add3A, %dma_start3A_89, %dma_start3A_90] : memref<32x80x128xi32, #tpu.memory_space<hbm>> -> memref<1x80x128xi32, #tpu.memory_space<hbm>>
      %dma_start3A_92 = tpu.memref_squeeze %dma_start3A_91 : memref<1x80x128xi32, #tpu.memory_space<hbm>> -> memref<80x128xi32, #tpu.memory_space<hbm>>
      tpu.enqueue_dma source(%dma_start3A_92 : memref<80x128xi32, #tpu.memory_space<hbm>>) target(%arg7 : memref<80x128xi32, #tpu.memory_space<vmem>>) target_semaphore(%run_scoped3A : memref<!tpu.dma_semaphore, #tpu.memory_space<semaphore_mem>>)
      %dma_wait3A = arith.constant 0 : i32
      %dma_wait3A_93 = arith.constant 0 : i32
      %dma_wait3A_94 = tpu.memref_slice %arg4[%add3A, %dma_wait3A, %dma_wait3A_93] : memref<32x80x128xi32, #tpu.memory_space<hbm>> -> memref<1x80x128xi32, #tpu.memory_space<hbm>>
      %dma_wait3A_95 = tpu.memref_squeeze %dma_wait3A_94 : memref<1x80x128xi32, #tpu.memory_space<hbm>> -> memref<80x128xi32, #tpu.memory_space<hbm>>
      %dma_wait3A_96 = arith.constant 0 : i32
      %dma_wait3A_97 = arith.constant 0 : i32
      %dma_wait3A_98 = tpu.memref_slice %arg4[%add3A, %dma_wait3A_96, %dma_wait3A_97] : memref<32x80x128xi32, #tpu.memory_space<hbm>> -> memref<1x80x128xi32, #tpu.memory_space<hbm>>
      %dma_wait3A_99 = tpu.memref_squeeze %dma_wait3A_98 : memref<1x80x128xi32, #tpu.memory_space<hbm>> -> memref<80x128xi32, #tpu.memory_space<hbm>>
      tpu.wait_dma2 semaphore(%run_scoped3A : memref<!tpu.dma_semaphore, #tpu.memory_space<semaphore_mem>>) src(%dma_wait3A_99 : memref<80x128xi32, #tpu.memory_space<hbm>>) dst(%arg7 : memref<80x128xi32, #tpu.memory_space<vmem>>)
      tpu.yield
    }) : () -> ()
    %dma_start3A = arith.constant 0 : i32
    %dma_start3A_1 = arith.constant 0 : i32
    %dma_start3A_2 = arith.constant 0 : i32
    %dma_start3A_3 = arith.constant 0 : i32
    %dma_start3A_4 = tpu.memref_slice %arg8[%dma_start3A_1, %dma_start3A_2, %dma_start3A_3] : memref<4x128x64xf32, #tpu.memory_space<vmem>> -> memref<1x128x64xf32, #tpu.memory_space<vmem>>
    %dma_start3A_5 = tpu.memref_squeeze %dma_start3A_4 : memref<1x128x64xf32, #tpu.memory_space<vmem>> -> memref<128x64xf32, #tpu.memory_space<vmem>>
    %dma_start3A_6 = arith.constant 0 : i32
    %dma_start3A_7 = tpu.memref_slice %arg6[%dma_start3A, %dma_start3A_6] : memref<80x128xi32, #tpu.memory_space<vmem>> -> memref<1x128xi32, #tpu.memory_space<vmem>>
    %dma_start3A_8 = tpu.memref_squeeze %dma_start3A_7 : memref<1x128xi32, #tpu.memory_space<vmem>> -> memref<128xi32, #tpu.memory_space<vmem>>
    %dma_start3A_9 = arith.constant 0 : i32
    %dma_start3A_10 = arith.constant 0 : i32
    %dma_start3A_11 = tpu.memref_slice %arg2[%dma_start3A_9, %dma_start3A_10] : memref<10000x64xf32, #tpu.memory_space<hbm>> -> memref<10000x64xf32, #tpu.memory_space<hbm>>
    tpu.enqueue_indirect_dma source(%dma_start3A_11 : memref<10000x64xf32, #tpu.memory_space<hbm>>) target(%dma_start3A_5 : memref<128x64xf32, #tpu.memory_space<vmem>>) offsets(%dma_start3A_8 : memref<128xi32, #tpu.memory_space<vmem>>) semaphore(%arg11 : memref<!tpu.dma_semaphore, #tpu.memory_space<semaphore_mem>>)
    %dma_start3A_12 = arith.constant 1 : i32
    %dma_start3A_13 = arith.constant 1 : i32
    %dma_start3A_14 = arith.constant 0 : i32
    %dma_start3A_15 = arith.constant 0 : i32
    %dma_start3A_16 = tpu.memref_slice %arg8[%dma_start3A_13, %dma_start3A_14, %dma_start3A_15] : memref<4x128x64xf32, #tpu.memory_space<vmem>> -> memref<1x128x64xf32, #tpu.memory_space<vmem>>
    %dma_start3A_17 = tpu.memref_squeeze %dma_start3A_16 : memref<1x128x64xf32, #tpu.memory_space<vmem>> -> memref<128x64xf32, #tpu.memory_space<vmem>>
    %dma_start3A_18 = arith.constant 0 : i32
    %dma_start3A_19 = tpu.memref_slice %arg6[%dma_start3A_12, %dma_start3A_18] : memref<80x128xi32, #tpu.memory_space<vmem>> -> memref<1x128xi32, #tpu.memory_space<vmem>>
    %dma_start3A_20 = tpu.memref_squeeze %dma_start3A_19 : memref<1x128xi32, #tpu.memory_space<vmem>> -> memref<128xi32, #tpu.memory_space<vmem>>
    %dma_start3A_21 = arith.constant 0 : i32
    %dma_start3A_22 = arith.constant 0 : i32
    %dma_start3A_23 = tpu.memref_slice %arg2[%dma_start3A_21, %dma_start3A_22] : memref<10000x64xf32, #tpu.memory_space<hbm>> -> memref<10000x64xf32, #tpu.memory_space<hbm>>
    tpu.enqueue_indirect_dma source(%dma_start3A_23 : memref<10000x64xf32, #tpu.memory_space<hbm>>) target(%dma_start3A_17 : memref<128x64xf32, #tpu.memory_space<vmem>>) offsets(%dma_start3A_20 : memref<128xi32, #tpu.memory_space<vmem>>) semaphore(%arg12 : memref<!tpu.dma_semaphore, #tpu.memory_space<semaphore_mem>>)
    %dma_start3A_24 = arith.constant 2 : i32
    %dma_start3A_25 = arith.constant 2 : i32
    %dma_start3A_26 = arith.constant 0 : i32
    %dma_start3A_27 = arith.constant 0 : i32
    %dma_start3A_28 = tpu.memref_slice %arg8[%dma_start3A_25, %dma_start3A_26, %dma_start3A_27] : memref<4x128x64xf32, #tpu.memory_space<vmem>> -> memref<1x128x64xf32, #tpu.memory_space<vmem>>
    %dma_start3A_29 = tpu.memref_squeeze %dma_start3A_28 : memref<1x128x64xf32, #tpu.memory_space<vmem>> -> memref<128x64xf32, #tpu.memory_space<vmem>>
    %dma_start3A_30 = arith.constant 0 : i32
    %dma_start3A_31 = tpu.memref_slice %arg6[%dma_start3A_24, %dma_start3A_30] : memref<80x128xi32, #tpu.memory_space<vmem>> -> memref<1x128xi32, #tpu.memory_space<vmem>>
    %dma_start3A_32 = tpu.memref_squeeze %dma_start3A_31 : memref<1x128xi32, #tpu.memory_space<vmem>> -> memref<128xi32, #tpu.memory_space<vmem>>
    %dma_start3A_33 = arith.constant 0 : i32
    %dma_start3A_34 = arith.constant 0 : i32
    %dma_start3A_35 = tpu.memref_slice %arg2[%dma_start3A_33, %dma_start3A_34] : memref<10000x64xf32, #tpu.memory_space<hbm>> -> memref<10000x64xf32, #tpu.memory_space<hbm>>
    tpu.enqueue_indirect_dma source(%dma_start3A_35 : memref<10000x64xf32, #tpu.memory_space<hbm>>) target(%dma_start3A_29 : memref<128x64xf32, #tpu.memory_space<vmem>>) offsets(%dma_start3A_32 : memref<128xi32, #tpu.memory_space<vmem>>) semaphore(%arg13 : memref<!tpu.dma_semaphore, #tpu.memory_space<semaphore_mem>>)
    %dma_start3A_36 = arith.constant 3 : i32
    %dma_start3A_37 = arith.constant 3 : i32
    %dma_start3A_38 = arith.constant 0 : i32
    %dma_start3A_39 = arith.constant 0 : i32
    %dma_start3A_40 = tpu.memref_slice %arg8[%dma_start3A_37, %dma_start3A_38, %dma_start3A_39] : memref<4x128x64xf32, #tpu.memory_space<vmem>> -> memref<1x128x64xf32, #tpu.memory_space<vmem>>
    %dma_start3A_41 = tpu.memref_squeeze %dma_start3A_40 : memref<1x128x64xf32, #tpu.memory_space<vmem>> -> memref<128x64xf32, #tpu.memory_space<vmem>>
    %dma_start3A_42 = arith.constant 0 : i32
    %dma_start3A_43 = tpu.memref_slice %arg6[%dma_start3A_36, %dma_start3A_42] : memref<80x128xi32, #tpu.memory_space<vmem>> -> memref<1x128xi32, #tpu.memory_space<vmem>>
    %dma_start3A_44 = tpu.memref_squeeze %dma_start3A_43 : memref<1x128xi32, #tpu.memory_space<vmem>> -> memref<128xi32, #tpu.memory_space<vmem>>
    %dma_start3A_45 = arith.constant 0 : i32
    %dma_start3A_46 = arith.constant 0 : i32
    %dma_start3A_47 = tpu.memref_slice %arg2[%dma_start3A_45, %dma_start3A_46] : memref<10000x64xf32, #tpu.memory_space<hbm>> -> memref<10000x64xf32, #tpu.memory_space<hbm>>
    tpu.enqueue_indirect_dma source(%dma_start3A_47 : memref<10000x64xf32, #tpu.memory_space<hbm>>) target(%dma_start3A_41 : memref<128x64xf32, #tpu.memory_space<vmem>>) offsets(%dma_start3A_44 : memref<128xi32, #tpu.memory_space<vmem>>) semaphore(%arg14 : memref<!tpu.dma_semaphore, #tpu.memory_space<semaphore_mem>>)
    %broadcast_in_dim3A = arith.constant 0.000000e+00 : f32
    %broadcast_in_dim3A_48 = vector.broadcast %broadcast_in_dim3A : f32 to vector<16xf32>
    %scan3A = arith.constant 0 : i32
    %scan3A_49 = arith.constant 0 : i32
    %scan3A_50 = arith.constant 500 : i32
    %scan3A_51 = arith.addi %scan3A_49, %scan3A_50 : i32
    %scan3A_52 = arith.constant 1 : i32
    scf.for %scan3A_85 = %scan3A_49 to %scan3A_51 step %scan3A_52  : i32 {
      %jit3A = arith.constant 4 : i32
      %div3A = arith.divsi %scan3A_85, %jit3A : i32
      %sign3A = arith.constant 0 : i32
      %sign3A_86 = arith.cmpi sgt, %scan3A_85, %sign3A : i32
      %sign3A_87 = arith.extui %sign3A_86 : i1 to i32
      %sign3A_88 = arith.constant 0 : i32
      %sign3A_89 = arith.cmpi slt, %scan3A_85, %sign3A_88 : i32
      %sign3A_90 = arith.extui %sign3A_89 : i1 to i32
      %sign3A_91 = arith.subi %sign3A_87, %sign3A_90 : i32
      %sign3A_92 = arith.constant 0 : i32
      %sign3A_93 = arith.cmpi sgt, %jit3A, %sign3A_92 : i32
      %sign3A_94 = arith.extui %sign3A_93 : i1 to i32
      %sign3A_95 = arith.constant 0 : i32
      %sign3A_96 = arith.cmpi slt, %jit3A, %sign3A_95 : i32
      %sign3A_97 = arith.extui %sign3A_96 : i1 to i32
      %sign3A_98 = arith.subi %sign3A_94, %sign3A_97 : i32
      %ne3A = arith.cmpi ne, %sign3A_91, %sign3A_98 : i32
      %rem3A = arith.remsi %scan3A_85, %jit3A : i32
      %ne3A_99 = arith.constant 0 : i32
      %ne3A_100 = arith.cmpi ne, %rem3A, %ne3A_99 : i32
      %and3A = arith.andi %ne3A, %ne3A_100 : i1
      %sub3A = arith.constant 1 : i32
      %sub3A_101 = arith.subi %div3A, %sub3A : i32
      %select_n3A = arith.select %and3A, %sub3A_101, %div3A : i32
      %jit3A_102 = arith.constant 4 : i32
      %eq3A = arith.constant 0 : i32
      %eq3A_103 = arith.cmpi eq, %jit3A_102, %eq3A : i32
      %jit3A_104 = arith.constant 1 : i32
      %select_n3A_105 = arith.select %eq3A_103, %jit3A_104, %jit3A_102 : i32
      %rem3A_106 = arith.remsi %scan3A_85, %select_n3A_105 : i32
      %ne3A_107 = arith.constant 0 : i32
      %ne3A_108 = arith.cmpi ne, %rem3A_106, %ne3A_107 : i32
      %lt3A = arith.constant 0 : i32
      %lt3A_109 = arith.cmpi slt, %rem3A_106, %lt3A : i32
      %lt3A_110 = arith.constant 0 : i32
      %lt3A_111 = arith.cmpi slt, %select_n3A_105, %lt3A_110 : i32
      %ne3A_112 = arith.xori %lt3A_109, %lt3A_111 : i1
      %and3A_113 = arith.andi %ne3A_112, %ne3A_108 : i1
      %add3A_114 = arith.addi %rem3A_106, %select_n3A_105 : i32
      %select_n3A_115 = arith.select %and3A_113, %add3A_114, %rem3A_106 : i32
      %mul3A_116 = arith.constant 16 : i32
      %mul3A_117 = arith.muli %select_n3A_115, %mul3A_116 : i32
      %swap3A = arith.index_cast %select_n3A : i32 to index
      %swap3A_118 = arith.index_cast %mul3A_117 : i32 to index
      %swap3A_119 = tpu.vector_load %arg9[%swap3A, %swap3A_118] {strides = array<i32>} : memref<128x64xf32, #tpu.memory_space<vmem>>, vector<16xf32>,
      tpu.vector_store %arg9[%swap3A, %swap3A_118], %broadcast_in_dim3A_48 {strides = array<i32>} : memref<128x64xf32, #tpu.memory_space<vmem>>, vector<16xf32>,
    }
    %scan3A_53 = arith.constant 500 : i32
    %mul3A_54 = arith.constant 625 : i32
    %mul3A_55 = arith.muli %arg1, %mul3A_54 : i32
    %add3A_56 = arith.constant 0 : i32
    %add3A_57 = arith.addi %mul3A_55, %add3A_56 : i32
    "tpu.region"() ({
      %run_scoped3A = tpu.sem_alloc : memref<!tpu.dma_semaphore, #tpu.memory_space<semaphore_mem>>
      %dma_start3A_85 = arith.constant 0 : i32
      %dma_start3A_86 = arith.constant 0 : i32
      %dma_start3A_87 = tpu.memref_slice %arg9[%dma_start3A_85, %dma_start3A_86] : memref<128x64xf32, #tpu.memory_space<vmem>> -> memref<125x64xf32, #tpu.memory_space<vmem>>
      %dma_start3A_88 = arith.constant 0 : i32
      %dma_start3A_89 = tpu.memref_slice %arg10[%add3A_57, %dma_start3A_88] : memref<10240x64xf32, #tpu.memory_space<vmem_shared>> -> memref<125x64xf32, #tpu.memory_space<vmem_shared>>
      %dma_start3A_90 = arith.constant 0 : i32
      %dma_start3A_91 = tpu.memref_slice %arg10[%add3A_57, %dma_start3A_90] : memref<10240x64xf32, #tpu.memory_space<vmem_shared>> -> memref<125x64xf32, #tpu.memory_space<vmem_shared>>
      %dma_start3A_92 = arith.constant 0 : i32
      %dma_start3A_93 = arith.constant 0 : i32
      %dma_start3A_94 = tpu.memref_slice %arg9[%dma_start3A_92, %dma_start3A_93] : memref<128x64xf32, #tpu.memory_space<vmem>> -> memref<125x64xf32, #tpu.memory_space<vmem>>
      tpu.enqueue_dma source(%dma_start3A_94 : memref<125x64xf32, #tpu.memory_space<vmem>>) target(%dma_start3A_91 : memref<125x64xf32, #tpu.memory_space<vmem_shared>>) target_semaphore(%run_scoped3A : memref<!tpu.dma_semaphore, #tpu.memory_space<semaphore_mem>>)
      %dma_wait3A = arith.constant 0 : i32
      %dma_wait3A_95 = arith.constant 0 : i32
      %dma_wait3A_96 = tpu.memref_slice %arg9[%dma_wait3A, %dma_wait3A_95] : memref<128x64xf32, #tpu.memory_space<vmem>> -> memref<125x64xf32, #tpu.memory_space<vmem>>
      %dma_wait3A_97 = arith.constant 0 : i32
      %dma_wait3A_98 = tpu.memref_slice %arg10[%add3A_57, %dma_wait3A_97] : memref<10240x64xf32, #tpu.memory_space<vmem_shared>> -> memref<125x64xf32, #tpu.memory_space<vmem_shared>>
      %dma_wait3A_99 = arith.constant 0 : i32
      %dma_wait3A_100 = tpu.memref_slice %arg10[%add3A_57, %dma_wait3A_99] : memref<10240x64xf32, #tpu.memory_space<vmem_shared>> -> memref<125x64xf32, #tpu.memory_space<vmem_shared>>
      %dma_wait3A_101 = arith.constant 0 : i32
      %dma_wait3A_102 = arith.constant 0 : i32
      %dma_wait3A_103 = tpu.memref_slice %arg9[%dma_wait3A_101, %dma_wait3A_102] : memref<128x64xf32, #tpu.memory_space<vmem>> -> memref<125x64xf32, #tpu.memory_space<vmem>>
      tpu.wait_dma2 semaphore(%run_scoped3A : memref<!tpu.dma_semaphore, #tpu.memory_space<semaphore_mem>>) src(%dma_wait3A_103 : memref<125x64xf32, #tpu.memory_space<vmem>>) dst(%dma_wait3A_100 : memref<125x64xf32, #tpu.memory_space<vmem_shared>>)
      tpu.yield
    }) : () -> ()
    %mul3A_58 = arith.constant 625 : i32
    %mul3A_59 = arith.muli %arg1, %mul3A_58 : i32
    %add3A_60 = arith.constant 125 : i32
    %add3A_61 = arith.addi %mul3A_59, %add3A_60 : i32
    "tpu.region"() ({
      %run_scoped3A = tpu.sem_alloc : memref<!tpu.dma_semaphore, #tpu.memory_space<semaphore_mem>>
      %dma_start3A_85 = arith.constant 0 : i32
      %dma_start3A_86 = arith.constant 0 : i32
      %dma_start3A_87 = tpu.memref_slice %arg9[%dma_start3A_85, %dma_start3A_86] : memref<128x64xf32, #tpu.memory_space<vmem>> -> memref<125x64xf32, #tpu.memory_space<vmem>>
      %dma_start3A_88 = arith.constant 0 : i32
      %dma_start3A_89 = tpu.memref_slice %arg10[%add3A_61, %dma_start3A_88] : memref<10240x64xf32, #tpu.memory_space<vmem_shared>> -> memref<125x64xf32, #tpu.memory_space<vmem_shared>>
      %dma_start3A_90 = arith.constant 0 : i32
      %dma_start3A_91 = tpu.memref_slice %arg10[%add3A_61, %dma_start3A_90] : memref<10240x64xf32, #tpu.memory_space<vmem_shared>> -> memref<125x64xf32, #tpu.memory_space<vmem_shared>>
      %dma_start3A_92 = arith.constant 0 : i32
      %dma_start3A_93 = arith.constant 0 : i32
      %dma_start3A_94 = tpu.memref_slice %arg9[%dma_start3A_92, %dma_start3A_93] : memref<128x64xf32, #tpu.memory_space<vmem>> -> memref<125x64xf32, #tpu.memory_space<vmem>>
      tpu.enqueue_dma source(%dma_start3A_94 : memref<125x64xf32, #tpu.memory_space<vmem>>) target(%dma_start3A_91 : memref<125x64xf32, #tpu.memory_space<vmem_shared>>) target_semaphore(%run_scoped3A : memref<!tpu.dma_semaphore, #tpu.memory_space<semaphore_mem>>)
      %dma_wait3A = arith.constant 0 : i32
      %dma_wait3A_95 = arith.constant 0 : i32
      %dma_wait3A_96 = tpu.memref_slice %arg9[%dma_wait3A, %dma_wait3A_95] : memref<128x64xf32, #tpu.memory_space<vmem>> -> memref<125x64xf32, #tpu.memory_space<vmem>>
      %dma_wait3A_97 = arith.constant 0 : i32
      %dma_wait3A_98 = tpu.memref_slice %arg10[%add3A_61, %dma_wait3A_97] : memref<10240x64xf32, #tpu.memory_space<vmem_shared>> -> memref<125x64xf32, #tpu.memory_space<vmem_shared>>
      %dma_wait3A_99 = arith.constant 0 : i32
      %dma_wait3A_100 = tpu.memref_slice %arg10[%add3A_61, %dma_wait3A_99] : memref<10240x64xf32, #tpu.memory_space<vmem_shared>> -> memref<125x64xf32, #tpu.memory_space<vmem_shared>>
      %dma_wait3A_101 = arith.constant 0 : i32
      %dma_wait3A_102 = arith.constant 0 : i32
      %dma_wait3A_103 = tpu.memref_slice %arg9[%dma_wait3A_101, %dma_wait3A_102] : memref<128x64xf32, #tpu.memory_space<vmem>> -> memref<125x64xf32, #tpu.memory_space<vmem>>
      tpu.wait_dma2 semaphore(%run_scoped3A : memref<!tpu.dma_semaphore, #tpu.memory_space<semaphore_mem>>) src(%dma_wait3A_103 : memref<125x64xf32, #tpu.memory_space<vmem>>) dst(%dma_wait3A_100 : memref<125x64xf32, #tpu.memory_space<vmem_shared>>)
      tpu.yield
    }) : () -> ()
    %mul3A_62 = arith.constant 625 : i32
    %mul3A_63 = arith.muli %arg1, %mul3A_62 : i32
    %add3A_64 = arith.constant 250 : i32
    %add3A_65 = arith.addi %mul3A_63, %add3A_64 : i32
    "tpu.region"() ({
      %run_scoped3A = tpu.sem_alloc : memref<!tpu.dma_semaphore, #tpu.memory_space<semaphore_mem>>
      %dma_start3A_85 = arith.constant 0 : i32
      %dma_start3A_86 = arith.constant 0 : i32
      %dma_start3A_87 = tpu.memref_slice %arg9[%dma_start3A_85, %dma_start3A_86] : memref<128x64xf32, #tpu.memory_space<vmem>> -> memref<125x64xf32, #tpu.memory_space<vmem>>
      %dma_start3A_88 = arith.constant 0 : i32
      %dma_start3A_89 = tpu.memref_slice %arg10[%add3A_65, %dma_start3A_88] : memref<10240x64xf32, #tpu.memory_space<vmem_shared>> -> memref<125x64xf32, #tpu.memory_space<vmem_shared>>
      %dma_start3A_90 = arith.constant 0 : i32
      %dma_start3A_91 = tpu.memref_slice %arg10[%add3A_65, %dma_start3A_90] : memref<10240x64xf32, #tpu.memory_space<vmem_shared>> -> memref<125x64xf32, #tpu.memory_space<vmem_shared>>
      %dma_start3A_92 = arith.constant 0 : i32
      %dma_start3A_93 = arith.constant 0 : i32
      %dma_start3A_94 = tpu.memref_slice %arg9[%dma_start3A_92, %dma_start3A_93] : memref<128x64xf32, #tpu.memory_space<vmem>> -> memref<125x64xf32, #tpu.memory_space<vmem>>
      tpu.enqueue_dma source(%dma_start3A_94 : memref<125x64xf32, #tpu.memory_space<vmem>>) target(%dma_start3A_91 : memref<125x64xf32, #tpu.memory_space<vmem_shared>>) target_semaphore(%run_scoped3A : memref<!tpu.dma_semaphore, #tpu.memory_space<semaphore_mem>>)
      %dma_wait3A = arith.constant 0 : i32
      %dma_wait3A_95 = arith.constant 0 : i32
      %dma_wait3A_96 = tpu.memref_slice %arg9[%dma_wait3A, %dma_wait3A_95] : memref<128x64xf32, #tpu.memory_space<vmem>> -> memref<125x64xf32, #tpu.memory_space<vmem>>
      %dma_wait3A_97 = arith.constant 0 : i32
      %dma_wait3A_98 = tpu.memref_slice %arg10[%add3A_65, %dma_wait3A_97] : memref<10240x64xf32, #tpu.memory_space<vmem_shared>> -> memref<125x64xf32, #tpu.memory_space<vmem_shared>>
      %dma_wait3A_99 = arith.constant 0 : i32
      %dma_wait3A_100 = tpu.memref_slice %arg10[%add3A_65, %dma_wait3A_99] : memref<10240x64xf32, #tpu.memory_space<vmem_shared>> -> memref<125x64xf32, #tpu.memory_space<vmem_shared>>
      %dma_wait3A_101 = arith.constant 0 : i32
      %dma_wait3A_102 = arith.constant 0 : i32
      %dma_wait3A_103 = tpu.memref_slice %arg9[%dma_wait3A_101, %dma_wait3A_102] : memref<128x64xf32, #tpu.memory_space<vmem>> -> memref<125x64xf32, #tpu.memory_space<vmem>>
      tpu.wait_dma2 semaphore(%run_scoped3A : memref<!tpu.dma_semaphore, #tpu.memory_space<semaphore_mem>>) src(%dma_wait3A_103 : memref<125x64xf32, #tpu.memory_space<vmem>>) dst(%dma_wait3A_100 : memref<125x64xf32, #tpu.memory_space<vmem_shared>>)
      tpu.yield
    }) : () -> ()
    %mul3A_66 = arith.constant 625 : i32
    %mul3A_67 = arith.muli %arg1, %mul3A_66 : i32
    %add3A_68 = arith.constant 375 : i32
    %add3A_69 = arith.addi %mul3A_67, %add3A_68 : i32
    "tpu.region"() ({
      %run_scoped3A = tpu.sem_alloc : memref<!tpu.dma_semaphore, #tpu.memory_space<semaphore_mem>>
      %dma_start3A_85 = arith.constant 0 : i32
      %dma_start3A_86 = arith.constant 0 : i32
      %dma_start3A_87 = tpu.memref_slice %arg9[%dma_start3A_85, %dma_start3A_86] : memref<128x64xf32, #tpu.memory_space<vmem>> -> memref<125x64xf32, #tpu.memory_space<vmem>>
      %dma_start3A_88 = arith.constant 0 : i32
      %dma_start3A_89 = tpu.memref_slice %arg10[%add3A_69, %dma_start3A_88] : memref<10240x64xf32, #tpu.memory_space<vmem_shared>> -> memref<125x64xf32, #tpu.memory_space<vmem_shared>>
      %dma_start3A_90 = arith.constant 0 : i32
      %dma_start3A_91 = tpu.memref_slice %arg10[%add3A_69, %dma_start3A_90] : memref<10240x64xf32, #tpu.memory_space<vmem_shared>> -> memref<125x64xf32, #tpu.memory_space<vmem_shared>>
      %dma_start3A_92 = arith.constant 0 : i32
      %dma_start3A_93 = arith.constant 0 : i32
      %dma_start3A_94 = tpu.memref_slice %arg9[%dma_start3A_92, %dma_start3A_93] : memref<128x64xf32, #tpu.memory_space<vmem>> -> memref<125x64xf32, #tpu.memory_space<vmem>>
      tpu.enqueue_dma source(%dma_start3A_94 : memref<125x64xf32, #tpu.memory_space<vmem>>) target(%dma_start3A_91 : memref<125x64xf32, #tpu.memory_space<vmem_shared>>) target_semaphore(%run_scoped3A : memref<!tpu.dma_semaphore, #tpu.memory_space<semaphore_mem>>)
      %dma_wait3A = arith.constant 0 : i32
      %dma_wait3A_95 = arith.constant 0 : i32
      %dma_wait3A_96 = tpu.memref_slice %arg9[%dma_wait3A, %dma_wait3A_95] : memref<128x64xf32, #tpu.memory_space<vmem>> -> memref<125x64xf32, #tpu.memory_space<vmem>>
      %dma_wait3A_97 = arith.constant 0 : i32
      %dma_wait3A_98 = tpu.memref_slice %arg10[%add3A_69, %dma_wait3A_97] : memref<10240x64xf32, #tpu.memory_space<vmem_shared>> -> memref<125x64xf32, #tpu.memory_space<vmem_shared>>
      %dma_wait3A_99 = arith.constant 0 : i32
      %dma_wait3A_100 = tpu.memref_slice %arg10[%add3A_69, %dma_wait3A_99] : memref<10240x64xf32, #tpu.memory_space<vmem_shared>> -> memref<125x64xf32, #tpu.memory_space<vmem_shared>>
      %dma_wait3A_101 = arith.constant 0 : i32
      %dma_wait3A_102 = arith.constant 0 : i32
      %dma_wait3A_103 = tpu.memref_slice %arg9[%dma_wait3A_101, %dma_wait3A_102] : memref<128x64xf32, #tpu.memory_space<vmem>> -> memref<125x64xf32, #tpu.memory_space<vmem>>
      tpu.wait_dma2 semaphore(%run_scoped3A : memref<!tpu.dma_semaphore, #tpu.memory_space<semaphore_mem>>) src(%dma_wait3A_103 : memref<125x64xf32, #tpu.memory_space<vmem>>) dst(%dma_wait3A_100 : memref<125x64xf32, #tpu.memory_space<vmem_shared>>)
      tpu.yield
    }) : () -> ()
    %mul3A_70 = arith.constant 625 : i32
    %mul3A_71 = arith.muli %arg1, %mul3A_70 : i32
    %add3A_72 = arith.constant 500 : i32
    %add3A_73 = arith.addi %mul3A_71, %add3A_72 : i32
    "tpu.region"() ({
      %run_scoped3A = tpu.sem_alloc : memref<!tpu.dma_semaphore, #tpu.memory_space<semaphore_mem>>
      %dma_start3A_85 = arith.constant 0 : i32
      %dma_start3A_86 = arith.constant 0 : i32
      %dma_start3A_87 = tpu.memref_slice %arg9[%dma_start3A_85, %dma_start3A_86] : memref<128x64xf32, #tpu.memory_space<vmem>> -> memref<125x64xf32, #tpu.memory_space<vmem>>
      %dma_start3A_88 = arith.constant 0 : i32
      %dma_start3A_89 = tpu.memref_slice %arg10[%add3A_73, %dma_start3A_88] : memref<10240x64xf32, #tpu.memory_space<vmem_shared>> -> memref<125x64xf32, #tpu.memory_space<vmem_shared>>
      %dma_start3A_90 = arith.constant 0 : i32
      %dma_start3A_91 = tpu.memref_slice %arg10[%add3A_73, %dma_start3A_90] : memref<10240x64xf32, #tpu.memory_space<vmem_shared>> -> memref<125x64xf32, #tpu.memory_space<vmem_shared>>
      %dma_start3A_92 = arith.constant 0 : i32
      %dma_start3A_93 = arith.constant 0 : i32
      %dma_start3A_94 = tpu.memref_slice %arg9[%dma_start3A_92, %dma_start3A_93] : memref<128x64xf32, #tpu.memory_space<vmem>> -> memref<125x64xf32, #tpu.memory_space<vmem>>
      tpu.enqueue_dma source(%dma_start3A_94 : memref<125x64xf32, #tpu.memory_space<vmem>>) target(%dma_start3A_91 : memref<125x64xf32, #tpu.memory_space<vmem_shared>>) target_semaphore(%run_scoped3A : memref<!tpu.dma_semaphore, #tpu.memory_space<semaphore_mem>>)
      %dma_wait3A = arith.constant 0 : i32
      %dma_wait3A_95 = arith.constant 0 : i32
      %dma_wait3A_96 = tpu.memref_slice %arg9[%dma_wait3A, %dma_wait3A_95] : memref<128x64xf32, #tpu.memory_space<vmem>> -> memref<125x64xf32, #tpu.memory_space<vmem>>
      %dma_wait3A_97 = arith.constant 0 : i32
      %dma_wait3A_98 = tpu.memref_slice %arg10[%add3A_73, %dma_wait3A_97] : memref<10240x64xf32, #tpu.memory_space<vmem_shared>> -> memref<125x64xf32, #tpu.memory_space<vmem_shared>>
      %dma_wait3A_99 = arith.constant 0 : i32
      %dma_wait3A_100 = tpu.memref_slice %arg10[%add3A_73, %dma_wait3A_99] : memref<10240x64xf32, #tpu.memory_space<vmem_shared>> -> memref<125x64xf32, #tpu.memory_space<vmem_shared>>
      %dma_wait3A_101 = arith.constant 0 : i32
      %dma_wait3A_102 = arith.constant 0 : i32
      %dma_wait3A_103 = tpu.memref_slice %arg9[%dma_wait3A_101, %dma_wait3A_102] : memref<128x64xf32, #tpu.memory_space<vmem>> -> memref<125x64xf32, #tpu.memory_space<vmem>>
      tpu.wait_dma2 semaphore(%run_scoped3A : memref<!tpu.dma_semaphore, #tpu.memory_space<semaphore_mem>>) src(%dma_wait3A_103 : memref<125x64xf32, #tpu.memory_space<vmem>>) dst(%dma_wait3A_100 : memref<125x64xf32, #tpu.memory_space<vmem_shared>>)
      tpu.yield
    }) : () -> ()
    %barrier3A = arith.constant 0 : index
    tpu.barrier barrier_id(%barrier3A)
    %scan3A_74 = arith.constant 0 : i32
    %scan3A_75 = arith.constant 0 : i32
    %scan3A_76 = arith.constant 20 : i32
    %scan3A_77 = arith.addi %scan3A_75, %scan3A_76 : i32
    %scan3A_78 = arith.constant 1 : i32
    scf.for %scan3A_85 = %scan3A_75 to %scan3A_77 step %scan3A_78  : i32 {
      %mul3A_86 = arith.constant 4 : i32
      %mul3A_87 = arith.muli %scan3A_85, %mul3A_86 : i32
      %add3A_88 = arith.constant 0 : i32
      %add3A_89 = arith.addi %mul3A_87, %add3A_88 : i32
      %dma_wait3A = arith.constant 0 : i32
      %dma_wait3A_90 = arith.constant 0 : i32
      %dma_wait3A_91 = arith.constant 0 : i32
      %dma_wait3A_92 = tpu.memref_slice %arg8[%dma_wait3A, %dma_wait3A_90, %dma_wait3A_91] : memref<4x128x64xf32, #tpu.memory_space<vmem>> -> memref<1x128x64xf32, #tpu.memory_space<vmem>>
      %dma_wait3A_93 = tpu.memref_squeeze %dma_wait3A_92 : memref<1x128x64xf32, #tpu.memory_space<vmem>> -> memref<128x64xf32, #tpu.memory_space<vmem>>
      %dma_wait3A_94 = arith.constant 0 : i32
      %dma_wait3A_95 = tpu.memref_slice %arg6[%add3A_89, %dma_wait3A_94] : memref<80x128xi32, #tpu.memory_space<vmem>> -> memref<1x128xi32, #tpu.memory_space<vmem>>
      %dma_wait3A_96 = tpu.memref_squeeze %dma_wait3A_95 : memref<1x128xi32, #tpu.memory_space<vmem>> -> memref<128xi32, #tpu.memory_space<vmem>>
      %dma_wait3A_97 = arith.constant 0 : i32
      %dma_wait3A_98 = arith.constant 0 : i32
      %dma_wait3A_99 = tpu.memref_slice %arg2[%dma_wait3A_97, %dma_wait3A_98] : memref<10000x64xf32, #tpu.memory_space<hbm>> -> memref<10000x64xf32, #tpu.memory_space<hbm>>
      tpu.wait_indirect_dma semaphore(%arg11 : memref<!tpu.dma_semaphore, #tpu.memory_space<semaphore_mem>>) src(%dma_wait3A_99 : memref<10000x64xf32, #tpu.memory_space<hbm>>) dst(%dma_wait3A_93 : memref<128x64xf32, #tpu.memory_space<vmem>>)
      %run_scoped3A = arith.constant 0 : i32
      "tpu.region"() ({
        %run_scoped3A_167 = tpu.sem_alloc : memref<!tpu.dma_semaphore, #tpu.memory_space<semaphore_mem>>
        %dma_start3A_168 = arith.constant 0 : i32
        %dma_start3A_169 = arith.constant 0 : i32
        %dma_start3A_170 = tpu.memref_slice %arg8[%run_scoped3A, %dma_start3A_168, %dma_start3A_169] : memref<4x128x64xf32, #tpu.memory_space<vmem>> -> memref<1x128x64xf32, #tpu.memory_space<vmem>>
        %dma_start3A_171 = tpu.memref_squeeze %dma_start3A_170 : memref<1x128x64xf32, #tpu.memory_space<vmem>> -> memref<128x64xf32, #tpu.memory_space<vmem>>
        %dma_start3A_172 = arith.constant 0 : i32
        %dma_start3A_173 = tpu.memref_slice %arg7[%add3A_89, %dma_start3A_172] : memref<80x128xi32, #tpu.memory_space<vmem>> -> memref<1x128xi32, #tpu.memory_space<vmem>>
        %dma_start3A_174 = tpu.memref_squeeze %dma_start3A_173 : memref<1x128xi32, #tpu.memory_space<vmem>> -> memref<128xi32, #tpu.memory_space<vmem>>
        %dma_start3A_175 = arith.constant 0 : i32
        %dma_start3A_176 = arith.constant 0 : i32
        %dma_start3A_177 = tpu.memref_slice %arg10[%dma_start3A_175, %dma_start3A_176] : memref<10240x64xf32, #tpu.memory_space<vmem_shared>> -> memref<10240x64xf32, #tpu.memory_space<vmem_shared>>
        tpu.enqueue_indirect_dma source(%dma_start3A_171 : memref<128x64xf32, #tpu.memory_space<vmem>>) target(%dma_start3A_177 : memref<10240x64xf32, #tpu.memory_space<vmem_shared>>) offsets(%dma_start3A_174 : memref<128xi32, #tpu.memory_space<vmem>>) semaphore(%run_scoped3A_167 : memref<!tpu.dma_semaphore, #tpu.memory_space<semaphore_mem>>) {add = true}
        %dma_wait3A_178 = arith.constant 0 : i32
        %dma_wait3A_179 = arith.constant 0 : i32
        %dma_wait3A_180 = tpu.memref_slice %arg8[%run_scoped3A, %dma_wait3A_178, %dma_wait3A_179] : memref<4x128x64xf32, #tpu.memory_space<vmem>> -> memref<1x128x64xf32, #tpu.memory_space<vmem>>
        %dma_wait3A_181 = tpu.memref_squeeze %dma_wait3A_180 : memref<1x128x64xf32, #tpu.memory_space<vmem>> -> memref<128x64xf32, #tpu.memory_space<vmem>>
        %dma_wait3A_182 = arith.constant 0 : i32
        %dma_wait3A_183 = tpu.memref_slice %arg7[%add3A_89, %dma_wait3A_182] : memref<80x128xi32, #tpu.memory_space<vmem>> -> memref<1x128xi32, #tpu.memory_space<vmem>>
        %dma_wait3A_184 = tpu.memref_squeeze %dma_wait3A_183 : memref<1x128xi32, #tpu.memory_space<vmem>> -> memref<128xi32, #tpu.memory_space<vmem>>
        %dma_wait3A_185 = arith.constant 0 : i32
        %dma_wait3A_186 = arith.constant 0 : i32
        %dma_wait3A_187 = tpu.memref_slice %arg10[%dma_wait3A_185, %dma_wait3A_186] : memref<10240x64xf32, #tpu.memory_space<vmem_shared>> -> memref<10240x64xf32, #tpu.memory_space<vmem_shared>>
        tpu.wait_indirect_dma semaphore(%run_scoped3A_167 : memref<!tpu.dma_semaphore, #tpu.memory_space<semaphore_mem>>) src(%dma_wait3A_181 : memref<128x64xf32, #tpu.memory_space<vmem>>) dst(%dma_wait3A_187 : memref<10240x64xf32, #tpu.memory_space<vmem_shared>>)
        tpu.yield
      }) : () -> ()
      %add3A_100 = arith.constant 4 : i32
      %add3A_101 = arith.addi %add3A_89, %add3A_100 : i32
      %lt3A = arith.constant 80 : i32
      %lt3A_102 = arith.cmpi slt, %add3A_101, %lt3A : i32
      %convert_element_type3A = arith.extui %lt3A_102 : i1 to i32
      %cond3A = arith.constant 0 : i32
      %cond3A_103 = arith.cmpi ne, %convert_element_type3A, %cond3A : i32
      scf.if %cond3A_103 {
        %add3A_167 = arith.constant 4 : i32
        %add3A_168 = arith.addi %add3A_89, %add3A_167 : i32
        %dma_start3A_169 = arith.constant 0 : i32
        %dma_start3A_170 = arith.constant 0 : i32
        %dma_start3A_171 = arith.constant 0 : i32
        %dma_start3A_172 = tpu.memref_slice %arg8[%dma_start3A_169, %dma_start3A_170, %dma_start3A_171] : memref<4x128x64xf32, #tpu.memory_space<vmem>> -> memref<1x128x64xf32, #tpu.memory_space<vmem>>
        %dma_start3A_173 = tpu.memref_squeeze %dma_start3A_172 : memref<1x128x64xf32, #tpu.memory_space<vmem>> -> memref<128x64xf32, #tpu.memory_space<vmem>>
        %dma_start3A_174 = arith.constant 0 : i32
        %dma_start3A_175 = tpu.memref_slice %arg6[%add3A_168, %dma_start3A_174] : memref<80x128xi32, #tpu.memory_space<vmem>> -> memref<1x128xi32, #tpu.memory_space<vmem>>
        %dma_start3A_176 = tpu.memref_squeeze %dma_start3A_175 : memref<1x128xi32, #tpu.memory_space<vmem>> -> memref<128xi32, #tpu.memory_space<vmem>>
        %dma_start3A_177 = arith.constant 0 : i32
        %dma_start3A_178 = arith.constant 0 : i32
        %dma_start3A_179 = tpu.memref_slice %arg2[%dma_start3A_177, %dma_start3A_178] : memref<10000x64xf32, #tpu.memory_space<hbm>> -> memref<10000x64xf32, #tpu.memory_space<hbm>>
        tpu.enqueue_indirect_dma source(%dma_start3A_179 : memref<10000x64xf32, #tpu.memory_space<hbm>>) target(%dma_start3A_173 : memref<128x64xf32, #tpu.memory_space<vmem>>) offsets(%dma_start3A_176 : memref<128xi32, #tpu.memory_space<vmem>>) semaphore(%arg11 : memref<!tpu.dma_semaphore, #tpu.memory_space<semaphore_mem>>)
      } else {
      }
      %add3A_104 = arith.constant 1 : i32
      %add3A_105 = arith.addi %mul3A_87, %add3A_104 : i32
      %dma_wait3A_106 = arith.constant 1 : i32
      %dma_wait3A_107 = arith.constant 0 : i32
      %dma_wait3A_108 = arith.constant 0 : i32
      %dma_wait3A_109 = tpu.memref_slice %arg8[%dma_wait3A_106, %dma_wait3A_107, %dma_wait3A_108] : memref<4x128x64xf32, #tpu.memory_space<vmem>> -> memref<1x128x64xf32, #tpu.memory_space<vmem>>
      %dma_wait3A_110 = tpu.memref_squeeze %dma_wait3A_109 : memref<1x128x64xf32, #tpu.memory_space<vmem>> -> memref<128x64xf32, #tpu.memory_space<vmem>>
      %dma_wait3A_111 = arith.constant 0 : i32
      %dma_wait3A_112 = tpu.memref_slice %arg6[%add3A_105, %dma_wait3A_111] : memref<80x128xi32, #tpu.memory_space<vmem>> -> memref<1x128xi32, #tpu.memory_space<vmem>>
      %dma_wait3A_113 = tpu.memref_squeeze %dma_wait3A_112 : memref<1x128xi32, #tpu.memory_space<vmem>> -> memref<128xi32, #tpu.memory_space<vmem>>
      %dma_wait3A_114 = arith.constant 0 : i32
      %dma_wait3A_115 = arith.constant 0 : i32
      %dma_wait3A_116 = tpu.memref_slice %arg2[%dma_wait3A_114, %dma_wait3A_115] : memref<10000x64xf32, #tpu.memory_space<hbm>> -> memref<10000x64xf32, #tpu.memory_space<hbm>>
      tpu.wait_indirect_dma semaphore(%arg12 : memref<!tpu.dma_semaphore, #tpu.memory_space<semaphore_mem>>) src(%dma_wait3A_116 : memref<10000x64xf32, #tpu.memory_space<hbm>>) dst(%dma_wait3A_110 : memref<128x64xf32, #tpu.memory_space<vmem>>)
      %run_scoped3A_117 = arith.constant 1 : i32
      "tpu.region"() ({
        %run_scoped3A_167 = tpu.sem_alloc : memref<!tpu.dma_semaphore, #tpu.memory_space<semaphore_mem>>
        %dma_start3A_168 = arith.constant 0 : i32
        %dma_start3A_169 = arith.constant 0 : i32
        %dma_start3A_170 = tpu.memref_slice %arg8[%run_scoped3A_117, %dma_start3A_168, %dma_start3A_169] : memref<4x128x64xf32, #tpu.memory_space<vmem>> -> memref<1x128x64xf32, #tpu.memory_space<vmem>>
        %dma_start3A_171 = tpu.memref_squeeze %dma_start3A_170 : memref<1x128x64xf32, #tpu.memory_space<vmem>> -> memref<128x64xf32, #tpu.memory_space<vmem>>
        %dma_start3A_172 = arith.constant 0 : i32
        %dma_start3A_173 = tpu.memref_slice %arg7[%add3A_105, %dma_start3A_172] : memref<80x128xi32, #tpu.memory_space<vmem>> -> memref<1x128xi32, #tpu.memory_space<vmem>>
        %dma_start3A_174 = tpu.memref_squeeze %dma_start3A_173 : memref<1x128xi32, #tpu.memory_space<vmem>> -> memref<128xi32, #tpu.memory_space<vmem>>
        %dma_start3A_175 = arith.constant 0 : i32
        %dma_start3A_176 = arith.constant 0 : i32
        %dma_start3A_177 = tpu.memref_slice %arg10[%dma_start3A_175, %dma_start3A_176] : memref<10240x64xf32, #tpu.memory_space<vmem_shared>> -> memref<10240x64xf32, #tpu.memory_space<vmem_shared>>
        tpu.enqueue_indirect_dma source(%dma_start3A_171 : memref<128x64xf32, #tpu.memory_space<vmem>>) target(%dma_start3A_177 : memref<10240x64xf32, #tpu.memory_space<vmem_shared>>) offsets(%dma_start3A_174 : memref<128xi32, #tpu.memory_space<vmem>>) semaphore(%run_scoped3A_167 : memref<!tpu.dma_semaphore, #tpu.memory_space<semaphore_mem>>) {add = true}
        %dma_wait3A_178 = arith.constant 0 : i32
        %dma_wait3A_179 = arith.constant 0 : i32
        %dma_wait3A_180 = tpu.memref_slice %arg8[%run_scoped3A_117, %dma_wait3A_178, %dma_wait3A_179] : memref<4x128x64xf32, #tpu.memory_space<vmem>> -> memref<1x128x64xf32, #tpu.memory_space<vmem>>
        %dma_wait3A_181 = tpu.memref_squeeze %dma_wait3A_180 : memref<1x128x64xf32, #tpu.memory_space<vmem>> -> memref<128x64xf32, #tpu.memory_space<vmem>>
        %dma_wait3A_182 = arith.constant 0 : i32
        %dma_wait3A_183 = tpu.memref_slice %arg7[%add3A_105, %dma_wait3A_182] : memref<80x128xi32, #tpu.memory_space<vmem>> -> memref<1x128xi32, #tpu.memory_space<vmem>>
        %dma_wait3A_184 = tpu.memref_squeeze %dma_wait3A_183 : memref<1x128xi32, #tpu.memory_space<vmem>> -> memref<128xi32, #tpu.memory_space<vmem>>
        %dma_wait3A_185 = arith.constant 0 : i32
        %dma_wait3A_186 = arith.constant 0 : i32
        %dma_wait3A_187 = tpu.memref_slice %arg10[%dma_wait3A_185, %dma_wait3A_186] : memref<10240x64xf32, #tpu.memory_space<vmem_shared>> -> memref<10240x64xf32, #tpu.memory_space<vmem_shared>>
        tpu.wait_indirect_dma semaphore(%run_scoped3A_167 : memref<!tpu.dma_semaphore, #tpu.memory_space<semaphore_mem>>) src(%dma_wait3A_181 : memref<128x64xf32, #tpu.memory_space<vmem>>) dst(%dma_wait3A_187 : memref<10240x64xf32, #tpu.memory_space<vmem_shared>>)
        tpu.yield
      }) : () -> ()
      %add3A_118 = arith.constant 4 : i32
      %add3A_119 = arith.addi %add3A_105, %add3A_118 : i32
      %lt3A_120 = arith.constant 80 : i32
      %lt3A_121 = arith.cmpi slt, %add3A_119, %lt3A_120 : i32
      %convert_element_type3A_122 = arith.extui %lt3A_121 : i1 to i32
      %cond3A_123 = arith.constant 0 : i32
      %cond3A_124 = arith.cmpi ne, %convert_element_type3A_122, %cond3A_123 : i32
      scf.if %cond3A_124 {
        %add3A_167 = arith.constant 4 : i32
        %add3A_168 = arith.addi %add3A_105, %add3A_167 : i32
        %dma_start3A_169 = arith.constant 1 : i32
        %dma_start3A_170 = arith.constant 0 : i32
        %dma_start3A_171 = arith.constant 0 : i32
        %dma_start3A_172 = tpu.memref_slice %arg8[%dma_start3A_169, %dma_start3A_170, %dma_start3A_171] : memref<4x128x64xf32, #tpu.memory_space<vmem>> -> memref<1x128x64xf32, #tpu.memory_space<vmem>>
        %dma_start3A_173 = tpu.memref_squeeze %dma_start3A_172 : memref<1x128x64xf32, #tpu.memory_space<vmem>> -> memref<128x64xf32, #tpu.memory_space<vmem>>
        %dma_start3A_174 = arith.constant 0 : i32
        %dma_start3A_175 = tpu.memref_slice %arg6[%add3A_168, %dma_start3A_174] : memref<80x128xi32, #tpu.memory_space<vmem>> -> memref<1x128xi32, #tpu.memory_space<vmem>>
        %dma_start3A_176 = tpu.memref_squeeze %dma_start3A_175 : memref<1x128xi32, #tpu.memory_space<vmem>> -> memref<128xi32, #tpu.memory_space<vmem>>
        %dma_start3A_177 = arith.constant 0 : i32
        %dma_start3A_178 = arith.constant 0 : i32
        %dma_start3A_179 = tpu.memref_slice %arg2[%dma_start3A_177, %dma_start3A_178] : memref<10000x64xf32, #tpu.memory_space<hbm>> -> memref<10000x64xf32, #tpu.memory_space<hbm>>
        tpu.enqueue_indirect_dma source(%dma_start3A_179 : memref<10000x64xf32, #tpu.memory_space<hbm>>) target(%dma_start3A_173 : memref<128x64xf32, #tpu.memory_space<vmem>>) offsets(%dma_start3A_176 : memref<128xi32, #tpu.memory_space<vmem>>) semaphore(%arg12 : memref<!tpu.dma_semaphore, #tpu.memory_space<semaphore_mem>>)
      } else {
      }
      %add3A_125 = arith.constant 2 : i32
      %add3A_126 = arith.addi %mul3A_87, %add3A_125 : i32
      %dma_wait3A_127 = arith.constant 2 : i32
      %dma_wait3A_128 = arith.constant 0 : i32
      %dma_wait3A_129 = arith.constant 0 : i32
      %dma_wait3A_130 = tpu.memref_slice %arg8[%dma_wait3A_127, %dma_wait3A_128, %dma_wait3A_129] : memref<4x128x64xf32, #tpu.memory_space<vmem>> -> memref<1x128x64xf32, #tpu.memory_space<vmem>>
      %dma_wait3A_131 = tpu.memref_squeeze %dma_wait3A_130 : memref<1x128x64xf32, #tpu.memory_space<vmem>> -> memref<128x64xf32, #tpu.memory_space<vmem>>
      %dma_wait3A_132 = arith.constant 0 : i32
      %dma_wait3A_133 = tpu.memref_slice %arg6[%add3A_126, %dma_wait3A_132] : memref<80x128xi32, #tpu.memory_space<vmem>> -> memref<1x128xi32, #tpu.memory_space<vmem>>
      %dma_wait3A_134 = tpu.memref_squeeze %dma_wait3A_133 : memref<1x128xi32, #tpu.memory_space<vmem>> -> memref<128xi32, #tpu.memory_space<vmem>>
      %dma_wait3A_135 = arith.constant 0 : i32
      %dma_wait3A_136 = arith.constant 0 : i32
      %dma_wait3A_137 = tpu.memref_slice %arg2[%dma_wait3A_135, %dma_wait3A_136] : memref<10000x64xf32, #tpu.memory_space<hbm>> -> memref<10000x64xf32, #tpu.memory_space<hbm>>
      tpu.wait_indirect_dma semaphore(%arg13 : memref<!tpu.dma_semaphore, #tpu.memory_space<semaphore_mem>>) src(%dma_wait3A_137 : memref<10000x64xf32, #tpu.memory_space<hbm>>) dst(%dma_wait3A_131 : memref<128x64xf32, #tpu.memory_space<vmem>>)
      %run_scoped3A_138 = arith.constant 2 : i32
      "tpu.region"() ({
        %run_scoped3A_167 = tpu.sem_alloc : memref<!tpu.dma_semaphore, #tpu.memory_space<semaphore_mem>>
        %dma_start3A_168 = arith.constant 0 : i32
        %dma_start3A_169 = arith.constant 0 : i32
        %dma_start3A_170 = tpu.memref_slice %arg8[%run_scoped3A_138, %dma_start3A_168, %dma_start3A_169] : memref<4x128x64xf32, #tpu.memory_space<vmem>> -> memref<1x128x64xf32, #tpu.memory_space<vmem>>
        %dma_start3A_171 = tpu.memref_squeeze %dma_start3A_170 : memref<1x128x64xf32, #tpu.memory_space<vmem>> -> memref<128x64xf32, #tpu.memory_space<vmem>>
        %dma_start3A_172 = arith.constant 0 : i32
        %dma_start3A_173 = tpu.memref_slice %arg7[%add3A_126, %dma_start3A_172] : memref<80x128xi32, #tpu.memory_space<vmem>> -> memref<1x128xi32, #tpu.memory_space<vmem>>
        %dma_start3A_174 = tpu.memref_squeeze %dma_start3A_173 : memref<1x128xi32, #tpu.memory_space<vmem>> -> memref<128xi32, #tpu.memory_space<vmem>>
        %dma_start3A_175 = arith.constant 0 : i32
        %dma_start3A_176 = arith.constant 0 : i32
        %dma_start3A_177 = tpu.memref_slice %arg10[%dma_start3A_175, %dma_start3A_176] : memref<10240x64xf32, #tpu.memory_space<vmem_shared>> -> memref<10240x64xf32, #tpu.memory_space<vmem_shared>>
        tpu.enqueue_indirect_dma source(%dma_start3A_171 : memref<128x64xf32, #tpu.memory_space<vmem>>) target(%dma_start3A_177 : memref<10240x64xf32, #tpu.memory_space<vmem_shared>>) offsets(%dma_start3A_174 : memref<128xi32, #tpu.memory_space<vmem>>) semaphore(%run_scoped3A_167 : memref<!tpu.dma_semaphore, #tpu.memory_space<semaphore_mem>>) {add = true}
        %dma_wait3A_178 = arith.constant 0 : i32
        %dma_wait3A_179 = arith.constant 0 : i32
        %dma_wait3A_180 = tpu.memref_slice %arg8[%run_scoped3A_138, %dma_wait3A_178, %dma_wait3A_179] : memref<4x128x64xf32, #tpu.memory_space<vmem>> -> memref<1x128x64xf32, #tpu.memory_space<vmem>>
        %dma_wait3A_181 = tpu.memref_squeeze %dma_wait3A_180 : memref<1x128x64xf32, #tpu.memory_space<vmem>> -> memref<128x64xf32, #tpu.memory_space<vmem>>
        %dma_wait3A_182 = arith.constant 0 : i32
        %dma_wait3A_183 = tpu.memref_slice %arg7[%add3A_126, %dma_wait3A_182] : memref<80x128xi32, #tpu.memory_space<vmem>> -> memref<1x128xi32, #tpu.memory_space<vmem>>
        %dma_wait3A_184 = tpu.memref_squeeze %dma_wait3A_183 : memref<1x128xi32, #tpu.memory_space<vmem>> -> memref<128xi32, #tpu.memory_space<vmem>>
        %dma_wait3A_185 = arith.constant 0 : i32
        %dma_wait3A_186 = arith.constant 0 : i32
        %dma_wait3A_187 = tpu.memref_slice %arg10[%dma_wait3A_185, %dma_wait3A_186] : memref<10240x64xf32, #tpu.memory_space<vmem_shared>> -> memref<10240x64xf32, #tpu.memory_space<vmem_shared>>
        tpu.wait_indirect_dma semaphore(%run_scoped3A_167 : memref<!tpu.dma_semaphore, #tpu.memory_space<semaphore_mem>>) src(%dma_wait3A_181 : memref<128x64xf32, #tpu.memory_space<vmem>>) dst(%dma_wait3A_187 : memref<10240x64xf32, #tpu.memory_space<vmem_shared>>)
        tpu.yield
      }) : () -> ()
      %add3A_139 = arith.constant 4 : i32
      %add3A_140 = arith.addi %add3A_126, %add3A_139 : i32
      %lt3A_141 = arith.constant 80 : i32
      %lt3A_142 = arith.cmpi slt, %add3A_140, %lt3A_141 : i32
      %convert_element_type3A_143 = arith.extui %lt3A_142 : i1 to i32
      %cond3A_144 = arith.constant 0 : i32
      %cond3A_145 = arith.cmpi ne, %convert_element_type3A_143, %cond3A_144 : i32
      scf.if %cond3A_145 {
        %add3A_167 = arith.constant 4 : i32
        %add3A_168 = arith.addi %add3A_126, %add3A_167 : i32
        %dma_start3A_169 = arith.constant 2 : i32
        %dma_start3A_170 = arith.constant 0 : i32
        %dma_start3A_171 = arith.constant 0 : i32
        %dma_start3A_172 = tpu.memref_slice %arg8[%dma_start3A_169, %dma_start3A_170, %dma_start3A_171] : memref<4x128x64xf32, #tpu.memory_space<vmem>> -> memref<1x128x64xf32, #tpu.memory_space<vmem>>
        %dma_start3A_173 = tpu.memref_squeeze %dma_start3A_172 : memref<1x128x64xf32, #tpu.memory_space<vmem>> -> memref<128x64xf32, #tpu.memory_space<vmem>>
        %dma_start3A_174 = arith.constant 0 : i32
        %dma_start3A_175 = tpu.memref_slice %arg6[%add3A_168, %dma_start3A_174] : memref<80x128xi32, #tpu.memory_space<vmem>> -> memref<1x128xi32, #tpu.memory_space<vmem>>
        %dma_start3A_176 = tpu.memref_squeeze %dma_start3A_175 : memref<1x128xi32, #tpu.memory_space<vmem>> -> memref<128xi32, #tpu.memory_space<vmem>>
        %dma_start3A_177 = arith.constant 0 : i32
        %dma_start3A_178 = arith.constant 0 : i32
        %dma_start3A_179 = tpu.memref_slice %arg2[%dma_start3A_177, %dma_start3A_178] : memref<10000x64xf32, #tpu.memory_space<hbm>> -> memref<10000x64xf32, #tpu.memory_space<hbm>>
        tpu.enqueue_indirect_dma source(%dma_start3A_179 : memref<10000x64xf32, #tpu.memory_space<hbm>>) target(%dma_start3A_173 : memref<128x64xf32, #tpu.memory_space<vmem>>) offsets(%dma_start3A_176 : memref<128xi32, #tpu.memory_space<vmem>>) semaphore(%arg13 : memref<!tpu.dma_semaphore, #tpu.memory_space<semaphore_mem>>)
      } else {
      }
      %add3A_146 = arith.constant 3 : i32
      %add3A_147 = arith.addi %mul3A_87, %add3A_146 : i32
      %dma_wait3A_148 = arith.constant 3 : i32
      %dma_wait3A_149 = arith.constant 0 : i32
      %dma_wait3A_150 = arith.constant 0 : i32
      %dma_wait3A_151 = tpu.memref_slice %arg8[%dma_wait3A_148, %dma_wait3A_149, %dma_wait3A_150] : memref<4x128x64xf32, #tpu.memory_space<vmem>> -> memref<1x128x64xf32, #tpu.memory_space<vmem>>
      %dma_wait3A_152 = tpu.memref_squeeze %dma_wait3A_151 : memref<1x128x64xf32, #tpu.memory_space<vmem>> -> memref<128x64xf32, #tpu.memory_space<vmem>>
      %dma_wait3A_153 = arith.constant 0 : i32
      %dma_wait3A_154 = tpu.memref_slice %arg6[%add3A_147, %dma_wait3A_153] : memref<80x128xi32, #tpu.memory_space<vmem>> -> memref<1x128xi32, #tpu.memory_space<vmem>>
      %dma_wait3A_155 = tpu.memref_squeeze %dma_wait3A_154 : memref<1x128xi32, #tpu.memory_space<vmem>> -> memref<128xi32, #tpu.memory_space<vmem>>
      %dma_wait3A_156 = arith.constant 0 : i32
      %dma_wait3A_157 = arith.constant 0 : i32
      %dma_wait3A_158 = tpu.memref_slice %arg2[%dma_wait3A_156, %dma_wait3A_157] : memref<10000x64xf32, #tpu.memory_space<hbm>> -> memref<10000x64xf32, #tpu.memory_space<hbm>>
      tpu.wait_indirect_dma semaphore(%arg14 : memref<!tpu.dma_semaphore, #tpu.memory_space<semaphore_mem>>) src(%dma_wait3A_158 : memref<10000x64xf32, #tpu.memory_space<hbm>>) dst(%dma_wait3A_152 : memref<128x64xf32, #tpu.memory_space<vmem>>)
      %run_scoped3A_159 = arith.constant 3 : i32
      "tpu.region"() ({
        %run_scoped3A_167 = tpu.sem_alloc : memref<!tpu.dma_semaphore, #tpu.memory_space<semaphore_mem>>
        %dma_start3A_168 = arith.constant 0 : i32
        %dma_start3A_169 = arith.constant 0 : i32
        %dma_start3A_170 = tpu.memref_slice %arg8[%run_scoped3A_159, %dma_start3A_168, %dma_start3A_169] : memref<4x128x64xf32, #tpu.memory_space<vmem>> -> memref<1x128x64xf32, #tpu.memory_space<vmem>>
        %dma_start3A_171 = tpu.memref_squeeze %dma_start3A_170 : memref<1x128x64xf32, #tpu.memory_space<vmem>> -> memref<128x64xf32, #tpu.memory_space<vmem>>
        %dma_start3A_172 = arith.constant 0 : i32
        %dma_start3A_173 = tpu.memref_slice %arg7[%add3A_147, %dma_start3A_172] : memref<80x128xi32, #tpu.memory_space<vmem>> -> memref<1x128xi32, #tpu.memory_space<vmem>>
        %dma_start3A_174 = tpu.memref_squeeze %dma_start3A_173 : memref<1x128xi32, #tpu.memory_space<vmem>> -> memref<128xi32, #tpu.memory_space<vmem>>
        %dma_start3A_175 = arith.constant 0 : i32
        %dma_start3A_176 = arith.constant 0 : i32
        %dma_start3A_177 = tpu.memref_slice %arg10[%dma_start3A_175, %dma_start3A_176] : memref<10240x64xf32, #tpu.memory_space<vmem_shared>> -> memref<10240x64xf32, #tpu.memory_space<vmem_shared>>
        tpu.enqueue_indirect_dma source(%dma_start3A_171 : memref<128x64xf32, #tpu.memory_space<vmem>>) target(%dma_start3A_177 : memref<10240x64xf32, #tpu.memory_space<vmem_shared>>) offsets(%dma_start3A_174 : memref<128xi32, #tpu.memory_space<vmem>>) semaphore(%run_scoped3A_167 : memref<!tpu.dma_semaphore, #tpu.memory_space<semaphore_mem>>) {add = true}
        %dma_wait3A_178 = arith.constant 0 : i32
        %dma_wait3A_179 = arith.constant 0 : i32
        %dma_wait3A_180 = tpu.memref_slice %arg8[%run_scoped3A_159, %dma_wait3A_178, %dma_wait3A_179] : memref<4x128x64xf32, #tpu.memory_space<vmem>> -> memref<1x128x64xf32, #tpu.memory_space<vmem>>
        %dma_wait3A_181 = tpu.memref_squeeze %dma_wait3A_180 : memref<1x128x64xf32, #tpu.memory_space<vmem>> -> memref<128x64xf32, #tpu.memory_space<vmem>>
        %dma_wait3A_182 = arith.constant 0 : i32
        %dma_wait3A_183 = tpu.memref_slice %arg7[%add3A_147, %dma_wait3A_182] : memref<80x128xi32, #tpu.memory_space<vmem>> -> memref<1x128xi32, #tpu.memory_space<vmem>>
        %dma_wait3A_184 = tpu.memref_squeeze %dma_wait3A_183 : memref<1x128xi32, #tpu.memory_space<vmem>> -> memref<128xi32, #tpu.memory_space<vmem>>
        %dma_wait3A_185 = arith.constant 0 : i32
        %dma_wait3A_186 = arith.constant 0 : i32
        %dma_wait3A_187 = tpu.memref_slice %arg10[%dma_wait3A_185, %dma_wait3A_186] : memref<10240x64xf32, #tpu.memory_space<vmem_shared>> -> memref<10240x64xf32, #tpu.memory_space<vmem_shared>>
        tpu.wait_indirect_dma semaphore(%run_scoped3A_167 : memref<!tpu.dma_semaphore, #tpu.memory_space<semaphore_mem>>) src(%dma_wait3A_181 : memref<128x64xf32, #tpu.memory_space<vmem>>) dst(%dma_wait3A_187 : memref<10240x64xf32, #tpu.memory_space<vmem_shared>>)
        tpu.yield
      }) : () -> ()
      %add3A_160 = arith.constant 4 : i32
      %add3A_161 = arith.addi %add3A_147, %add3A_160 : i32
      %lt3A_162 = arith.constant 80 : i32
      %lt3A_163 = arith.cmpi slt, %add3A_161, %lt3A_162 : i32
      %convert_element_type3A_164 = arith.extui %lt3A_163 : i1 to i32
      %cond3A_165 = arith.constant 0 : i32
      %cond3A_166 = arith.cmpi ne, %convert_element_type3A_164, %cond3A_165 : i32
      scf.if %cond3A_166 {
        %add3A_167 = arith.constant 4 : i32
        %add3A_168 = arith.addi %add3A_147, %add3A_167 : i32
        %dma_start3A_169 = arith.constant 3 : i32
        %dma_start3A_170 = arith.constant 0 : i32
        %dma_start3A_171 = arith.constant 0 : i32
        %dma_start3A_172 = tpu.memref_slice %arg8[%dma_start3A_169, %dma_start3A_170, %dma_start3A_171] : memref<4x128x64xf32, #tpu.memory_space<vmem>> -> memref<1x128x64xf32, #tpu.memory_space<vmem>>
        %dma_start3A_173 = tpu.memref_squeeze %dma_start3A_172 : memref<1x128x64xf32, #tpu.memory_space<vmem>> -> memref<128x64xf32, #tpu.memory_space<vmem>>
        %dma_start3A_174 = arith.constant 0 : i32
        %dma_start3A_175 = tpu.memref_slice %arg6[%add3A_168, %dma_start3A_174] : memref<80x128xi32, #tpu.memory_space<vmem>> -> memref<1x128xi32, #tpu.memory_space<vmem>>
        %dma_start3A_176 = tpu.memref_squeeze %dma_start3A_175 : memref<1x128xi32, #tpu.memory_space<vmem>> -> memref<128xi32, #tpu.memory_space<vmem>>
        %dma_start3A_177 = arith.constant 0 : i32
        %dma_start3A_178 = arith.constant 0 : i32
        %dma_start3A_179 = tpu.memref_slice %arg2[%dma_start3A_177, %dma_start3A_178] : memref<10000x64xf32, #tpu.memory_space<hbm>> -> memref<10000x64xf32, #tpu.memory_space<hbm>>
        tpu.enqueue_indirect_dma source(%dma_start3A_179 : memref<10000x64xf32, #tpu.memory_space<hbm>>) target(%dma_start3A_173 : memref<128x64xf32, #tpu.memory_space<vmem>>) offsets(%dma_start3A_176 : memref<128xi32, #tpu.memory_space<vmem>>) semaphore(%arg14 : memref<!tpu.dma_semaphore, #tpu.memory_space<semaphore_mem>>)
      } else {
      }
    }
    %scan3A_79 = arith.constant 20 : i32
    %barrier3A_80 = arith.constant 0 : index
    tpu.barrier barrier_id(%barrier3A_80)
    %mul3A_81 = arith.constant 625 : i32
    %mul3A_82 = arith.muli %arg1, %mul3A_81 : i32
    %mul3A_83 = arith.constant 625 : i32
    %mul3A_84 = arith.muli %arg1, %mul3A_83 : i32
    "tpu.region"() ({
      %run_scoped3A = tpu.sem_alloc : memref<!tpu.dma_semaphore, #tpu.memory_space<semaphore_mem>>
      %dma_start3A_85 = arith.constant 0 : i32
      %dma_start3A_86 = tpu.memref_slice %arg5[%arg0, %mul3A_84, %dma_start3A_85] : memref<2x10000x64xf32, #tpu.memory_space<hbm>> -> memref<1x625x64xf32, #tpu.memory_space<hbm>>
      %dma_start3A_87 = tpu.memref_squeeze %dma_start3A_86 : memref<1x625x64xf32, #tpu.memory_space<hbm>> -> memref<625x64xf32, #tpu.memory_space<hbm>>
      %dma_start3A_88 = arith.constant 0 : i32
      %dma_start3A_89 = tpu.memref_slice %arg10[%mul3A_82, %dma_start3A_88] : memref<10240x64xf32, #tpu.memory_space<vmem_shared>> -> memref<625x64xf32, #tpu.memory_space<vmem_shared>>
      tpu.enqueue_dma source(%dma_start3A_89 : memref<625x64xf32, #tpu.memory_space<vmem_shared>>) target(%dma_start3A_87 : memref<625x64xf32, #tpu.memory_space<hbm>>) target_semaphore(%run_scoped3A : memref<!tpu.dma_semaphore, #tpu.memory_space<semaphore_mem>>)
      %dma_wait3A = arith.constant 0 : i32
      %dma_wait3A_90 = tpu.memref_slice %arg5[%arg0, %mul3A_84, %dma_wait3A] : memref<2x10000x64xf32, #tpu.memory_space<hbm>> -> memref<1x625x64xf32, #tpu.memory_space<hbm>>
      %dma_wait3A_91 = tpu.memref_squeeze %dma_wait3A_90 : memref<1x625x64xf32, #tpu.memory_space<hbm>> -> memref<625x64xf32, #tpu.memory_space<hbm>>
      %dma_wait3A_92 = arith.constant 0 : i32
      %dma_wait3A_93 = tpu.memref_slice %arg10[%mul3A_82, %dma_wait3A_92] : memref<10240x64xf32, #tpu.memory_space<vmem_shared>> -> memref<625x64xf32, #tpu.memory_space<vmem_shared>>
      tpu.wait_dma2 semaphore(%run_scoped3A : memref<!tpu.dma_semaphore, #tpu.memory_space<semaphore_mem>>) src(%dma_wait3A_93 : memref<625x64xf32, #tpu.memory_space<vmem_shared>>) dst(%dma_wait3A_91 : memref<625x64xf32, #tpu.memory_space<hbm>>)
      tpu.yield
    }) : () -> ()
    return
  }
}

#map = affine_map<(d0, d1) -> (0, 0)>
#map1 = affine_map<(d0, d1) -> (0, 0, 0)>
module attributes {stable_mosaic.version = 14 : i64} {
  func.func @_prop_body(%arg0: i32, %arg1: i32, %arg2: memref<10000x64xf32, #tpu.memory_space<hbm>>, %arg3: memref<32x80x128xi32, #tpu.memory_space<hbm>>, %arg4: memref<32x80x128xi32, #tpu.memory_space<hbm>>, %arg5: memref<2x10000x64xf32, #tpu.memory_space<hbm>>, %arg6: memref<80x128xi32, #tpu.memory_space<vmem>>, %arg7: memref<80x128xi32, #tpu.memory_space<vmem>>, %arg8: memref<4x128x64xf32, #tpu.memory_space<vmem>>, %arg9: memref<128x64xf32, #tpu.memory_space<vmem>>, %arg10: memref<10240x64xf32, #tpu.memory_space<vmem_shared>>, %arg11: memref<!tpu.dma_semaphore, #tpu.memory_space<semaphore_mem>>, %arg12: memref<!tpu.dma_semaphore, #tpu.memory_space<semaphore_mem>>, %arg13: memref<!tpu.dma_semaphore, #tpu.memory_space<semaphore_mem>>, %arg14: memref<!tpu.dma_semaphore, #tpu.memory_space<semaphore_mem>>) attributes {dimension_semantics = [#tpu.dimension_semantics<core_parallel>, #tpu.dimension_semantics<subcore_parallel>], iteration_bounds = array<i64: 2, 16>, scalar_prefetch = 0 : i64, scratch_operands = 9 : i64, tpu.core_type = #tpu.core_type<sc_vector_subcore>, window_params = [{transform_indices = #map}, {transform_indices = #map1}, {transform_indices = #map1}, {transform_indices = #map1}]} {
    %mul3A = arith.constant 16 : i32
    %mul3A_0 = arith.muli %arg0, %mul3A : i32
    %add3A = arith.addi %mul3A_0, %arg1 : i32
    "tpu.region"() ({
      %run_scoped3A = tpu.sem_alloc : memref<!tpu.dma_semaphore, #tpu.memory_space<semaphore_mem>>
      %dma_start3A_85 = arith.constant 0 : i32
      %dma_start3A_86 = arith.constant 0 : i32
      %dma_start3A_87 = tpu.memref_slice %arg3[%add3A, %dma_start3A_85, %dma_start3A_86] : memref<32x80x128xi32, #tpu.memory_space<hbm>> -> memref<1x80x128xi32, #tpu.memory_space<hbm>>
      %dma_start3A_88 = tpu.memref_squeeze %dma_start3A_87 : memref<1x80x128xi32, #tpu.memory_space<hbm>> -> memref<80x128xi32, #tpu.memory_space<hbm>>
      %dma_start3A_89 = arith.constant 0 : i32
      %dma_start3A_90 = arith.constant 0 : i32
      %dma_start3A_91 = tpu.memref_slice %arg3[%add3A, %dma_start3A_89, %dma_start3A_90] : memref<32x80x128xi32, #tpu.memory_space<hbm>> -> memref<1x80x128xi32, #tpu.memory_space<hbm>>
      %dma_start3A_92 = tpu.memref_squeeze %dma_start3A_91 : memref<1x80x128xi32, #tpu.memory_space<hbm>> -> memref<80x128xi32, #tpu.memory_space<hbm>>
      tpu.enqueue_dma source(%dma_start3A_92 : memref<80x128xi32, #tpu.memory_space<hbm>>) target(%arg6 : memref<80x128xi32, #tpu.memory_space<vmem>>) target_semaphore(%run_scoped3A : memref<!tpu.dma_semaphore, #tpu.memory_space<semaphore_mem>>)
      %dma_wait3A = arith.constant 0 : i32
      %dma_wait3A_93 = arith.constant 0 : i32
      %dma_wait3A_94 = tpu.memref_slice %arg3[%add3A, %dma_wait3A, %dma_wait3A_93] : memref<32x80x128xi32, #tpu.memory_space<hbm>> -> memref<1x80x128xi32, #tpu.memory_space<hbm>>
      %dma_wait3A_95 = tpu.memref_squeeze %dma_wait3A_94 : memref<1x80x128xi32, #tpu.memory_space<hbm>> -> memref<80x128xi32, #tpu.memory_space<hbm>>
      %dma_wait3A_96 = arith.constant 0 : i32
      %dma_wait3A_97 = arith.constant 0 : i32
      %dma_wait3A_98 = tpu.memref_slice %arg3[%add3A, %dma_wait3A_96, %dma_wait3A_97] : memref<32x80x128xi32, #tpu.memory_space<hbm>> -> memref<1x80x128xi32, #tpu.memory_space<hbm>>
      %dma_wait3A_99 = tpu.memref_squeeze %dma_wait3A_98 : memref<1x80x128xi32, #tpu.memory_space<hbm>> -> memref<80x128xi32, #tpu.memory_space<hbm>>
      tpu.wait_dma2 semaphore(%run_scoped3A : memref<!tpu.dma_semaphore, #tpu.memory_space<semaphore_mem>>) src(%dma_wait3A_99 : memref<80x128xi32, #tpu.memory_space<hbm>>) dst(%arg6 : memref<80x128xi32, #tpu.memory_space<vmem>>)
      tpu.yield
    }) : () -> ()
    "tpu.region"() ({
      %run_scoped3A = tpu.sem_alloc : memref<!tpu.dma_semaphore, #tpu.memory_space<semaphore_mem>>
      %dma_start3A_85 = arith.constant 0 : i32
      %dma_start3A_86 = arith.constant 0 : i32
      %dma_start3A_87 = tpu.memref_slice %arg4[%add3A, %dma_start3A_85, %dma_start3A_86] : memref<32x80x128xi32, #tpu.memory_space<hbm>> -> memref<1x80x128xi32, #tpu.memory_space<hbm>>
      %dma_start3A_88 = tpu.memref_squeeze %dma_start3A_87 : memref<1x80x128xi32, #tpu.memory_space<hbm>> -> memref<80x128xi32, #tpu.memory_space<hbm>>
      %dma_start3A_89 = arith.constant 0 : i32
      %dma_start3A_90 = arith.constant 0 : i32
      %dma_start3A_91 = tpu.memref_slice %arg4[%add3A, %dma_start3A_89, %dma_start3A_90] : memref<32x80x128xi32, #tpu.memory_space<hbm>> -> memref<1x80x128xi32, #tpu.memory_space<hbm>>
      %dma_start3A_92 = tpu.memref_squeeze %dma_start3A_91 : memref<1x80x128xi32, #tpu.memory_space<hbm>> -> memref<80x128xi32, #tpu.memory_space<hbm>>
      tpu.enqueue_dma source(%dma_start3A_92 : memref<80x128xi32, #tpu.memory_space<hbm>>) target(%arg7 : memref<80x128xi32, #tpu.memory_space<vmem>>) target_semaphore(%run_scoped3A : memref<!tpu.dma_semaphore, #tpu.memory_space<semaphore_mem>>)
      %dma_wait3A = arith.constant 0 : i32
      %dma_wait3A_93 = arith.constant 0 : i32
      %dma_wait3A_94 = tpu.memref_slice %arg4[%add3A, %dma_wait3A, %dma_wait3A_93] : memref<32x80x128xi32, #tpu.memory_space<hbm>> -> memref<1x80x128xi32, #tpu.memory_space<hbm>>
      %dma_wait3A_95 = tpu.memref_squeeze %dma_wait3A_94 : memref<1x80x128xi32, #tpu.memory_space<hbm>> -> memref<80x128xi32, #tpu.memory_space<hbm>>
      %dma_wait3A_96 = arith.constant 0 : i32
      %dma_wait3A_97 = arith.constant 0 : i32
      %dma_wait3A_98 = tpu.memref_slice %arg4[%add3A, %dma_wait3A_96, %dma_wait3A_97] : memref<32x80x128xi32, #tpu.memory_space<hbm>> -> memref<1x80x128xi32, #tpu.memory_space<hbm>>
      %dma_wait3A_99 = tpu.memref_squeeze %dma_wait3A_98 : memref<1x80x128xi32, #tpu.memory_space<hbm>> -> memref<80x128xi32, #tpu.memory_space<hbm>>
      tpu.wait_dma2 semaphore(%run_scoped3A : memref<!tpu.dma_semaphore, #tpu.memory_space<semaphore_mem>>) src(%dma_wait3A_99 : memref<80x128xi32, #tpu.memory_space<hbm>>) dst(%arg7 : memref<80x128xi32, #tpu.memory_space<vmem>>)
      tpu.yield
    }) : () -> ()
    %dma_start3A = arith.constant 0 : i32
    %dma_start3A_1 = arith.constant 0 : i32
    %dma_start3A_2 = arith.constant 0 : i32
    %dma_start3A_3 = arith.constant 0 : i32
    %dma_start3A_4 = tpu.memref_slice %arg8[%dma_start3A_1, %dma_start3A_2, %dma_start3A_3] : memref<4x128x64xf32, #tpu.memory_space<vmem>> -> memref<1x128x64xf32, #tpu.memory_space<vmem>>
    %dma_start3A_5 = tpu.memref_squeeze %dma_start3A_4 : memref<1x128x64xf32, #tpu.memory_space<vmem>> -> memref<128x64xf32, #tpu.memory_space<vmem>>
    %dma_start3A_6 = arith.constant 0 : i32
    %dma_start3A_7 = tpu.memref_slice %arg6[%dma_start3A, %dma_start3A_6] : memref<80x128xi32, #tpu.memory_space<vmem>> -> memref<1x128xi32, #tpu.memory_space<vmem>>
    %dma_start3A_8 = tpu.memref_squeeze %dma_start3A_7 : memref<1x128xi32, #tpu.memory_space<vmem>> -> memref<128xi32, #tpu.memory_space<vmem>>
    %dma_start3A_9 = arith.constant 0 : i32
    %dma_start3A_10 = arith.constant 0 : i32
    %dma_start3A_11 = tpu.memref_slice %arg2[%dma_start3A_9, %dma_start3A_10] : memref<10000x64xf32, #tpu.memory_space<hbm>> -> memref<10000x64xf32, #tpu.memory_space<hbm>>
    tpu.enqueue_indirect_dma source(%dma_start3A_11 : memref<10000x64xf32, #tpu.memory_space<hbm>>) target(%dma_start3A_5 : memref<128x64xf32, #tpu.memory_space<vmem>>) offsets(%dma_start3A_8 : memref<128xi32, #tpu.memory_space<vmem>>) semaphore(%arg11 : memref<!tpu.dma_semaphore, #tpu.memory_space<semaphore_mem>>)
    %dma_start3A_12 = arith.constant 1 : i32
    %dma_start3A_13 = arith.constant 1 : i32
    %dma_start3A_14 = arith.constant 0 : i32
    %dma_start3A_15 = arith.constant 0 : i32
    %dma_start3A_16 = tpu.memref_slice %arg8[%dma_start3A_13, %dma_start3A_14, %dma_start3A_15] : memref<4x128x64xf32, #tpu.memory_space<vmem>> -> memref<1x128x64xf32, #tpu.memory_space<vmem>>
    %dma_start3A_17 = tpu.memref_squeeze %dma_start3A_16 : memref<1x128x64xf32, #tpu.memory_space<vmem>> -> memref<128x64xf32, #tpu.memory_space<vmem>>
    %dma_start3A_18 = arith.constant 0 : i32
    %dma_start3A_19 = tpu.memref_slice %arg6[%dma_start3A_12, %dma_start3A_18] : memref<80x128xi32, #tpu.memory_space<vmem>> -> memref<1x128xi32, #tpu.memory_space<vmem>>
    %dma_start3A_20 = tpu.memref_squeeze %dma_start3A_19 : memref<1x128xi32, #tpu.memory_space<vmem>> -> memref<128xi32, #tpu.memory_space<vmem>>
    %dma_start3A_21 = arith.constant 0 : i32
    %dma_start3A_22 = arith.constant 0 : i32
    %dma_start3A_23 = tpu.memref_slice %arg2[%dma_start3A_21, %dma_start3A_22] : memref<10000x64xf32, #tpu.memory_space<hbm>> -> memref<10000x64xf32, #tpu.memory_space<hbm>>
    tpu.enqueue_indirect_dma source(%dma_start3A_23 : memref<10000x64xf32, #tpu.memory_space<hbm>>) target(%dma_start3A_17 : memref<128x64xf32, #tpu.memory_space<vmem>>) offsets(%dma_start3A_20 : memref<128xi32, #tpu.memory_space<vmem>>) semaphore(%arg12 : memref<!tpu.dma_semaphore, #tpu.memory_space<semaphore_mem>>)
    %dma_start3A_24 = arith.constant 2 : i32
    %dma_start3A_25 = arith.constant 2 : i32
    %dma_start3A_26 = arith.constant 0 : i32
    %dma_start3A_27 = arith.constant 0 : i32
    %dma_start3A_28 = tpu.memref_slice %arg8[%dma_start3A_25, %dma_start3A_26, %dma_start3A_27] : memref<4x128x64xf32, #tpu.memory_space<vmem>> -> memref<1x128x64xf32, #tpu.memory_space<vmem>>
    %dma_start3A_29 = tpu.memref_squeeze %dma_start3A_28 : memref<1x128x64xf32, #tpu.memory_space<vmem>> -> memref<128x64xf32, #tpu.memory_space<vmem>>
    %dma_start3A_30 = arith.constant 0 : i32
    %dma_start3A_31 = tpu.memref_slice %arg6[%dma_start3A_24, %dma_start3A_30] : memref<80x128xi32, #tpu.memory_space<vmem>> -> memref<1x128xi32, #tpu.memory_space<vmem>>
    %dma_start3A_32 = tpu.memref_squeeze %dma_start3A_31 : memref<1x128xi32, #tpu.memory_space<vmem>> -> memref<128xi32, #tpu.memory_space<vmem>>
    %dma_start3A_33 = arith.constant 0 : i32
    %dma_start3A_34 = arith.constant 0 : i32
    %dma_start3A_35 = tpu.memref_slice %arg2[%dma_start3A_33, %dma_start3A_34] : memref<10000x64xf32, #tpu.memory_space<hbm>> -> memref<10000x64xf32, #tpu.memory_space<hbm>>
    tpu.enqueue_indirect_dma source(%dma_start3A_35 : memref<10000x64xf32, #tpu.memory_space<hbm>>) target(%dma_start3A_29 : memref<128x64xf32, #tpu.memory_space<vmem>>) offsets(%dma_start3A_32 : memref<128xi32, #tpu.memory_space<vmem>>) semaphore(%arg13 : memref<!tpu.dma_semaphore, #tpu.memory_space<semaphore_mem>>)
    %dma_start3A_36 = arith.constant 3 : i32
    %dma_start3A_37 = arith.constant 3 : i32
    %dma_start3A_38 = arith.constant 0 : i32
    %dma_start3A_39 = arith.constant 0 : i32
    %dma_start3A_40 = tpu.memref_slice %arg8[%dma_start3A_37, %dma_start3A_38, %dma_start3A_39] : memref<4x128x64xf32, #tpu.memory_space<vmem>> -> memref<1x128x64xf32, #tpu.memory_space<vmem>>
    %dma_start3A_41 = tpu.memref_squeeze %dma_start3A_40 : memref<1x128x64xf32, #tpu.memory_space<vmem>> -> memref<128x64xf32, #tpu.memory_space<vmem>>
    %dma_start3A_42 = arith.constant 0 : i32
    %dma_start3A_43 = tpu.memref_slice %arg6[%dma_start3A_36, %dma_start3A_42] : memref<80x128xi32, #tpu.memory_space<vmem>> -> memref<1x128xi32, #tpu.memory_space<vmem>>
    %dma_start3A_44 = tpu.memref_squeeze %dma_start3A_43 : memref<1x128xi32, #tpu.memory_space<vmem>> -> memref<128xi32, #tpu.memory_space<vmem>>
    %dma_start3A_45 = arith.constant 0 : i32
    %dma_start3A_46 = arith.constant 0 : i32
    %dma_start3A_47 = tpu.memref_slice %arg2[%dma_start3A_45, %dma_start3A_46] : memref<10000x64xf32, #tpu.memory_space<hbm>> -> memref<10000x64xf32, #tpu.memory_space<hbm>>
    tpu.enqueue_indirect_dma source(%dma_start3A_47 : memref<10000x64xf32, #tpu.memory_space<hbm>>) target(%dma_start3A_41 : memref<128x64xf32, #tpu.memory_space<vmem>>) offsets(%dma_start3A_44 : memref<128xi32, #tpu.memory_space<vmem>>) semaphore(%arg14 : memref<!tpu.dma_semaphore, #tpu.memory_space<semaphore_mem>>)
    %broadcast_in_dim3A = arith.constant 0.000000e+00 : f32
    %broadcast_in_dim3A_48 = vector.broadcast %broadcast_in_dim3A : f32 to vector<16xf32>
    %scan3A = arith.constant 0 : i32
    %scan3A_49 = arith.constant 0 : i32
    %scan3A_50 = arith.constant 500 : i32
    %scan3A_51 = arith.addi %scan3A_49, %scan3A_50 : i32
    %scan3A_52 = arith.constant 1 : i32
    scf.for %scan3A_85 = %scan3A_49 to %scan3A_51 step %scan3A_52  : i32 {
      %jit3A = arith.constant 4 : i32
      %div3A = arith.divsi %scan3A_85, %jit3A : i32
      %sign3A = arith.constant 0 : i32
      %sign3A_86 = arith.cmpi sgt, %scan3A_85, %sign3A : i32
      %sign3A_87 = arith.extui %sign3A_86 : i1 to i32
      %sign3A_88 = arith.constant 0 : i32
      %sign3A_89 = arith.cmpi slt, %scan3A_85, %sign3A_88 : i32
      %sign3A_90 = arith.extui %sign3A_89 : i1 to i32
      %sign3A_91 = arith.subi %sign3A_87, %sign3A_90 : i32
      %sign3A_92 = arith.constant 0 : i32
      %sign3A_93 = arith.cmpi sgt, %jit3A, %sign3A_92 : i32
      %sign3A_94 = arith.extui %sign3A_93 : i1 to i32
      %sign3A_95 = arith.constant 0 : i32
      %sign3A_96 = arith.cmpi slt, %jit3A, %sign3A_95 : i32
      %sign3A_97 = arith.extui %sign3A_96 : i1 to i32
      %sign3A_98 = arith.subi %sign3A_94, %sign3A_97 : i32
      %ne3A = arith.cmpi ne, %sign3A_91, %sign3A_98 : i32
      %rem3A = arith.remsi %scan3A_85, %jit3A : i32
      %ne3A_99 = arith.constant 0 : i32
      %ne3A_100 = arith.cmpi ne, %rem3A, %ne3A_99 : i32
      %and3A = arith.andi %ne3A, %ne3A_100 : i1
      %sub3A = arith.constant 1 : i32
      %sub3A_101 = arith.subi %div3A, %sub3A : i32
      %select_n3A = arith.select %and3A, %sub3A_101, %div3A : i32
      %jit3A_102 = arith.constant 4 : i32
      %eq3A = arith.constant 0 : i32
      %eq3A_103 = arith.cmpi eq, %jit3A_102, %eq3A : i32
      %jit3A_104 = arith.constant 1 : i32
      %select_n3A_105 = arith.select %eq3A_103, %jit3A_104, %jit3A_102 : i32
      %rem3A_106 = arith.remsi %scan3A_85, %select_n3A_105 : i32
      %ne3A_107 = arith.constant 0 : i32
      %ne3A_108 = arith.cmpi ne, %rem3A_106, %ne3A_107 : i32
      %lt3A = arith.constant 0 : i32
      %lt3A_109 = arith.cmpi slt, %rem3A_106, %lt3A : i32
      %lt3A_110 = arith.constant 0 : i32
      %lt3A_111 = arith.cmpi slt, %select_n3A_105, %lt3A_110 : i32
      %ne3A_112 = arith.xori %lt3A_109, %lt3A_111 : i1
      %and3A_113 = arith.andi %ne3A_112, %ne3A_108 : i1
      %add3A_114 = arith.addi %rem3A_106, %select_n3A_105 : i32
      %select_n3A_115 = arith.select %and3A_113, %add3A_114, %rem3A_106 : i32
      %mul3A_116 = arith.constant 16 : i32
      %mul3A_117 = arith.muli %select_n3A_115, %mul3A_116 : i32
      %swap3A = arith.index_cast %select_n3A : i32 to index
      %swap3A_118 = arith.index_cast %mul3A_117 : i32 to index
      %swap3A_119 = tpu.vector_load %arg9[%swap3A, %swap3A_118] {strides = array<i32>} : memref<128x64xf32, #tpu.memory_space<vmem>>, vector<16xf32>,
      tpu.vector_store %arg9[%swap3A, %swap3A_118], %broadcast_in_dim3A_48 {strides = array<i32>} : memref<128x64xf32, #tpu.memory_space<vmem>>, vector<16xf32>,
    }
    %scan3A_53 = arith.constant 500 : i32
    %mul3A_54 = arith.constant 625 : i32
    %mul3A_55 = arith.muli %arg1, %mul3A_54 : i32
    %add3A_56 = arith.constant 0 : i32
    %add3A_57 = arith.addi %mul3A_55, %add3A_56 : i32
    "tpu.region"() ({
      %run_scoped3A = tpu.sem_alloc : memref<!tpu.dma_semaphore, #tpu.memory_space<semaphore_mem>>
      %dma_start3A_85 = arith.constant 0 : i32
      %dma_start3A_86 = arith.constant 0 : i32
      %dma_start3A_87 = tpu.memref_slice %arg9[%dma_start3A_85, %dma_start3A_86] : memref<128x64xf32, #tpu.memory_space<vmem>> -> memref<125x64xf32, #tpu.memory_space<vmem>>
      %dma_start3A_88 = arith.constant 0 : i32
      %dma_start3A_89 = tpu.memref_slice %arg10[%add3A_57, %dma_start3A_88] : memref<10240x64xf32, #tpu.memory_space<vmem_shared>> -> memref<125x64xf32, #tpu.memory_space<vmem_shared>>
      %dma_start3A_90 = arith.constant 0 : i32
      %dma_start3A_91 = tpu.memref_slice %arg10[%add3A_57, %dma_start3A_90] : memref<10240x64xf32, #tpu.memory_space<vmem_shared>> -> memref<125x64xf32, #tpu.memory_space<vmem_shared>>
      %dma_start3A_92 = arith.constant 0 : i32
      %dma_start3A_93 = arith.constant 0 : i32
      %dma_start3A_94 = tpu.memref_slice %arg9[%dma_start3A_92, %dma_start3A_93] : memref<128x64xf32, #tpu.memory_space<vmem>> -> memref<125x64xf32, #tpu.memory_space<vmem>>
      tpu.enqueue_dma source(%dma_start3A_94 : memref<125x64xf32, #tpu.memory_space<vmem>>) target(%dma_start3A_91 : memref<125x64xf32, #tpu.memory_space<vmem_shared>>) target_semaphore(%run_scoped3A : memref<!tpu.dma_semaphore, #tpu.memory_space<semaphore_mem>>)
      %dma_wait3A = arith.constant 0 : i32
      %dma_wait3A_95 = arith.constant 0 : i32
      %dma_wait3A_96 = tpu.memref_slice %arg9[%dma_wait3A, %dma_wait3A_95] : memref<128x64xf32, #tpu.memory_space<vmem>> -> memref<125x64xf32, #tpu.memory_space<vmem>>
      %dma_wait3A_97 = arith.constant 0 : i32
      %dma_wait3A_98 = tpu.memref_slice %arg10[%add3A_57, %dma_wait3A_97] : memref<10240x64xf32, #tpu.memory_space<vmem_shared>> -> memref<125x64xf32, #tpu.memory_space<vmem_shared>>
      %dma_wait3A_99 = arith.constant 0 : i32
      %dma_wait3A_100 = tpu.memref_slice %arg10[%add3A_57, %dma_wait3A_99] : memref<10240x64xf32, #tpu.memory_space<vmem_shared>> -> memref<125x64xf32, #tpu.memory_space<vmem_shared>>
      %dma_wait3A_101 = arith.constant 0 : i32
      %dma_wait3A_102 = arith.constant 0 : i32
      %dma_wait3A_103 = tpu.memref_slice %arg9[%dma_wait3A_101, %dma_wait3A_102] : memref<128x64xf32, #tpu.memory_space<vmem>> -> memref<125x64xf32, #tpu.memory_space<vmem>>
      tpu.wait_dma2 semaphore(%run_scoped3A : memref<!tpu.dma_semaphore, #tpu.memory_space<semaphore_mem>>) src(%dma_wait3A_103 : memref<125x64xf32, #tpu.memory_space<vmem>>) dst(%dma_wait3A_100 : memref<125x64xf32, #tpu.memory_space<vmem_shared>>)
      tpu.yield
    }) : () -> ()
    %mul3A_58 = arith.constant 625 : i32
    %mul3A_59 = arith.muli %arg1, %mul3A_58 : i32
    %add3A_60 = arith.constant 125 : i32
    %add3A_61 = arith.addi %mul3A_59, %add3A_60 : i32
    "tpu.region"() ({
      %run_scoped3A = tpu.sem_alloc : memref<!tpu.dma_semaphore, #tpu.memory_space<semaphore_mem>>
      %dma_start3A_85 = arith.constant 0 : i32
      %dma_start3A_86 = arith.constant 0 : i32
      %dma_start3A_87 = tpu.memref_slice %arg9[%dma_start3A_85, %dma_start3A_86] : memref<128x64xf32, #tpu.memory_space<vmem>> -> memref<125x64xf32, #tpu.memory_space<vmem>>
      %dma_start3A_88 = arith.constant 0 : i32
      %dma_start3A_89 = tpu.memref_slice %arg10[%add3A_61, %dma_start3A_88] : memref<10240x64xf32, #tpu.memory_space<vmem_shared>> -> memref<125x64xf32, #tpu.memory_space<vmem_shared>>
      %dma_start3A_90 = arith.constant 0 : i32
      %dma_start3A_91 = tpu.memref_slice %arg10[%add3A_61, %dma_start3A_90] : memref<10240x64xf32, #tpu.memory_space<vmem_shared>> -> memref<125x64xf32, #tpu.memory_space<vmem_shared>>
      %dma_start3A_92 = arith.constant 0 : i32
      %dma_start3A_93 = arith.constant 0 : i32
      %dma_start3A_94 = tpu.memref_slice %arg9[%dma_start3A_92, %dma_start3A_93] : memref<128x64xf32, #tpu.memory_space<vmem>> -> memref<125x64xf32, #tpu.memory_space<vmem>>
      tpu.enqueue_dma source(%dma_start3A_94 : memref<125x64xf32, #tpu.memory_space<vmem>>) target(%dma_start3A_91 : memref<125x64xf32, #tpu.memory_space<vmem_shared>>) target_semaphore(%run_scoped3A : memref<!tpu.dma_semaphore, #tpu.memory_space<semaphore_mem>>)
      %dma_wait3A = arith.constant 0 : i32
      %dma_wait3A_95 = arith.constant 0 : i32
      %dma_wait3A_96 = tpu.memref_slice %arg9[%dma_wait3A, %dma_wait3A_95] : memref<128x64xf32, #tpu.memory_space<vmem>> -> memref<125x64xf32, #tpu.memory_space<vmem>>
      %dma_wait3A_97 = arith.constant 0 : i32
      %dma_wait3A_98 = tpu.memref_slice %arg10[%add3A_61, %dma_wait3A_97] : memref<10240x64xf32, #tpu.memory_space<vmem_shared>> -> memref<125x64xf32, #tpu.memory_space<vmem_shared>>
      %dma_wait3A_99 = arith.constant 0 : i32
      %dma_wait3A_100 = tpu.memref_slice %arg10[%add3A_61, %dma_wait3A_99] : memref<10240x64xf32, #tpu.memory_space<vmem_shared>> -> memref<125x64xf32, #tpu.memory_space<vmem_shared>>
      %dma_wait3A_101 = arith.constant 0 : i32
      %dma_wait3A_102 = arith.constant 0 : i32
      %dma_wait3A_103 = tpu.memref_slice %arg9[%dma_wait3A_101, %dma_wait3A_102] : memref<128x64xf32, #tpu.memory_space<vmem>> -> memref<125x64xf32, #tpu.memory_space<vmem>>
      tpu.wait_dma2 semaphore(%run_scoped3A : memref<!tpu.dma_semaphore, #tpu.memory_space<semaphore_mem>>) src(%dma_wait3A_103 : memref<125x64xf32, #tpu.memory_space<vmem>>) dst(%dma_wait3A_100 : memref<125x64xf32, #tpu.memory_space<vmem_shared>>)
      tpu.yield
    }) : () -> ()
    %mul3A_62 = arith.constant 625 : i32
    %mul3A_63 = arith.muli %arg1, %mul3A_62 : i32
    %add3A_64 = arith.constant 250 : i32
    %add3A_65 = arith.addi %mul3A_63, %add3A_64 : i32
    "tpu.region"() ({
      %run_scoped3A = tpu.sem_alloc : memref<!tpu.dma_semaphore, #tpu.memory_space<semaphore_mem>>
      %dma_start3A_85 = arith.constant 0 : i32
      %dma_start3A_86 = arith.constant 0 : i32
      %dma_start3A_87 = tpu.memref_slice %arg9[%dma_start3A_85, %dma_start3A_86] : memref<128x64xf32, #tpu.memory_space<vmem>> -> memref<125x64xf32, #tpu.memory_space<vmem>>
      %dma_start3A_88 = arith.constant 0 : i32
      %dma_start3A_89 = tpu.memref_slice %arg10[%add3A_65, %dma_start3A_88] : memref<10240x64xf32, #tpu.memory_space<vmem_shared>> -> memref<125x64xf32, #tpu.memory_space<vmem_shared>>
      %dma_start3A_90 = arith.constant 0 : i32
      %dma_start3A_91 = tpu.memref_slice %arg10[%add3A_65, %dma_start3A_90] : memref<10240x64xf32, #tpu.memory_space<vmem_shared>> -> memref<125x64xf32, #tpu.memory_space<vmem_shared>>
      %dma_start3A_92 = arith.constant 0 : i32
      %dma_start3A_93 = arith.constant 0 : i32
      %dma_start3A_94 = tpu.memref_slice %arg9[%dma_start3A_92, %dma_start3A_93] : memref<128x64xf32, #tpu.memory_space<vmem>> -> memref<125x64xf32, #tpu.memory_space<vmem>>
      tpu.enqueue_dma source(%dma_start3A_94 : memref<125x64xf32, #tpu.memory_space<vmem>>) target(%dma_start3A_91 : memref<125x64xf32, #tpu.memory_space<vmem_shared>>) target_semaphore(%run_scoped3A : memref<!tpu.dma_semaphore, #tpu.memory_space<semaphore_mem>>)
      %dma_wait3A = arith.constant 0 : i32
      %dma_wait3A_95 = arith.constant 0 : i32
      %dma_wait3A_96 = tpu.memref_slice %arg9[%dma_wait3A, %dma_wait3A_95] : memref<128x64xf32, #tpu.memory_space<vmem>> -> memref<125x64xf32, #tpu.memory_space<vmem>>
      %dma_wait3A_97 = arith.constant 0 : i32
      %dma_wait3A_98 = tpu.memref_slice %arg10[%add3A_65, %dma_wait3A_97] : memref<10240x64xf32, #tpu.memory_space<vmem_shared>> -> memref<125x64xf32, #tpu.memory_space<vmem_shared>>
      %dma_wait3A_99 = arith.constant 0 : i32
      %dma_wait3A_100 = tpu.memref_slice %arg10[%add3A_65, %dma_wait3A_99] : memref<10240x64xf32, #tpu.memory_space<vmem_shared>> -> memref<125x64xf32, #tpu.memory_space<vmem_shared>>
      %dma_wait3A_101 = arith.constant 0 : i32
      %dma_wait3A_102 = arith.constant 0 : i32
      %dma_wait3A_103 = tpu.memref_slice %arg9[%dma_wait3A_101, %dma_wait3A_102] : memref<128x64xf32, #tpu.memory_space<vmem>> -> memref<125x64xf32, #tpu.memory_space<vmem>>
      tpu.wait_dma2 semaphore(%run_scoped3A : memref<!tpu.dma_semaphore, #tpu.memory_space<semaphore_mem>>) src(%dma_wait3A_103 : memref<125x64xf32, #tpu.memory_space<vmem>>) dst(%dma_wait3A_100 : memref<125x64xf32, #tpu.memory_space<vmem_shared>>)
      tpu.yield
    }) : () -> ()
    %mul3A_66 = arith.constant 625 : i32
    %mul3A_67 = arith.muli %arg1, %mul3A_66 : i32
    %add3A_68 = arith.constant 375 : i32
    %add3A_69 = arith.addi %mul3A_67, %add3A_68 : i32
    "tpu.region"() ({
      %run_scoped3A = tpu.sem_alloc : memref<!tpu.dma_semaphore, #tpu.memory_space<semaphore_mem>>
      %dma_start3A_85 = arith.constant 0 : i32
      %dma_start3A_86 = arith.constant 0 : i32
      %dma_start3A_87 = tpu.memref_slice %arg9[%dma_start3A_85, %dma_start3A_86] : memref<128x64xf32, #tpu.memory_space<vmem>> -> memref<125x64xf32, #tpu.memory_space<vmem>>
      %dma_start3A_88 = arith.constant 0 : i32
      %dma_start3A_89 = tpu.memref_slice %arg10[%add3A_69, %dma_start3A_88] : memref<10240x64xf32, #tpu.memory_space<vmem_shared>> -> memref<125x64xf32, #tpu.memory_space<vmem_shared>>
      %dma_start3A_90 = arith.constant 0 : i32
      %dma_start3A_91 = tpu.memref_slice %arg10[%add3A_69, %dma_start3A_90] : memref<10240x64xf32, #tpu.memory_space<vmem_shared>> -> memref<125x64xf32, #tpu.memory_space<vmem_shared>>
      %dma_start3A_92 = arith.constant 0 : i32
      %dma_start3A_93 = arith.constant 0 : i32
      %dma_start3A_94 = tpu.memref_slice %arg9[%dma_start3A_92, %dma_start3A_93] : memref<128x64xf32, #tpu.memory_space<vmem>> -> memref<125x64xf32, #tpu.memory_space<vmem>>
      tpu.enqueue_dma source(%dma_start3A_94 : memref<125x64xf32, #tpu.memory_space<vmem>>) target(%dma_start3A_91 : memref<125x64xf32, #tpu.memory_space<vmem_shared>>) target_semaphore(%run_scoped3A : memref<!tpu.dma_semaphore, #tpu.memory_space<semaphore_mem>>)
      %dma_wait3A = arith.constant 0 : i32
      %dma_wait3A_95 = arith.constant 0 : i32
      %dma_wait3A_96 = tpu.memref_slice %arg9[%dma_wait3A, %dma_wait3A_95] : memref<128x64xf32, #tpu.memory_space<vmem>> -> memref<125x64xf32, #tpu.memory_space<vmem>>
      %dma_wait3A_97 = arith.constant 0 : i32
      %dma_wait3A_98 = tpu.memref_slice %arg10[%add3A_69, %dma_wait3A_97] : memref<10240x64xf32, #tpu.memory_space<vmem_shared>> -> memref<125x64xf32, #tpu.memory_space<vmem_shared>>
      %dma_wait3A_99 = arith.constant 0 : i32
      %dma_wait3A_100 = tpu.memref_slice %arg10[%add3A_69, %dma_wait3A_99] : memref<10240x64xf32, #tpu.memory_space<vmem_shared>> -> memref<125x64xf32, #tpu.memory_space<vmem_shared>>
      %dma_wait3A_101 = arith.constant 0 : i32
      %dma_wait3A_102 = arith.constant 0 : i32
      %dma_wait3A_103 = tpu.memref_slice %arg9[%dma_wait3A_101, %dma_wait3A_102] : memref<128x64xf32, #tpu.memory_space<vmem>> -> memref<125x64xf32, #tpu.memory_space<vmem>>
      tpu.wait_dma2 semaphore(%run_scoped3A : memref<!tpu.dma_semaphore, #tpu.memory_space<semaphore_mem>>) src(%dma_wait3A_103 : memref<125x64xf32, #tpu.memory_space<vmem>>) dst(%dma_wait3A_100 : memref<125x64xf32, #tpu.memory_space<vmem_shared>>)
      tpu.yield
    }) : () -> ()
    %mul3A_70 = arith.constant 625 : i32
    %mul3A_71 = arith.muli %arg1, %mul3A_70 : i32
    %add3A_72 = arith.constant 500 : i32
    %add3A_73 = arith.addi %mul3A_71, %add3A_72 : i32
    "tpu.region"() ({
      %run_scoped3A = tpu.sem_alloc : memref<!tpu.dma_semaphore, #tpu.memory_space<semaphore_mem>>
      %dma_start3A_85 = arith.constant 0 : i32
      %dma_start3A_86 = arith.constant 0 : i32
      %dma_start3A_87 = tpu.memref_slice %arg9[%dma_start3A_85, %dma_start3A_86] : memref<128x64xf32, #tpu.memory_space<vmem>> -> memref<125x64xf32, #tpu.memory_space<vmem>>
      %dma_start3A_88 = arith.constant 0 : i32
      %dma_start3A_89 = tpu.memref_slice %arg10[%add3A_73, %dma_start3A_88] : memref<10240x64xf32, #tpu.memory_space<vmem_shared>> -> memref<125x64xf32, #tpu.memory_space<vmem_shared>>
      %dma_start3A_90 = arith.constant 0 : i32
      %dma_start3A_91 = tpu.memref_slice %arg10[%add3A_73, %dma_start3A_90] : memref<10240x64xf32, #tpu.memory_space<vmem_shared>> -> memref<125x64xf32, #tpu.memory_space<vmem_shared>>
      %dma_start3A_92 = arith.constant 0 : i32
      %dma_start3A_93 = arith.constant 0 : i32
      %dma_start3A_94 = tpu.memref_slice %arg9[%dma_start3A_92, %dma_start3A_93] : memref<128x64xf32, #tpu.memory_space<vmem>> -> memref<125x64xf32, #tpu.memory_space<vmem>>
      tpu.enqueue_dma source(%dma_start3A_94 : memref<125x64xf32, #tpu.memory_space<vmem>>) target(%dma_start3A_91 : memref<125x64xf32, #tpu.memory_space<vmem_shared>>) target_semaphore(%run_scoped3A : memref<!tpu.dma_semaphore, #tpu.memory_space<semaphore_mem>>)
      %dma_wait3A = arith.constant 0 : i32
      %dma_wait3A_95 = arith.constant 0 : i32
      %dma_wait3A_96 = tpu.memref_slice %arg9[%dma_wait3A, %dma_wait3A_95] : memref<128x64xf32, #tpu.memory_space<vmem>> -> memref<125x64xf32, #tpu.memory_space<vmem>>
      %dma_wait3A_97 = arith.constant 0 : i32
      %dma_wait3A_98 = tpu.memref_slice %arg10[%add3A_73, %dma_wait3A_97] : memref<10240x64xf32, #tpu.memory_space<vmem_shared>> -> memref<125x64xf32, #tpu.memory_space<vmem_shared>>
      %dma_wait3A_99 = arith.constant 0 : i32
      %dma_wait3A_100 = tpu.memref_slice %arg10[%add3A_73, %dma_wait3A_99] : memref<10240x64xf32, #tpu.memory_space<vmem_shared>> -> memref<125x64xf32, #tpu.memory_space<vmem_shared>>
      %dma_wait3A_101 = arith.constant 0 : i32
      %dma_wait3A_102 = arith.constant 0 : i32
      %dma_wait3A_103 = tpu.memref_slice %arg9[%dma_wait3A_101, %dma_wait3A_102] : memref<128x64xf32, #tpu.memory_space<vmem>> -> memref<125x64xf32, #tpu.memory_space<vmem>>
      tpu.wait_dma2 semaphore(%run_scoped3A : memref<!tpu.dma_semaphore, #tpu.memory_space<semaphore_mem>>) src(%dma_wait3A_103 : memref<125x64xf32, #tpu.memory_space<vmem>>) dst(%dma_wait3A_100 : memref<125x64xf32, #tpu.memory_space<vmem_shared>>)
      tpu.yield
    }) : () -> ()
    %barrier3A = arith.constant 0 : index
    tpu.barrier barrier_id(%barrier3A)
    %scan3A_74 = arith.constant 0 : i32
    %scan3A_75 = arith.constant 0 : i32
    %scan3A_76 = arith.constant 20 : i32
    %scan3A_77 = arith.addi %scan3A_75, %scan3A_76 : i32
    %scan3A_78 = arith.constant 1 : i32
    scf.for %scan3A_85 = %scan3A_75 to %scan3A_77 step %scan3A_78  : i32 {
      %mul3A_86 = arith.constant 4 : i32
      %mul3A_87 = arith.muli %scan3A_85, %mul3A_86 : i32
      %add3A_88 = arith.constant 0 : i32
      %add3A_89 = arith.addi %mul3A_87, %add3A_88 : i32
      %dma_wait3A = arith.constant 0 : i32
      %dma_wait3A_90 = arith.constant 0 : i32
      %dma_wait3A_91 = arith.constant 0 : i32
      %dma_wait3A_92 = tpu.memref_slice %arg8[%dma_wait3A, %dma_wait3A_90, %dma_wait3A_91] : memref<4x128x64xf32, #tpu.memory_space<vmem>> -> memref<1x128x64xf32, #tpu.memory_space<vmem>>
      %dma_wait3A_93 = tpu.memref_squeeze %dma_wait3A_92 : memref<1x128x64xf32, #tpu.memory_space<vmem>> -> memref<128x64xf32, #tpu.memory_space<vmem>>
      %dma_wait3A_94 = arith.constant 0 : i32
      %dma_wait3A_95 = tpu.memref_slice %arg6[%add3A_89, %dma_wait3A_94] : memref<80x128xi32, #tpu.memory_space<vmem>> -> memref<1x128xi32, #tpu.memory_space<vmem>>
      %dma_wait3A_96 = tpu.memref_squeeze %dma_wait3A_95 : memref<1x128xi32, #tpu.memory_space<vmem>> -> memref<128xi32, #tpu.memory_space<vmem>>
      %dma_wait3A_97 = arith.constant 0 : i32
      %dma_wait3A_98 = arith.constant 0 : i32
      %dma_wait3A_99 = tpu.memref_slice %arg2[%dma_wait3A_97, %dma_wait3A_98] : memref<10000x64xf32, #tpu.memory_space<hbm>> -> memref<10000x64xf32, #tpu.memory_space<hbm>>
      tpu.wait_indirect_dma semaphore(%arg11 : memref<!tpu.dma_semaphore, #tpu.memory_space<semaphore_mem>>) src(%dma_wait3A_99 : memref<10000x64xf32, #tpu.memory_space<hbm>>) dst(%dma_wait3A_93 : memref<128x64xf32, #tpu.memory_space<vmem>>)
      %run_scoped3A = arith.constant 0 : i32
      "tpu.region"() ({
        %run_scoped3A_167 = tpu.sem_alloc : memref<!tpu.dma_semaphore, #tpu.memory_space<semaphore_mem>>
        %dma_start3A_168 = arith.constant 0 : i32
        %dma_start3A_169 = arith.constant 0 : i32
        %dma_start3A_170 = tpu.memref_slice %arg8[%run_scoped3A, %dma_start3A_168, %dma_start3A_169] : memref<4x128x64xf32, #tpu.memory_space<vmem>> -> memref<1x128x64xf32, #tpu.memory_space<vmem>>
        %dma_start3A_171 = tpu.memref_squeeze %dma_start3A_170 : memref<1x128x64xf32, #tpu.memory_space<vmem>> -> memref<128x64xf32, #tpu.memory_space<vmem>>
        %dma_start3A_172 = arith.constant 0 : i32
        %dma_start3A_173 = tpu.memref_slice %arg7[%add3A_89, %dma_start3A_172] : memref<80x128xi32, #tpu.memory_space<vmem>> -> memref<1x128xi32, #tpu.memory_space<vmem>>
        %dma_start3A_174 = tpu.memref_squeeze %dma_start3A_173 : memref<1x128xi32, #tpu.memory_space<vmem>> -> memref<128xi32, #tpu.memory_space<vmem>>
        %dma_start3A_175 = arith.constant 0 : i32
        %dma_start3A_176 = arith.constant 0 : i32
        %dma_start3A_177 = tpu.memref_slice %arg10[%dma_start3A_175, %dma_start3A_176] : memref<10240x64xf32, #tpu.memory_space<vmem_shared>> -> memref<10240x64xf32, #tpu.memory_space<vmem_shared>>
        tpu.enqueue_indirect_dma source(%dma_start3A_171 : memref<128x64xf32, #tpu.memory_space<vmem>>) target(%dma_start3A_177 : memref<10240x64xf32, #tpu.memory_space<vmem_shared>>) offsets(%dma_start3A_174 : memref<128xi32, #tpu.memory_space<vmem>>) semaphore(%run_scoped3A_167 : memref<!tpu.dma_semaphore, #tpu.memory_space<semaphore_mem>>) {add = true}
        %dma_wait3A_178 = arith.constant 0 : i32
        %dma_wait3A_179 = arith.constant 0 : i32
        %dma_wait3A_180 = tpu.memref_slice %arg8[%run_scoped3A, %dma_wait3A_178, %dma_wait3A_179] : memref<4x128x64xf32, #tpu.memory_space<vmem>> -> memref<1x128x64xf32, #tpu.memory_space<vmem>>
        %dma_wait3A_181 = tpu.memref_squeeze %dma_wait3A_180 : memref<1x128x64xf32, #tpu.memory_space<vmem>> -> memref<128x64xf32, #tpu.memory_space<vmem>>
        %dma_wait3A_182 = arith.constant 0 : i32
        %dma_wait3A_183 = tpu.memref_slice %arg7[%add3A_89, %dma_wait3A_182] : memref<80x128xi32, #tpu.memory_space<vmem>> -> memref<1x128xi32, #tpu.memory_space<vmem>>
        %dma_wait3A_184 = tpu.memref_squeeze %dma_wait3A_183 : memref<1x128xi32, #tpu.memory_space<vmem>> -> memref<128xi32, #tpu.memory_space<vmem>>
        %dma_wait3A_185 = arith.constant 0 : i32
        %dma_wait3A_186 = arith.constant 0 : i32
        %dma_wait3A_187 = tpu.memref_slice %arg10[%dma_wait3A_185, %dma_wait3A_186] : memref<10240x64xf32, #tpu.memory_space<vmem_shared>> -> memref<10240x64xf32, #tpu.memory_space<vmem_shared>>
        tpu.wait_indirect_dma semaphore(%run_scoped3A_167 : memref<!tpu.dma_semaphore, #tpu.memory_space<semaphore_mem>>) src(%dma_wait3A_181 : memref<128x64xf32, #tpu.memory_space<vmem>>) dst(%dma_wait3A_187 : memref<10240x64xf32, #tpu.memory_space<vmem_shared>>)
        tpu.yield
      }) : () -> ()
      %add3A_100 = arith.constant 4 : i32
      %add3A_101 = arith.addi %add3A_89, %add3A_100 : i32
      %lt3A = arith.constant 80 : i32
      %lt3A_102 = arith.cmpi slt, %add3A_101, %lt3A : i32
      %convert_element_type3A = arith.extui %lt3A_102 : i1 to i32
      %cond3A = arith.constant 0 : i32
      %cond3A_103 = arith.cmpi ne, %convert_element_type3A, %cond3A : i32
      scf.if %cond3A_103 {
        %add3A_167 = arith.constant 4 : i32
        %add3A_168 = arith.addi %add3A_89, %add3A_167 : i32
        %dma_start3A_169 = arith.constant 0 : i32
        %dma_start3A_170 = arith.constant 0 : i32
        %dma_start3A_171 = arith.constant 0 : i32
        %dma_start3A_172 = tpu.memref_slice %arg8[%dma_start3A_169, %dma_start3A_170, %dma_start3A_171] : memref<4x128x64xf32, #tpu.memory_space<vmem>> -> memref<1x128x64xf32, #tpu.memory_space<vmem>>
        %dma_start3A_173 = tpu.memref_squeeze %dma_start3A_172 : memref<1x128x64xf32, #tpu.memory_space<vmem>> -> memref<128x64xf32, #tpu.memory_space<vmem>>
        %dma_start3A_174 = arith.constant 0 : i32
        %dma_start3A_175 = tpu.memref_slice %arg6[%add3A_168, %dma_start3A_174] : memref<80x128xi32, #tpu.memory_space<vmem>> -> memref<1x128xi32, #tpu.memory_space<vmem>>
        %dma_start3A_176 = tpu.memref_squeeze %dma_start3A_175 : memref<1x128xi32, #tpu.memory_space<vmem>> -> memref<128xi32, #tpu.memory_space<vmem>>
        %dma_start3A_177 = arith.constant 0 : i32
        %dma_start3A_178 = arith.constant 0 : i32
        %dma_start3A_179 = tpu.memref_slice %arg2[%dma_start3A_177, %dma_start3A_178] : memref<10000x64xf32, #tpu.memory_space<hbm>> -> memref<10000x64xf32, #tpu.memory_space<hbm>>
        tpu.enqueue_indirect_dma source(%dma_start3A_179 : memref<10000x64xf32, #tpu.memory_space<hbm>>) target(%dma_start3A_173 : memref<128x64xf32, #tpu.memory_space<vmem>>) offsets(%dma_start3A_176 : memref<128xi32, #tpu.memory_space<vmem>>) semaphore(%arg11 : memref<!tpu.dma_semaphore, #tpu.memory_space<semaphore_mem>>)
      } else {
      }
      %add3A_104 = arith.constant 1 : i32
      %add3A_105 = arith.addi %mul3A_87, %add3A_104 : i32
      %dma_wait3A_106 = arith.constant 1 : i32
      %dma_wait3A_107 = arith.constant 0 : i32
      %dma_wait3A_108 = arith.constant 0 : i32
      %dma_wait3A_109 = tpu.memref_slice %arg8[%dma_wait3A_106, %dma_wait3A_107, %dma_wait3A_108] : memref<4x128x64xf32, #tpu.memory_space<vmem>> -> memref<1x128x64xf32, #tpu.memory_space<vmem>>
      %dma_wait3A_110 = tpu.memref_squeeze %dma_wait3A_109 : memref<1x128x64xf32, #tpu.memory_space<vmem>> -> memref<128x64xf32, #tpu.memory_space<vmem>>
      %dma_wait3A_111 = arith.constant 0 : i32
      %dma_wait3A_112 = tpu.memref_slice %arg6[%add3A_105, %dma_wait3A_111] : memref<80x128xi32, #tpu.memory_space<vmem>> -> memref<1x128xi32, #tpu.memory_space<vmem>>
      %dma_wait3A_113 = tpu.memref_squeeze %dma_wait3A_112 : memref<1x128xi32, #tpu.memory_space<vmem>> -> memref<128xi32, #tpu.memory_space<vmem>>
      %dma_wait3A_114 = arith.constant 0 : i32
      %dma_wait3A_115 = arith.constant 0 : i32
      %dma_wait3A_116 = tpu.memref_slice %arg2[%dma_wait3A_114, %dma_wait3A_115] : memref<10000x64xf32, #tpu.memory_space<hbm>> -> memref<10000x64xf32, #tpu.memory_space<hbm>>
      tpu.wait_indirect_dma semaphore(%arg12 : memref<!tpu.dma_semaphore, #tpu.memory_space<semaphore_mem>>) src(%dma_wait3A_116 : memref<10000x64xf32, #tpu.memory_space<hbm>>) dst(%dma_wait3A_110 : memref<128x64xf32, #tpu.memory_space<vmem>>)
      %run_scoped3A_117 = arith.constant 1 : i32
      "tpu.region"() ({
        %run_scoped3A_167 = tpu.sem_alloc : memref<!tpu.dma_semaphore, #tpu.memory_space<semaphore_mem>>
        %dma_start3A_168 = arith.constant 0 : i32
        %dma_start3A_169 = arith.constant 0 : i32
        %dma_start3A_170 = tpu.memref_slice %arg8[%run_scoped3A_117, %dma_start3A_168, %dma_start3A_169] : memref<4x128x64xf32, #tpu.memory_space<vmem>> -> memref<1x128x64xf32, #tpu.memory_space<vmem>>
        %dma_start3A_171 = tpu.memref_squeeze %dma_start3A_170 : memref<1x128x64xf32, #tpu.memory_space<vmem>> -> memref<128x64xf32, #tpu.memory_space<vmem>>
        %dma_start3A_172 = arith.constant 0 : i32
        %dma_start3A_173 = tpu.memref_slice %arg7[%add3A_105, %dma_start3A_172] : memref<80x128xi32, #tpu.memory_space<vmem>> -> memref<1x128xi32, #tpu.memory_space<vmem>>
        %dma_start3A_174 = tpu.memref_squeeze %dma_start3A_173 : memref<1x128xi32, #tpu.memory_space<vmem>> -> memref<128xi32, #tpu.memory_space<vmem>>
        %dma_start3A_175 = arith.constant 0 : i32
        %dma_start3A_176 = arith.constant 0 : i32
        %dma_start3A_177 = tpu.memref_slice %arg10[%dma_start3A_175, %dma_start3A_176] : memref<10240x64xf32, #tpu.memory_space<vmem_shared>> -> memref<10240x64xf32, #tpu.memory_space<vmem_shared>>
        tpu.enqueue_indirect_dma source(%dma_start3A_171 : memref<128x64xf32, #tpu.memory_space<vmem>>) target(%dma_start3A_177 : memref<10240x64xf32, #tpu.memory_space<vmem_shared>>) offsets(%dma_start3A_174 : memref<128xi32, #tpu.memory_space<vmem>>) semaphore(%run_scoped3A_167 : memref<!tpu.dma_semaphore, #tpu.memory_space<semaphore_mem>>) {add = true}
        %dma_wait3A_178 = arith.constant 0 : i32
        %dma_wait3A_179 = arith.constant 0 : i32
        %dma_wait3A_180 = tpu.memref_slice %arg8[%run_scoped3A_117, %dma_wait3A_178, %dma_wait3A_179] : memref<4x128x64xf32, #tpu.memory_space<vmem>> -> memref<1x128x64xf32, #tpu.memory_space<vmem>>
        %dma_wait3A_181 = tpu.memref_squeeze %dma_wait3A_180 : memref<1x128x64xf32, #tpu.memory_space<vmem>> -> memref<128x64xf32, #tpu.memory_space<vmem>>
        %dma_wait3A_182 = arith.constant 0 : i32
        %dma_wait3A_183 = tpu.memref_slice %arg7[%add3A_105, %dma_wait3A_182] : memref<80x128xi32, #tpu.memory_space<vmem>> -> memref<1x128xi32, #tpu.memory_space<vmem>>
        %dma_wait3A_184 = tpu.memref_squeeze %dma_wait3A_183 : memref<1x128xi32, #tpu.memory_space<vmem>> -> memref<128xi32, #tpu.memory_space<vmem>>
        %dma_wait3A_185 = arith.constant 0 : i32
        %dma_wait3A_186 = arith.constant 0 : i32
        %dma_wait3A_187 = tpu.memref_slice %arg10[%dma_wait3A_185, %dma_wait3A_186] : memref<10240x64xf32, #tpu.memory_space<vmem_shared>> -> memref<10240x64xf32, #tpu.memory_space<vmem_shared>>
        tpu.wait_indirect_dma semaphore(%run_scoped3A_167 : memref<!tpu.dma_semaphore, #tpu.memory_space<semaphore_mem>>) src(%dma_wait3A_181 : memref<128x64xf32, #tpu.memory_space<vmem>>) dst(%dma_wait3A_187 : memref<10240x64xf32, #tpu.memory_space<vmem_shared>>)
        tpu.yield
      }) : () -> ()
      %add3A_118 = arith.constant 4 : i32
      %add3A_119 = arith.addi %add3A_105, %add3A_118 : i32
      %lt3A_120 = arith.constant 80 : i32
      %lt3A_121 = arith.cmpi slt, %add3A_119, %lt3A_120 : i32
      %convert_element_type3A_122 = arith.extui %lt3A_121 : i1 to i32
      %cond3A_123 = arith.constant 0 : i32
      %cond3A_124 = arith.cmpi ne, %convert_element_type3A_122, %cond3A_123 : i32
      scf.if %cond3A_124 {
        %add3A_167 = arith.constant 4 : i32
        %add3A_168 = arith.addi %add3A_105, %add3A_167 : i32
        %dma_start3A_169 = arith.constant 1 : i32
        %dma_start3A_170 = arith.constant 0 : i32
        %dma_start3A_171 = arith.constant 0 : i32
        %dma_start3A_172 = tpu.memref_slice %arg8[%dma_start3A_169, %dma_start3A_170, %dma_start3A_171] : memref<4x128x64xf32, #tpu.memory_space<vmem>> -> memref<1x128x64xf32, #tpu.memory_space<vmem>>
        %dma_start3A_173 = tpu.memref_squeeze %dma_start3A_172 : memref<1x128x64xf32, #tpu.memory_space<vmem>> -> memref<128x64xf32, #tpu.memory_space<vmem>>
        %dma_start3A_174 = arith.constant 0 : i32
        %dma_start3A_175 = tpu.memref_slice %arg6[%add3A_168, %dma_start3A_174] : memref<80x128xi32, #tpu.memory_space<vmem>> -> memref<1x128xi32, #tpu.memory_space<vmem>>
        %dma_start3A_176 = tpu.memref_squeeze %dma_start3A_175 : memref<1x128xi32, #tpu.memory_space<vmem>> -> memref<128xi32, #tpu.memory_space<vmem>>
        %dma_start3A_177 = arith.constant 0 : i32
        %dma_start3A_178 = arith.constant 0 : i32
        %dma_start3A_179 = tpu.memref_slice %arg2[%dma_start3A_177, %dma_start3A_178] : memref<10000x64xf32, #tpu.memory_space<hbm>> -> memref<10000x64xf32, #tpu.memory_space<hbm>>
        tpu.enqueue_indirect_dma source(%dma_start3A_179 : memref<10000x64xf32, #tpu.memory_space<hbm>>) target(%dma_start3A_173 : memref<128x64xf32, #tpu.memory_space<vmem>>) offsets(%dma_start3A_176 : memref<128xi32, #tpu.memory_space<vmem>>) semaphore(%arg12 : memref<!tpu.dma_semaphore, #tpu.memory_space<semaphore_mem>>)
      } else {
      }
      %add3A_125 = arith.constant 2 : i32
      %add3A_126 = arith.addi %mul3A_87, %add3A_125 : i32
      %dma_wait3A_127 = arith.constant 2 : i32
      %dma_wait3A_128 = arith.constant 0 : i32
      %dma_wait3A_129 = arith.constant 0 : i32
      %dma_wait3A_130 = tpu.memref_slice %arg8[%dma_wait3A_127, %dma_wait3A_128, %dma_wait3A_129] : memref<4x128x64xf32, #tpu.memory_space<vmem>> -> memref<1x128x64xf32, #tpu.memory_space<vmem>>
      %dma_wait3A_131 = tpu.memref_squeeze %dma_wait3A_130 : memref<1x128x64xf32, #tpu.memory_space<vmem>> -> memref<128x64xf32, #tpu.memory_space<vmem>>
      %dma_wait3A_132 = arith.constant 0 : i32
      %dma_wait3A_133 = tpu.memref_slice %arg6[%add3A_126, %dma_wait3A_132] : memref<80x128xi32, #tpu.memory_space<vmem>> -> memref<1x128xi32, #tpu.memory_space<vmem>>
      %dma_wait3A_134 = tpu.memref_squeeze %dma_wait3A_133 : memref<1x128xi32, #tpu.memory_space<vmem>> -> memref<128xi32, #tpu.memory_space<vmem>>
      %dma_wait3A_135 = arith.constant 0 : i32
      %dma_wait3A_136 = arith.constant 0 : i32
      %dma_wait3A_137 = tpu.memref_slice %arg2[%dma_wait3A_135, %dma_wait3A_136] : memref<10000x64xf32, #tpu.memory_space<hbm>> -> memref<10000x64xf32, #tpu.memory_space<hbm>>
      tpu.wait_indirect_dma semaphore(%arg13 : memref<!tpu.dma_semaphore, #tpu.memory_space<semaphore_mem>>) src(%dma_wait3A_137 : memref<10000x64xf32, #tpu.memory_space<hbm>>) dst(%dma_wait3A_131 : memref<128x64xf32, #tpu.memory_space<vmem>>)
      %run_scoped3A_138 = arith.constant 2 : i32
      "tpu.region"() ({
        %run_scoped3A_167 = tpu.sem_alloc : memref<!tpu.dma_semaphore, #tpu.memory_space<semaphore_mem>>
        %dma_start3A_168 = arith.constant 0 : i32
        %dma_start3A_169 = arith.constant 0 : i32
        %dma_start3A_170 = tpu.memref_slice %arg8[%run_scoped3A_138, %dma_start3A_168, %dma_start3A_169] : memref<4x128x64xf32, #tpu.memory_space<vmem>> -> memref<1x128x64xf32, #tpu.memory_space<vmem>>
        %dma_start3A_171 = tpu.memref_squeeze %dma_start3A_170 : memref<1x128x64xf32, #tpu.memory_space<vmem>> -> memref<128x64xf32, #tpu.memory_space<vmem>>
        %dma_start3A_172 = arith.constant 0 : i32
        %dma_start3A_173 = tpu.memref_slice %arg7[%add3A_126, %dma_start3A_172] : memref<80x128xi32, #tpu.memory_space<vmem>> -> memref<1x128xi32, #tpu.memory_space<vmem>>
        %dma_start3A_174 = tpu.memref_squeeze %dma_start3A_173 : memref<1x128xi32, #tpu.memory_space<vmem>> -> memref<128xi32, #tpu.memory_space<vmem>>
        %dma_start3A_175 = arith.constant 0 : i32
        %dma_start3A_176 = arith.constant 0 : i32
        %dma_start3A_177 = tpu.memref_slice %arg10[%dma_start3A_175, %dma_start3A_176] : memref<10240x64xf32, #tpu.memory_space<vmem_shared>> -> memref<10240x64xf32, #tpu.memory_space<vmem_shared>>
        tpu.enqueue_indirect_dma source(%dma_start3A_171 : memref<128x64xf32, #tpu.memory_space<vmem>>) target(%dma_start3A_177 : memref<10240x64xf32, #tpu.memory_space<vmem_shared>>) offsets(%dma_start3A_174 : memref<128xi32, #tpu.memory_space<vmem>>) semaphore(%run_scoped3A_167 : memref<!tpu.dma_semaphore, #tpu.memory_space<semaphore_mem>>) {add = true}
        %dma_wait3A_178 = arith.constant 0 : i32
        %dma_wait3A_179 = arith.constant 0 : i32
        %dma_wait3A_180 = tpu.memref_slice %arg8[%run_scoped3A_138, %dma_wait3A_178, %dma_wait3A_179] : memref<4x128x64xf32, #tpu.memory_space<vmem>> -> memref<1x128x64xf32, #tpu.memory_space<vmem>>
        %dma_wait3A_181 = tpu.memref_squeeze %dma_wait3A_180 : memref<1x128x64xf32, #tpu.memory_space<vmem>> -> memref<128x64xf32, #tpu.memory_space<vmem>>
        %dma_wait3A_182 = arith.constant 0 : i32
        %dma_wait3A_183 = tpu.memref_slice %arg7[%add3A_126, %dma_wait3A_182] : memref<80x128xi32, #tpu.memory_space<vmem>> -> memref<1x128xi32, #tpu.memory_space<vmem>>
        %dma_wait3A_184 = tpu.memref_squeeze %dma_wait3A_183 : memref<1x128xi32, #tpu.memory_space<vmem>> -> memref<128xi32, #tpu.memory_space<vmem>>
        %dma_wait3A_185 = arith.constant 0 : i32
        %dma_wait3A_186 = arith.constant 0 : i32
        %dma_wait3A_187 = tpu.memref_slice %arg10[%dma_wait3A_185, %dma_wait3A_186] : memref<10240x64xf32, #tpu.memory_space<vmem_shared>> -> memref<10240x64xf32, #tpu.memory_space<vmem_shared>>
        tpu.wait_indirect_dma semaphore(%run_scoped3A_167 : memref<!tpu.dma_semaphore, #tpu.memory_space<semaphore_mem>>) src(%dma_wait3A_181 : memref<128x64xf32, #tpu.memory_space<vmem>>) dst(%dma_wait3A_187 : memref<10240x64xf32, #tpu.memory_space<vmem_shared>>)
        tpu.yield
      }) : () -> ()
      %add3A_139 = arith.constant 4 : i32
      %add3A_140 = arith.addi %add3A_126, %add3A_139 : i32
      %lt3A_141 = arith.constant 80 : i32
      %lt3A_142 = arith.cmpi slt, %add3A_140, %lt3A_141 : i32
      %convert_element_type3A_143 = arith.extui %lt3A_142 : i1 to i32
      %cond3A_144 = arith.constant 0 : i32
      %cond3A_145 = arith.cmpi ne, %convert_element_type3A_143, %cond3A_144 : i32
      scf.if %cond3A_145 {
        %add3A_167 = arith.constant 4 : i32
        %add3A_168 = arith.addi %add3A_126, %add3A_167 : i32
        %dma_start3A_169 = arith.constant 2 : i32
        %dma_start3A_170 = arith.constant 0 : i32
        %dma_start3A_171 = arith.constant 0 : i32
        %dma_start3A_172 = tpu.memref_slice %arg8[%dma_start3A_169, %dma_start3A_170, %dma_start3A_171] : memref<4x128x64xf32, #tpu.memory_space<vmem>> -> memref<1x128x64xf32, #tpu.memory_space<vmem>>
        %dma_start3A_173 = tpu.memref_squeeze %dma_start3A_172 : memref<1x128x64xf32, #tpu.memory_space<vmem>> -> memref<128x64xf32, #tpu.memory_space<vmem>>
        %dma_start3A_174 = arith.constant 0 : i32
        %dma_start3A_175 = tpu.memref_slice %arg6[%add3A_168, %dma_start3A_174] : memref<80x128xi32, #tpu.memory_space<vmem>> -> memref<1x128xi32, #tpu.memory_space<vmem>>
        %dma_start3A_176 = tpu.memref_squeeze %dma_start3A_175 : memref<1x128xi32, #tpu.memory_space<vmem>> -> memref<128xi32, #tpu.memory_space<vmem>>
        %dma_start3A_177 = arith.constant 0 : i32
        %dma_start3A_178 = arith.constant 0 : i32
        %dma_start3A_179 = tpu.memref_slice %arg2[%dma_start3A_177, %dma_start3A_178] : memref<10000x64xf32, #tpu.memory_space<hbm>> -> memref<10000x64xf32, #tpu.memory_space<hbm>>
        tpu.enqueue_indirect_dma source(%dma_start3A_179 : memref<10000x64xf32, #tpu.memory_space<hbm>>) target(%dma_start3A_173 : memref<128x64xf32, #tpu.memory_space<vmem>>) offsets(%dma_start3A_176 : memref<128xi32, #tpu.memory_space<vmem>>) semaphore(%arg13 : memref<!tpu.dma_semaphore, #tpu.memory_space<semaphore_mem>>)
      } else {
      }
      %add3A_146 = arith.constant 3 : i32
      %add3A_147 = arith.addi %mul3A_87, %add3A_146 : i32
      %dma_wait3A_148 = arith.constant 3 : i32
      %dma_wait3A_149 = arith.constant 0 : i32
      %dma_wait3A_150 = arith.constant 0 : i32
      %dma_wait3A_151 = tpu.memref_slice %arg8[%dma_wait3A_148, %dma_wait3A_149, %dma_wait3A_150] : memref<4x128x64xf32, #tpu.memory_space<vmem>> -> memref<1x128x64xf32, #tpu.memory_space<vmem>>
      %dma_wait3A_152 = tpu.memref_squeeze %dma_wait3A_151 : memref<1x128x64xf32, #tpu.memory_space<vmem>> -> memref<128x64xf32, #tpu.memory_space<vmem>>
      %dma_wait3A_153 = arith.constant 0 : i32
      %dma_wait3A_154 = tpu.memref_slice %arg6[%add3A_147, %dma_wait3A_153] : memref<80x128xi32, #tpu.memory_space<vmem>> -> memref<1x128xi32, #tpu.memory_space<vmem>>
      %dma_wait3A_155 = tpu.memref_squeeze %dma_wait3A_154 : memref<1x128xi32, #tpu.memory_space<vmem>> -> memref<128xi32, #tpu.memory_space<vmem>>
      %dma_wait3A_156 = arith.constant 0 : i32
      %dma_wait3A_157 = arith.constant 0 : i32
      %dma_wait3A_158 = tpu.memref_slice %arg2[%dma_wait3A_156, %dma_wait3A_157] : memref<10000x64xf32, #tpu.memory_space<hbm>> -> memref<10000x64xf32, #tpu.memory_space<hbm>>
      tpu.wait_indirect_dma semaphore(%arg14 : memref<!tpu.dma_semaphore, #tpu.memory_space<semaphore_mem>>) src(%dma_wait3A_158 : memref<10000x64xf32, #tpu.memory_space<hbm>>) dst(%dma_wait3A_152 : memref<128x64xf32, #tpu.memory_space<vmem>>)
      %run_scoped3A_159 = arith.constant 3 : i32
      "tpu.region"() ({
        %run_scoped3A_167 = tpu.sem_alloc : memref<!tpu.dma_semaphore, #tpu.memory_space<semaphore_mem>>
        %dma_start3A_168 = arith.constant 0 : i32
        %dma_start3A_169 = arith.constant 0 : i32
        %dma_start3A_170 = tpu.memref_slice %arg8[%run_scoped3A_159, %dma_start3A_168, %dma_start3A_169] : memref<4x128x64xf32, #tpu.memory_space<vmem>> -> memref<1x128x64xf32, #tpu.memory_space<vmem>>
        %dma_start3A_171 = tpu.memref_squeeze %dma_start3A_170 : memref<1x128x64xf32, #tpu.memory_space<vmem>> -> memref<128x64xf32, #tpu.memory_space<vmem>>
        %dma_start3A_172 = arith.constant 0 : i32
        %dma_start3A_173 = tpu.memref_slice %arg7[%add3A_147, %dma_start3A_172] : memref<80x128xi32, #tpu.memory_space<vmem>> -> memref<1x128xi32, #tpu.memory_space<vmem>>
        %dma_start3A_174 = tpu.memref_squeeze %dma_start3A_173 : memref<1x128xi32, #tpu.memory_space<vmem>> -> memref<128xi32, #tpu.memory_space<vmem>>
        %dma_start3A_175 = arith.constant 0 : i32
        %dma_start3A_176 = arith.constant 0 : i32
        %dma_start3A_177 = tpu.memref_slice %arg10[%dma_start3A_175, %dma_start3A_176] : memref<10240x64xf32, #tpu.memory_space<vmem_shared>> -> memref<10240x64xf32, #tpu.memory_space<vmem_shared>>
        tpu.enqueue_indirect_dma source(%dma_start3A_171 : memref<128x64xf32, #tpu.memory_space<vmem>>) target(%dma_start3A_177 : memref<10240x64xf32, #tpu.memory_space<vmem_shared>>) offsets(%dma_start3A_174 : memref<128xi32, #tpu.memory_space<vmem>>) semaphore(%run_scoped3A_167 : memref<!tpu.dma_semaphore, #tpu.memory_space<semaphore_mem>>) {add = true}
        %dma_wait3A_178 = arith.constant 0 : i32
        %dma_wait3A_179 = arith.constant 0 : i32
        %dma_wait3A_180 = tpu.memref_slice %arg8[%run_scoped3A_159, %dma_wait3A_178, %dma_wait3A_179] : memref<4x128x64xf32, #tpu.memory_space<vmem>> -> memref<1x128x64xf32, #tpu.memory_space<vmem>>
        %dma_wait3A_181 = tpu.memref_squeeze %dma_wait3A_180 : memref<1x128x64xf32, #tpu.memory_space<vmem>> -> memref<128x64xf32, #tpu.memory_space<vmem>>
        %dma_wait3A_182 = arith.constant 0 : i32
        %dma_wait3A_183 = tpu.memref_slice %arg7[%add3A_147, %dma_wait3A_182] : memref<80x128xi32, #tpu.memory_space<vmem>> -> memref<1x128xi32, #tpu.memory_space<vmem>>
        %dma_wait3A_184 = tpu.memref_squeeze %dma_wait3A_183 : memref<1x128xi32, #tpu.memory_space<vmem>> -> memref<128xi32, #tpu.memory_space<vmem>>
        %dma_wait3A_185 = arith.constant 0 : i32
        %dma_wait3A_186 = arith.constant 0 : i32
        %dma_wait3A_187 = tpu.memref_slice %arg10[%dma_wait3A_185, %dma_wait3A_186] : memref<10240x64xf32, #tpu.memory_space<vmem_shared>> -> memref<10240x64xf32, #tpu.memory_space<vmem_shared>>
        tpu.wait_indirect_dma semaphore(%run_scoped3A_167 : memref<!tpu.dma_semaphore, #tpu.memory_space<semaphore_mem>>) src(%dma_wait3A_181 : memref<128x64xf32, #tpu.memory_space<vmem>>) dst(%dma_wait3A_187 : memref<10240x64xf32, #tpu.memory_space<vmem_shared>>)
        tpu.yield
      }) : () -> ()
      %add3A_160 = arith.constant 4 : i32
      %add3A_161 = arith.addi %add3A_147, %add3A_160 : i32
      %lt3A_162 = arith.constant 80 : i32
      %lt3A_163 = arith.cmpi slt, %add3A_161, %lt3A_162 : i32
      %convert_element_type3A_164 = arith.extui %lt3A_163 : i1 to i32
      %cond3A_165 = arith.constant 0 : i32
      %cond3A_166 = arith.cmpi ne, %convert_element_type3A_164, %cond3A_165 : i32
      scf.if %cond3A_166 {
        %add3A_167 = arith.constant 4 : i32
        %add3A_168 = arith.addi %add3A_147, %add3A_167 : i32
        %dma_start3A_169 = arith.constant 3 : i32
        %dma_start3A_170 = arith.constant 0 : i32
        %dma_start3A_171 = arith.constant 0 : i32
        %dma_start3A_172 = tpu.memref_slice %arg8[%dma_start3A_169, %dma_start3A_170, %dma_start3A_171] : memref<4x128x64xf32, #tpu.memory_space<vmem>> -> memref<1x128x64xf32, #tpu.memory_space<vmem>>
        %dma_start3A_173 = tpu.memref_squeeze %dma_start3A_172 : memref<1x128x64xf32, #tpu.memory_space<vmem>> -> memref<128x64xf32, #tpu.memory_space<vmem>>
        %dma_start3A_174 = arith.constant 0 : i32
        %dma_start3A_175 = tpu.memref_slice %arg6[%add3A_168, %dma_start3A_174] : memref<80x128xi32, #tpu.memory_space<vmem>> -> memref<1x128xi32, #tpu.memory_space<vmem>>
        %dma_start3A_176 = tpu.memref_squeeze %dma_start3A_175 : memref<1x128xi32, #tpu.memory_space<vmem>> -> memref<128xi32, #tpu.memory_space<vmem>>
        %dma_start3A_177 = arith.constant 0 : i32
        %dma_start3A_178 = arith.constant 0 : i32
        %dma_start3A_179 = tpu.memref_slice %arg2[%dma_start3A_177, %dma_start3A_178] : memref<10000x64xf32, #tpu.memory_space<hbm>> -> memref<10000x64xf32, #tpu.memory_space<hbm>>
        tpu.enqueue_indirect_dma source(%dma_start3A_179 : memref<10000x64xf32, #tpu.memory_space<hbm>>) target(%dma_start3A_173 : memref<128x64xf32, #tpu.memory_space<vmem>>) offsets(%dma_start3A_176 : memref<128xi32, #tpu.memory_space<vmem>>) semaphore(%arg14 : memref<!tpu.dma_semaphore, #tpu.memory_space<semaphore_mem>>)
      } else {
      }
    }
    %scan3A_79 = arith.constant 20 : i32
    %barrier3A_80 = arith.constant 0 : index
    tpu.barrier barrier_id(%barrier3A_80)
    %mul3A_81 = arith.constant 625 : i32
    %mul3A_82 = arith.muli %arg1, %mul3A_81 : i32
    %mul3A_83 = arith.constant 625 : i32
    %mul3A_84 = arith.muli %arg1, %mul3A_83 : i32
    "tpu.region"() ({
      %run_scoped3A = tpu.sem_alloc : memref<!tpu.dma_semaphore, #tpu.memory_space<semaphore_mem>>
      %dma_start3A_85 = arith.constant 0 : i32
      %dma_start3A_86 = tpu.memref_slice %arg5[%arg0, %mul3A_84, %dma_start3A_85] : memref<2x10000x64xf32, #tpu.memory_space<hbm>> -> memref<1x625x64xf32, #tpu.memory_space<hbm>>
      %dma_start3A_87 = tpu.memref_squeeze %dma_start3A_86 : memref<1x625x64xf32, #tpu.memory_space<hbm>> -> memref<625x64xf32, #tpu.memory_space<hbm>>
      %dma_start3A_88 = arith.constant 0 : i32
      %dma_start3A_89 = tpu.memref_slice %arg10[%mul3A_82, %dma_start3A_88] : memref<10240x64xf32, #tpu.memory_space<vmem_shared>> -> memref<625x64xf32, #tpu.memory_space<vmem_shared>>
      tpu.enqueue_dma source(%dma_start3A_89 : memref<625x64xf32, #tpu.memory_space<vmem_shared>>) target(%dma_start3A_87 : memref<625x64xf32, #tpu.memory_space<hbm>>) target_semaphore(%run_scoped3A : memref<!tpu.dma_semaphore, #tpu.memory_space<semaphore_mem>>)
      %dma_wait3A = arith.constant 0 : i32
      %dma_wait3A_90 = tpu.memref_slice %arg5[%arg0, %mul3A_84, %dma_wait3A] : memref<2x10000x64xf32, #tpu.memory_space<hbm>> -> memref<1x625x64xf32, #tpu.memory_space<hbm>>
      %dma_wait3A_91 = tpu.memref_squeeze %dma_wait3A_90 : memref<1x625x64xf32, #tpu.memory_space<hbm>> -> memref<625x64xf32, #tpu.memory_space<hbm>>
      %dma_wait3A_92 = arith.constant 0 : i32
      %dma_wait3A_93 = tpu.memref_slice %arg10[%mul3A_82, %dma_wait3A_92] : memref<10240x64xf32, #tpu.memory_space<vmem_shared>> -> memref<625x64xf32, #tpu.memory_space<vmem_shared>>
      tpu.wait_dma2 semaphore(%run_scoped3A : memref<!tpu.dma_semaphore, #tpu.memory_space<semaphore_mem>>) src(%dma_wait3A_93 : memref<625x64xf32, #tpu.memory_space<vmem_shared>>) dst(%dma_wait3A_91 : memref<625x64xf32, #tpu.memory_space<hbm>>)
      tpu.yield
    }) : () -> ()
    return
  }
}

module attributes {stable_mosaic.version = 14 : i64} {
  func.func @_tc1_body(%arg0: i32, %arg1: memref<1000x256xf32, #tpu.memory_space<vmem>>, %arg2: memref<256x128xf32, #tpu.memory_space<vmem>>, %arg3: memref<1x128xf32, #tpu.memory_space<vmem>>, %arg4: memref<128x128xf32, #tpu.memory_space<vmem>>, %arg5: memref<1000x128xf32, #tpu.memory_space<vmem>>, %arg6: memref<1000x128xf32, #tpu.memory_space<vmem>>) attributes {dimension_semantics = [#tpu.dimension_semantics<arbitrary>], iteration_bounds = array<i64: 5>, scalar_prefetch = 0 : i64, scratch_operands = 0 : i64, tpu.core_type = #tpu.core_type<tc>, window_params = [{transform_indices = @transform_0, window_bounds = array<i64: 1000, 256>}, {pipeline_mode = #tpu.pipeline_mode<synchronous>, transform_indices = @transform_1, window_bounds = array<i64: 256, 128>}, {pipeline_mode = #tpu.pipeline_mode<synchronous>, transform_indices = @transform_2, window_bounds = array<i64: 1, 128>}, {pipeline_mode = #tpu.pipeline_mode<synchronous>, transform_indices = @transform_3, window_bounds = array<i64: 128, 128>}, {transform_indices = @transform_4, window_bounds = array<i64: 1000, 128>}, {transform_indices = @transform_5, window_bounds = array<i64: 1000, 128>}]} {
    %get3A = arith.constant 0 : index
    %get3A_0 = arith.constant 0 : index
    %get3A_1 = vector.load %arg1[%get3A, %get3A_0] : memref<1000x256xf32, #tpu.memory_space<vmem>>, vector<1000x256xf32>
    %get3A_2 = arith.constant 0 : index
    %get3A_3 = arith.constant 0 : index
    %get3A_4 = vector.load %arg2[%get3A_2, %get3A_3] : memref<256x128xf32, #tpu.memory_space<vmem>>, vector<256x128xf32>
    %dot_general3A = arith.constant dense<0.000000e+00> : vector<1000x128xf32>
    %dot_general3A_5 = tpu.matmul %get3A_1, %get3A_4, %dot_general3A {dimension_numbers = #tpu.dot_dimension_numbers<[1], [0], [0], [1], [0, 0, 1, 1], [], []>, transpose_lhs_hint = false} : vector<1000x256xf32>, vector<256x128xf32>, vector<1000x128xf32> -> vector<1000x128xf32>
    %get3A_6 = arith.constant 0 : index
    %get3A_7 = arith.constant 0 : index
    %get3A_8 = vector.load %arg3[%get3A_6, %get3A_7] : memref<1x128xf32, #tpu.memory_space<vmem>>, vector<1x128xf32>
    %add3A = vector.broadcast %get3A_8 : vector<1x128xf32> to vector<1000x128xf32>
    %add3A_9 = arith.addf %dot_general3A_5, %add3A : vector<1000x128xf32>
    %max3A = arith.constant 0.000000e+00 : f32
    %max3A_10 = vector.broadcast %max3A : f32 to vector<1000x128xf32>
    %max3A_11 = arith.maximumf %add3A_9, %max3A_10 : vector<1000x128xf32>
    %swap3A = arith.constant 0 : index
    %swap3A_12 = arith.constant 0 : index
    %swap3A_13 = vector.load %arg5[%swap3A, %swap3A_12] : memref<1000x128xf32, #tpu.memory_space<vmem>>, vector<1000x128xf32>
    tpu.vector_store %arg5[%swap3A, %swap3A_12], %max3A_11 {strides = array<i32>} : memref<1000x128xf32, #tpu.memory_space<vmem>>, vector<1000x128xf32>,
    %get3A_14 = arith.constant 0 : index
    %get3A_15 = arith.constant 0 : index
    %get3A_16 = vector.load %arg4[%get3A_14, %get3A_15] : memref<128x128xf32, #tpu.memory_space<vmem>>, vector<128x128xf32>
    %dot_general3A_17 = arith.constant dense<0.000000e+00> : vector<1000x128xf32>
    %dot_general3A_18 = tpu.matmul %max3A_11, %get3A_16, %dot_general3A_17 {dimension_numbers = #tpu.dot_dimension_numbers<[1], [0], [0], [1], [0, 0, 1, 1], [], []>, transpose_lhs_hint = false} : vector<1000x128xf32>, vector<128x128xf32>, vector<1000x128xf32> -> vector<1000x128xf32>
    %swap3A_19 = arith.constant 0 : index
    %swap3A_20 = arith.constant 0 : index
    %swap3A_21 = vector.load %arg6[%swap3A_19, %swap3A_20] : memref<1000x128xf32, #tpu.memory_space<vmem>>, vector<1000x128xf32>
    tpu.vector_store %arg6[%swap3A_19, %swap3A_20], %dot_general3A_18 {strides = array<i32>} : memref<1000x128xf32, #tpu.memory_space<vmem>>, vector<1000x128xf32>,
    return
  }
  func.func @transform_0(%arg0: i32) -> (i32, i32) {
    %c0_i32 = arith.constant 0 : i32
    %c0_i32_0 = arith.constant 0 : i32
    return %arg0, %c0_i32 : i32, i32
  }
  func.func @transform_1(%arg0: i32) -> (i32, i32) {
    %c0_i32 = arith.constant 0 : i32
    %c0_i32_0 = arith.constant 0 : i32
    %c0_i32_1 = arith.constant 0 : i32
    return %c0_i32, %c0_i32_0 : i32, i32
  }
  func.func @transform_2(%arg0: i32) -> (i32, i32) {
    %c0_i32 = arith.constant 0 : i32
    %c0_i32_0 = arith.constant 0 : i32
    %c0_i32_1 = arith.constant 0 : i32
    return %c0_i32, %c0_i32_0 : i32, i32
  }
  func.func @transform_3(%arg0: i32) -> (i32, i32) {
    %c0_i32 = arith.constant 0 : i32
    %c0_i32_0 = arith.constant 0 : i32
    %c0_i32_1 = arith.constant 0 : i32
    return %c0_i32, %c0_i32_0 : i32, i32
  }
  func.func @transform_4(%arg0: i32) -> (i32, i32) {
    %c0_i32 = arith.constant 0 : i32
    %c0_i32_0 = arith.constant 0 : i32
    return %arg0, %c0_i32 : i32, i32
  }
  func.func @transform_5(%arg0: i32) -> (i32, i32) {
    %c0_i32 = arith.constant 0 : i32
    %c0_i32_0 = arith.constant 0 : i32
    return %arg0, %c0_i32 : i32, i32
  }
}

module attributes {stable_mosaic.version = 14 : i64} {
  func.func @_tc2_body(%arg0: i32, %arg1: memref<2x1000x128xf32, #tpu.memory_space<vmem>>, %arg2: memref<1000x128xf32, #tpu.memory_space<vmem>>, %arg3: memref<1000x128xf32, #tpu.memory_space<vmem>>, %arg4: memref<1x128xf32, #tpu.memory_space<vmem>>, %arg5: memref<128x128xf32, #tpu.memory_space<vmem>>, %arg6: memref<1000x128xf32, #tpu.memory_space<vmem>>, %arg7: memref<1000x128xf32, #tpu.memory_space<vmem>>) attributes {dimension_semantics = [#tpu.dimension_semantics<arbitrary>], iteration_bounds = array<i64: 5>, scalar_prefetch = 0 : i64, scratch_operands = 0 : i64, tpu.core_type = #tpu.core_type<tc>, window_params = [{transform_indices = @transform_0, window_bounds = array<i64: 2, 1000, 128>}, {transform_indices = @transform_1, window_bounds = array<i64: 1000, 128>}, {transform_indices = @transform_2, window_bounds = array<i64: 1000, 128>}, {pipeline_mode = #tpu.pipeline_mode<synchronous>, transform_indices = @transform_3, window_bounds = array<i64: 1, 128>}, {pipeline_mode = #tpu.pipeline_mode<synchronous>, transform_indices = @transform_4, window_bounds = array<i64: 128, 128>}, {transform_indices = @transform_5, window_bounds = array<i64: 1000, 128>}, {transform_indices = @transform_6, window_bounds = array<i64: 1000, 128>}]} {
    %get3A = arith.constant 0 : index
    %get3A_0 = arith.constant 0 : index
    %get3A_1 = vector.load %arg3[%get3A, %get3A_0] : memref<1000x128xf32, #tpu.memory_space<vmem>>, vector<1000x128xf32>
    %get3A_2 = arith.constant 0 : index
    %get3A_3 = arith.constant 0 : index
    %get3A_4 = arith.constant 0 : index
    %get3A_5 = vector.load %arg1[%get3A_2, %get3A_3, %get3A_4] : memref<2x1000x128xf32, #tpu.memory_space<vmem>>, vector<1x1000x128xf32>
    %get3A_6 = vector.shape_cast %get3A_5 : vector<1x1000x128xf32> to vector<1000x128xf32>
    %get3A_7 = arith.constant 1 : index
    %get3A_8 = arith.constant 0 : index
    %get3A_9 = arith.constant 0 : index
    %get3A_10 = vector.load %arg1[%get3A_7, %get3A_8, %get3A_9] : memref<2x1000x128xf32, #tpu.memory_space<vmem>>, vector<1x1000x128xf32>
    %get3A_11 = vector.shape_cast %get3A_10 : vector<1x1000x128xf32> to vector<1000x128xf32>
    %add3A = arith.addf %get3A_6, %get3A_11 : vector<1000x128xf32>
    %get3A_12 = arith.constant 0 : index
    %get3A_13 = arith.constant 0 : index
    %get3A_14 = vector.load %arg2[%get3A_12, %get3A_13] : memref<1000x128xf32, #tpu.memory_space<vmem>>, vector<1000x128xf32>
    %add3A_15 = arith.addf %add3A, %get3A_14 : vector<1000x128xf32>
    %mul3A = arith.mulf %add3A_15, %get3A_1 : vector<1000x128xf32>
    %get3A_16 = arith.constant 0 : index
    %get3A_17 = arith.constant 0 : index
    %get3A_18 = vector.load %arg4[%get3A_16, %get3A_17] : memref<1x128xf32, #tpu.memory_space<vmem>>, vector<1x128xf32>
    %add3A_19 = vector.broadcast %get3A_18 : vector<1x128xf32> to vector<1000x128xf32>
    %add3A_20 = arith.addf %mul3A, %add3A_19 : vector<1000x128xf32>
    %max3A = arith.constant 0.000000e+00 : f32
    %max3A_21 = vector.broadcast %max3A : f32 to vector<1000x128xf32>
    %max3A_22 = arith.maximumf %add3A_20, %max3A_21 : vector<1000x128xf32>
    %swap3A = arith.constant 0 : index
    %swap3A_23 = arith.constant 0 : index
    %swap3A_24 = vector.load %arg6[%swap3A, %swap3A_23] : memref<1000x128xf32, #tpu.memory_space<vmem>>, vector<1000x128xf32>
    tpu.vector_store %arg6[%swap3A, %swap3A_23], %max3A_22 {strides = array<i32>} : memref<1000x128xf32, #tpu.memory_space<vmem>>, vector<1000x128xf32>,
    %get3A_25 = arith.constant 0 : index
    %get3A_26 = arith.constant 0 : index
    %get3A_27 = vector.load %arg5[%get3A_25, %get3A_26] : memref<128x128xf32, #tpu.memory_space<vmem>>, vector<128x128xf32>
    %dot_general3A = arith.constant dense<0.000000e+00> : vector<1000x128xf32>
    %dot_general3A_28 = tpu.matmul %max3A_22, %get3A_27, %dot_general3A {dimension_numbers = #tpu.dot_dimension_numbers<[1], [0], [0], [1], [0, 0, 1, 1], [], []>, transpose_lhs_hint = false} : vector<1000x128xf32>, vector<128x128xf32>, vector<1000x128xf32> -> vector<1000x128xf32>
    %mul3A_29 = arith.mulf %dot_general3A_28, %get3A_1 : vector<1000x128xf32>
    %swap3A_30 = arith.constant 0 : index
    %swap3A_31 = arith.constant 0 : index
    %swap3A_32 = vector.load %arg7[%swap3A_30, %swap3A_31] : memref<1000x128xf32, #tpu.memory_space<vmem>>, vector<1000x128xf32>
    tpu.vector_store %arg7[%swap3A_30, %swap3A_31], %mul3A_29 {strides = array<i32>} : memref<1000x128xf32, #tpu.memory_space<vmem>>, vector<1000x128xf32>,
    return
  }
  func.func @transform_0(%arg0: i32) -> (i32, i32, i32) {
    %c0_i32 = arith.constant 0 : i32
    %c0_i32_0 = arith.constant 0 : i32
    %c0_i32_1 = arith.constant 0 : i32
    return %c0_i32, %arg0, %c0_i32_0 : i32, i32, i32
  }
  func.func @transform_1(%arg0: i32) -> (i32, i32) {
    %c0_i32 = arith.constant 0 : i32
    %c0_i32_0 = arith.constant 0 : i32
    return %arg0, %c0_i32 : i32, i32
  }
  func.func @transform_2(%arg0: i32) -> (i32, i32) {
    %c0_i32 = arith.constant 0 : i32
    %c0_i32_0 = arith.constant 0 : i32
    return %arg0, %c0_i32 : i32, i32
  }
  func.func @transform_3(%arg0: i32) -> (i32, i32) {
    %c0_i32 = arith.constant 0 : i32
    %c0_i32_0 = arith.constant 0 : i32
    %c0_i32_1 = arith.constant 0 : i32
    return %c0_i32, %c0_i32_0 : i32, i32
  }
  func.func @transform_4(%arg0: i32) -> (i32, i32) {
    %c0_i32 = arith.constant 0 : i32
    %c0_i32_0 = arith.constant 0 : i32
    %c0_i32_1 = arith.constant 0 : i32
    return %c0_i32, %c0_i32_0 : i32, i32
  }
  func.func @transform_5(%arg0: i32) -> (i32, i32) {
    %c0_i32 = arith.constant 0 : i32
    %c0_i32_0 = arith.constant 0 : i32
    return %arg0, %c0_i32 : i32, i32
  }
  func.func @transform_6(%arg0: i32) -> (i32, i32) {
    %c0_i32 = arith.constant 0 : i32
    %c0_i32_0 = arith.constant 0 : i32
    return %arg0, %c0_i32 : i32, i32
  }
}

module attributes {stable_mosaic.version = 14 : i64} {
  func.func @_tc3_body(%arg0: i32, %arg1: memref<2x1000x128xf32, #tpu.memory_space<vmem>>, %arg2: memref<1000x128xf32, #tpu.memory_space<vmem>>, %arg3: memref<1000x128xf32, #tpu.memory_space<vmem>>, %arg4: memref<1x128xf32, #tpu.memory_space<vmem>>, %arg5: memref<1000x128xf32, #tpu.memory_space<vmem>>, %arg6: memref<1000x128xf32, #tpu.memory_space<vmem>>, %arg7: memref<128x128xf32, #tpu.memory_space<vmem>>, %arg8: memref<128x128xf32, #tpu.memory_space<vmem>>, %arg9: memref<128x128xf32, #tpu.memory_space<vmem>>, %arg10: memref<1x128xf32, #tpu.memory_space<vmem>>, %arg11: memref<1000x128xf32, #tpu.memory_space<vmem>>) attributes {dimension_semantics = [#tpu.dimension_semantics<arbitrary>], iteration_bounds = array<i64: 5>, scalar_prefetch = 0 : i64, scratch_operands = 0 : i64, tpu.core_type = #tpu.core_type<tc>, window_params = [{transform_indices = @transform_0, window_bounds = array<i64: 2, 1000, 128>}, {transform_indices = @transform_1, window_bounds = array<i64: 1000, 128>}, {transform_indices = @transform_2, window_bounds = array<i64: 1000, 128>}, {pipeline_mode = #tpu.pipeline_mode<synchronous>, transform_indices = @transform_3, window_bounds = array<i64: 1, 128>}, {transform_indices = @transform_4, window_bounds = array<i64: 1000, 128>}, {transform_indices = @transform_5, window_bounds = array<i64: 1000, 128>}, {pipeline_mode = #tpu.pipeline_mode<synchronous>, transform_indices = @transform_6, window_bounds = array<i64: 128, 128>}, {pipeline_mode = #tpu.pipeline_mode<synchronous>, transform_indices = @transform_7, window_bounds = array<i64: 128, 128>}, {pipeline_mode = #tpu.pipeline_mode<synchronous>, transform_indices = @transform_8, window_bounds = array<i64: 128, 128>}, {pipeline_mode = #tpu.pipeline_mode<synchronous>, transform_indices = @transform_9, window_bounds = array<i64: 1, 128>}, {transform_indices = @transform_10, window_bounds = array<i64: 1000, 128>}]} {
    %get3A = arith.constant 0 : index
    %get3A_0 = arith.constant 0 : index
    %get3A_1 = arith.constant 0 : index
    %get3A_2 = vector.load %arg1[%get3A, %get3A_0, %get3A_1] : memref<2x1000x128xf32, #tpu.memory_space<vmem>>, vector<1x1000x128xf32>
    %get3A_3 = vector.shape_cast %get3A_2 : vector<1x1000x128xf32> to vector<1000x128xf32>
    %get3A_4 = arith.constant 1 : index
    %get3A_5 = arith.constant 0 : index
    %get3A_6 = arith.constant 0 : index
    %get3A_7 = vector.load %arg1[%get3A_4, %get3A_5, %get3A_6] : memref<2x1000x128xf32, #tpu.memory_space<vmem>>, vector<1x1000x128xf32>
    %get3A_8 = vector.shape_cast %get3A_7 : vector<1x1000x128xf32> to vector<1000x128xf32>
    %add3A = arith.addf %get3A_3, %get3A_8 : vector<1000x128xf32>
    %get3A_9 = arith.constant 0 : index
    %get3A_10 = arith.constant 0 : index
    %get3A_11 = vector.load %arg2[%get3A_9, %get3A_10] : memref<1000x128xf32, #tpu.memory_space<vmem>>, vector<1000x128xf32>
    %add3A_12 = arith.addf %add3A, %get3A_11 : vector<1000x128xf32>
    %get3A_13 = arith.constant 0 : index
    %get3A_14 = arith.constant 0 : index
    %get3A_15 = vector.load %arg3[%get3A_13, %get3A_14] : memref<1000x128xf32, #tpu.memory_space<vmem>>, vector<1000x128xf32>
    %mul3A = arith.mulf %add3A_12, %get3A_15 : vector<1000x128xf32>
    %get3A_16 = arith.constant 0 : index
    %get3A_17 = arith.constant 0 : index
    %get3A_18 = vector.load %arg4[%get3A_16, %get3A_17] : memref<1x128xf32, #tpu.memory_space<vmem>>, vector<1x128xf32>
    %add3A_19 = vector.broadcast %get3A_18 : vector<1x128xf32> to vector<1000x128xf32>
    %add3A_20 = arith.addf %mul3A, %add3A_19 : vector<1000x128xf32>
    %max3A = arith.constant 0.000000e+00 : f32
    %max3A_21 = vector.broadcast %max3A : f32 to vector<1000x128xf32>
    %max3A_22 = arith.maximumf %add3A_20, %max3A_21 : vector<1000x128xf32>
    %get3A_23 = arith.constant 0 : index
    %get3A_24 = arith.constant 0 : index
    %get3A_25 = vector.load %arg5[%get3A_23, %get3A_24] : memref<1000x128xf32, #tpu.memory_space<vmem>>, vector<1000x128xf32>
    %get3A_26 = arith.constant 0 : index
    %get3A_27 = arith.constant 0 : index
    %get3A_28 = vector.load %arg7[%get3A_26, %get3A_27] : memref<128x128xf32, #tpu.memory_space<vmem>>, vector<128x128xf32>
    %dot_general3A = arith.constant dense<0.000000e+00> : vector<1000x128xf32>
    %dot_general3A_29 = tpu.matmul %get3A_25, %get3A_28, %dot_general3A {dimension_numbers = #tpu.dot_dimension_numbers<[1], [0], [0], [1], [0, 0, 1, 1], [], []>, transpose_lhs_hint = false} : vector<1000x128xf32>, vector<128x128xf32>, vector<1000x128xf32> -> vector<1000x128xf32>
    %get3A_30 = arith.constant 0 : index
    %get3A_31 = arith.constant 0 : index
    %get3A_32 = vector.load %arg6[%get3A_30, %get3A_31] : memref<1000x128xf32, #tpu.memory_space<vmem>>, vector<1000x128xf32>
    %get3A_33 = arith.constant 0 : index
    %get3A_34 = arith.constant 0 : index
    %get3A_35 = vector.load %arg8[%get3A_33, %get3A_34] : memref<128x128xf32, #tpu.memory_space<vmem>>, vector<128x128xf32>
    %dot_general3A_36 = arith.constant dense<0.000000e+00> : vector<1000x128xf32>
    %dot_general3A_37 = tpu.matmul %get3A_32, %get3A_35, %dot_general3A_36 {dimension_numbers = #tpu.dot_dimension_numbers<[1], [0], [0], [1], [0, 0, 1, 1], [], []>, transpose_lhs_hint = false} : vector<1000x128xf32>, vector<128x128xf32>, vector<1000x128xf32> -> vector<1000x128xf32>
    %add3A_38 = arith.addf %dot_general3A_29, %dot_general3A_37 : vector<1000x128xf32>
    %get3A_39 = arith.constant 0 : index
    %get3A_40 = arith.constant 0 : index
    %get3A_41 = vector.load %arg9[%get3A_39, %get3A_40] : memref<128x128xf32, #tpu.memory_space<vmem>>, vector<128x128xf32>
    %dot_general3A_42 = arith.constant dense<0.000000e+00> : vector<1000x128xf32>
    %dot_general3A_43 = tpu.matmul %max3A_22, %get3A_41, %dot_general3A_42 {dimension_numbers = #tpu.dot_dimension_numbers<[1], [0], [0], [1], [0, 0, 1, 1], [], []>, transpose_lhs_hint = false} : vector<1000x128xf32>, vector<128x128xf32>, vector<1000x128xf32> -> vector<1000x128xf32>
    %add3A_44 = arith.addf %add3A_38, %dot_general3A_43 : vector<1000x128xf32>
    %get3A_45 = arith.constant 0 : index
    %get3A_46 = arith.constant 0 : index
    %get3A_47 = vector.load %arg10[%get3A_45, %get3A_46] : memref<1x128xf32, #tpu.memory_space<vmem>>, vector<1x128xf32>
    %add3A_48 = vector.broadcast %get3A_47 : vector<1x128xf32> to vector<1000x128xf32>
    %add3A_49 = arith.addf %add3A_44, %add3A_48 : vector<1000x128xf32>
    %swap3A = arith.constant 0 : index
    %swap3A_50 = arith.constant 0 : index
    %swap3A_51 = vector.load %arg11[%swap3A, %swap3A_50] : memref<1000x128xf32, #tpu.memory_space<vmem>>, vector<1000x128xf32>
    tpu.vector_store %arg11[%swap3A, %swap3A_50], %add3A_49 {strides = array<i32>} : memref<1000x128xf32, #tpu.memory_space<vmem>>, vector<1000x128xf32>,
    return
  }
  func.func @transform_0(%arg0: i32) -> (i32, i32, i32) {
    %c0_i32 = arith.constant 0 : i32
    %c0_i32_0 = arith.constant 0 : i32
    %c0_i32_1 = arith.constant 0 : i32
    return %c0_i32, %arg0, %c0_i32_0 : i32, i32, i32
  }
  func.func @transform_1(%arg0: i32) -> (i32, i32) {
    %c0_i32 = arith.constant 0 : i32
    %c0_i32_0 = arith.constant 0 : i32
    return %arg0, %c0_i32 : i32, i32
  }
  func.func @transform_2(%arg0: i32) -> (i32, i32) {
    %c0_i32 = arith.constant 0 : i32
    %c0_i32_0 = arith.constant 0 : i32
    return %arg0, %c0_i32 : i32, i32
  }
  func.func @transform_3(%arg0: i32) -> (i32, i32) {
    %c0_i32 = arith.constant 0 : i32
    %c0_i32_0 = arith.constant 0 : i32
    %c0_i32_1 = arith.constant 0 : i32
    return %c0_i32, %c0_i32_0 : i32, i32
  }
  func.func @transform_4(%arg0: i32) -> (i32, i32) {
    %c0_i32 = arith.constant 0 : i32
    %c0_i32_0 = arith.constant 0 : i32
    return %arg0, %c0_i32 : i32, i32
  }
  func.func @transform_5(%arg0: i32) -> (i32, i32) {
    %c0_i32 = arith.constant 0 : i32
    %c0_i32_0 = arith.constant 0 : i32
    return %arg0, %c0_i32 : i32, i32
  }
  func.func @transform_6(%arg0: i32) -> (i32, i32) {
    %c0_i32 = arith.constant 0 : i32
    %c0_i32_0 = arith.constant 0 : i32
    %c0_i32_1 = arith.constant 0 : i32
    return %c0_i32, %c0_i32_0 : i32, i32
  }
  func.func @transform_7(%arg0: i32) -> (i32, i32) {
    %c0_i32 = arith.constant 0 : i32
    %c0_i32_0 = arith.constant 0 : i32
    %c0_i32_1 = arith.constant 0 : i32
    return %c0_i32, %c0_i32_0 : i32, i32
  }
  func.func @transform_8(%arg0: i32) -> (i32, i32) {
    %c0_i32 = arith.constant 0 : i32
    %c0_i32_0 = arith.constant 0 : i32
    %c0_i32_1 = arith.constant 0 : i32
    return %c0_i32, %c0_i32_0 : i32, i32
  }
  func.func @transform_9(%arg0: i32) -> (i32, i32) {
    %c0_i32 = arith.constant 0 : i32
    %c0_i32_0 = arith.constant 0 : i32
    %c0_i32_1 = arith.constant 0 : i32
    return %c0_i32, %c0_i32_0 : i32, i32
  }
  func.func @transform_10(%arg0: i32) -> (i32, i32) {
    %c0_i32 = arith.constant 0 : i32
    %c0_i32_0 = arith.constant 0 : i32
    return %arg0, %c0_i32 : i32, i32
  }
}

</mosaic_0001>

<sc_bundles>
// kernel: kernel.11.cloned.1.call-start
scs
__scs_entry_jumppad:
0x0: {  	(pc) =	sbr.rel $0x88, $3  }
0x1: {  	(tag) =	ssettag $0x0;
	lr =	simm.s32 $0x1  }
0x2: {  	[smem:$0x3F97] =	sst lr;
	_ =	strace $0xD0000000  }
0x3: {  	_ = 	snop  }
0x4: {  	_ = 	snop  }
0x5: {  	_ = 	snop  }
0x6: {  	_ = 	snop  }
0x7: {  	_ = 	snop  }
__scs_overlays_trampoline_lowered:
0x8: {  	[smem:$0x3FA6] =	sst s0  }
0x9: {  	[smem:$0x3FA7] =	sst s1  }
0xa: {  	[smem:$0x3FA8] =	sst s2  }
0xb: {  	[smem:$0x3FA9] =	sst s3  }
0xc: {  	[smem:$0x3FAA] =	sst s4  }
0xd: {  	[smem:$0x3FAB] =	sst s5  }
0xe: {  	[smem:$0x3FAC] =	sst s6  }
0xf: {  	[smem:$0x3FAD] =	sst s7  }
0x10: {  	[smem:$0x3FAE] =	sst s8  }
0x11: {  	[smem:$0x3FAF] =	sst s9;
	s0 =	simm.s32 @!p0 $0x0  }
0x12: {  	s1 =	sld [smem:$0x3F95];
	s0 =	simm.s32 @p0 $0x1  }
0x13: {  	[smem:$0x3FB0] =	sst s0;
	s0 =	simm.s32 @!p1 $0x0  }
0x14: {  	s2 =	sld [smem:$0x3F94];
	s0 =	simm.s32 @p1 $0x1  }
0x15: {  	[smem:$0x3FB1] =	sst s0;
	s0 =	simm.s32 @!p2 $0x0  }
0x16: {  	s3 =	sld [smem:$0x3FDB];
	s0 =	simm.s32 @p2 $0x1  }
0x17: {  	s4 =	simm.s32 $0x1BF5;
	[smem:$0x3FB3] =	sst s0  }
0x18: {  	s0 =	sld [smem:$0x3F96];
	_ =	swait.ge [sflag:s4], $0x0  }
0x19: {  	s7 =	sld [smem:$0x3F97]  }
0x1a: {  	s8 =	sadd.s32 $0xFFFFE003, lr  }
0x1b: {  	s9 =	sadd.s32 $0xFFFFFEF7, lr;
	s5 =	simm.s32 $0xFFFFFFFF;
	p2 =	slt.u32 s8, $0xFFFFF086  }
0x1c: {  	p1 =	slt.u32 s9, $0xF7A;
	s5 =	simm.s32 @!p2 $0x0  }
0x1d: {  	s5 =	simm.s32 @p1 $0x1;
	p0 =	seq.s32 s7, s2  }
0x1e: {  	s7 =	smul.u32 @!p0 $0xF7A, s2;
	p2 =	seq.s32 @!p0 s5, $0x0  }
0x1f: {  	s9 =	smul.u32 $0xF7A, s1;
	s8 =	simm.s32 @!p0 $0x1BF5;
	p2 =	por !p2, p0  }
0x20: {  	[sflag:s8] =	ssyncset.s32 @!p0 $0xFFFFF086;
	s6 =	sadd.s32 @!p0 s3, s7;
	s7 =	simm.s32 @!p0 $0x108  }
0x21: {  	s3 =	sadd.s32 s3, s9;
	s6 =	sadd.s32 @!p0 $0x88, s6;
	s7 =	simm.s32 @p2 $0x1082  }
0x22: {  	[simem:s7], [sflag:s8] =	dma.local @!p0 [hbm:s6], $0xF7A  }
0x23: {  	s9 =	sor.u32 $0xD0000000, s2;
	s6 =	simm.s32 $0x108;
	_ =	swait.ge @!p0 [sflag:s8], $0x0  }
0x24: {  	s3 =	sadd.s32 $0x88, s3;
	s6 =	simm.s32 @!p1 $0x1082;
	[sflag:s4] =	ssyncset.s32 $0xFFFFF086  }
0x25: {  	[simem:s6], [sflag:s4] =	dma.local [hbm:s3], $0xF7A  }
0x26: {  	[smem:$0x3F97] =	sst s1;
	(tag) =	ssettag s2;
	_ =	strace s9  }
0x27: {  	s1 =	sld [smem:$0x3FA7]  }
0x28: {  	s2 =	sld [smem:$0x3FA8]  }
0x29: {  	s4 =	sld [smem:$0x3FAA]  }
0x2a: {  	p0 =	seq.s32 s5, $0x0;
	s5 =	sld [smem:$0x3FAB]  }
0x2b: {  	s6 =	sld [smem:$0x3FAC]  }
0x2c: {  	s7 =	sld [smem:$0x3FAD]  }
0x2d: {  	s3 =	simm.s32 $0x108;
	s8 =	sld [smem:$0x3FAE]  }
0x2e: {  	s3 =	simm.s32 @!p0 $0x1082;
	s9 =	sld [smem:$0x3FAF]  }
0x2f: {  	lr =	sadd.s32 s0, s3;
	s0 =	sld [smem:$0x3FA6]  }
0x30: {  	s3 =	sld [smem:$0x3FA9]  }
0x31: {  	[smem:$0x3FB2] =	sst s10  }
0x32: {  	s10 =	sld [smem:$0x3FB0];
	_ =	sdelay $0x3  }
0x33: {  	p0 =	seq.s32 s10, $0x1;
	s10 =	sld [smem:$0x3FB2];
	_ =	sdelay $0x3  }
0x34: {  	[smem:$0x3FB2] =	sst s10  }
0x35: {  	s10 =	sld [smem:$0x3FB1];
	_ =	sdelay $0x3  }
0x36: {  	p1 =	seq.s32 s10, $0x1;
	s10 =	sld [smem:$0x3FB2];
	_ =	sdelay $0x3  }
0x37: {  	[smem:$0x3FB2] =	sst s10  }
0x38: {  	s10 =	sld [smem:$0x3FB3]  }
0x39: {  	_ = 	snop;
	(pc) =	sbr.ind lr, $3  }
0x3a: {  	_ = 	snop  }
0x3b: {  	_ = 	snop  }
0x3c: {  	p2 =	seq.s32 s10, $0x1;
	s10 =	sld [smem:$0x3FB2]  }
0x3d: {  	_ =	shalt  }
0x3e: {  	_ =	shalt  }
0x3f: {  	_ =	shalt  }
0x40: {  	_ =	shalt  }
0x41: {  	_ =	shalt  }
0x42: {  	_ =	shalt  }
0x43: {  	_ =	shalt  }
0x44: {  	_ =	shalt  }
0x45: {  	_ =	shalt  }
0x46: {  	_ =	shalt  }
0x47: {  	_ =	shalt  }
0x48: {  	_ =	shalt  }
0x49: {  	_ =	shalt  }
0x4a: {  	_ =	shalt  }
0x4b: {  	_ =	shalt  }
0x4c: {  	_ =	shalt  }
0x4d: {  	_ =	shalt  }
0x4e: {  	_ =	shalt  }
0x4f: {  	_ =	shalt  }
0x50: {  	_ =	shalt  }
0x51: {  	_ =	shalt  }
0x52: {  	_ =	shalt  }
0x53: {  	_ =	shalt  }
0x54: {  	_ =	shalt  }
0x55: {  	_ =	shalt  }
0x56: {  	_ =	shalt  }
0x57: {  	_ =	shalt  }
0x58: {  	_ =	shalt  }
0x59: {  	_ =	shalt  }
0x5a: {  	_ =	shalt  }
0x5b: {  	_ =	shalt  }
0x5c: {  	_ =	shalt  }
0x5d: {  	_ =	shalt  }
0x5e: {  	_ =	shalt  }
0x5f: {  	_ =	shalt  }
0x60: {  	_ =	shalt  }
0x61: {  	_ =	shalt  }
0x62: {  	_ =	shalt  }
0x63: {  	_ =	shalt  }
0x64: {  	_ =	shalt  }
0x65: {  	_ =	shalt  }
0x66: {  	_ =	shalt  }
0x67: {  	_ =	shalt  }
0x68: {  	_ =	shalt  }
0x69: {  	_ =	shalt  }
0x6a: {  	_ =	shalt  }
0x6b: {  	_ =	shalt  }
0x6c: {  	_ =	shalt  }
0x6d: {  	_ =	shalt  }
0x6e: {  	_ =	shalt  }
0x6f: {  	_ =	shalt  }
0x70: {  	_ =	shalt  }
0x71: {  	_ =	shalt  }
0x72: {  	_ =	shalt  }
0x73: {  	_ =	shalt  }
0x74: {  	_ =	shalt  }
0x75: {  	_ =	shalt  }
0x76: {  	_ =	shalt  }
0x77: {  	_ =	shalt  }
0x78: {  	_ =	shalt  }
0x79: {  	_ =	shalt  }
0x7a: {  	_ =	shalt  }
0x7b: {  	_ =	shalt  }
0x7c: {  	_ =	shalt  }
0x7d: {  	_ =	shalt  }
0x7e: {  	_ =	shalt  }
0x7f: {  	_ =	shalt  }
0x80: {  	_ =	shalt  }
0x81: {  	_ =	shalt  }
0x82: {  	_ =	shalt  }
0x83: {  	_ =	shalt  }
0x84: {  	_ =	shalt  }
0x85: {  	_ =	shalt  }
0x86: {  	_ =	shalt  }
0x87: {  	_ =	shalt  }
.Lfunc_end0:
.L_simem_size_0:
called_computation.1_lowered:
.L_overlay_start_0:
0x88: {  	s2 =	sld [smem:$0x3FD9]  }
0x89: {  	s3 =	sld [smem:$0x3FFE];
	_ =	sdelay $0x1  }
0x8a: {  	s1 =	srdreg.scid  }
0x8b: {  	s0 =	sand.u32 $0x1, s1  }
0x8c: {  	s17 =	sshll.u32 s0, $0xA;
	s2 =	sadd.s32 s3, s2  }
0x8d: {  	s2 =	sadd.s32 s2, s17  }
0x8e: {  	[smem:$0x3FBE] =	sst s2  }
0x8f: {  	_ = 	snop  }
0x90: {  	s2 =	sld [smem:$0x3FD0];
	(tm) =	ssettm $0x1  }
0x91: {  	s18 =	sld [smem:$0x3FFB];
	_ =	sdelay $0x3  }
0x92: {  	_ =	strace s18  }
0x93: {  	s3 =	sld [smem:$0x3FFC];
	_ =	sdelay $0x3  }
0x94: {  	_ =	strace s3  }
0x95: {  	s3 =	sld [smem:$0x3FFD];
	_ =	sdelay $0x3  }
0x96: {  	_ =	strace s3  }
0x97: {  	_ =	strace $0x8FFFFFFF  }
0x98: {  	s19 =	sld [smem:$0x3FDB];
	_ =	sdelay $0x1  }
0x99: {  	s4 =	simm.s32 $_scs_section_size  }
0x9a: {  	s5 =	simm.s32 $_size__tile_overlayer_lowered;
	s6 =	simm.s32 $_tile_overlayer_lowered  }
0x9b: {  	s22 =	simm.s32 $0x1BFF;
	s21 =	sshll.u32 s6, $0x1;
	s3 =	sadd.s32 s4, s19  }
0x9c: {  	s7 =	simm.s32 $0x0;
	s20 =	sshll.u32 s5, $0x1;
	s5 =	sadd.s32 s21, s3  }
0x9d: {  	[timem:s7], [sflag:s22] =	dma.local [hbm:s5], s20  }
0x9e: {  	_ =	swait.ge [sflag:s22], s20  }
0x9f: {  	s4 =	ssub.s32 $0x0, s20;
	[sflag:s22] =	ssyncset.done $0x0  }
0xa0: {  	[sflag:s22] =	ssyncadd.s32 s4;
	_ =	sdelay $0x1  }
0xa1: {  	s23 =	simm.s32 $0x1B8B  }
0xa2: {  	_ =	swait.ge [sflag:s23], $0x1  }
0xa3: {  	[sflag:s23] =	ssyncset.done $0x0  }
0xa4: {  	s25 =	simm.s32 $0x1B8E;
	s24 =	sld [smem:$0x3FFE];
	[sflag:s23] =	ssyncadd.s32 $0xFFFFFFFF  }
0xa5: {  	s26 =	simm.s32 $execute0_lowered;
	[smem:$0x3FD2] =	sst s25  }
0xa6: {  	s5 =	sshll.u32 s26, $0x1;
	_ =	strace $0x80000049;
	[dreg:$0x1] =	wrdreg $0xFFFFFFFF  }
0xa7: {  	s28 =	simm.s32 $_size_execute0_lowered;
	s3 =	sadd.s32 s3, s5;
	[dreg:$0x0] =	wrdreg $0x0  }
0xa8: {  	s5 =	sshll.u32 s28, $0x1;
	[dreg:$0x2] =	wrdreg s3  }
0xa9: {  	[dreg:$0x3] =	wrdreg s5  }
0xaa: {  	[dreg:$0x4] =	wrdreg $0xC0  }
0xab: {  	_ =	task [dreg:s7], $0x5FFFF  }
0xac: {  	[dreg:$0x1] =	wrdreg $0xFFFFFFFF  }
0xad: {  	[dreg:$0x0] =	wrdreg $0x60  }
0xae: {  	[dreg:$0x2] =	wrdreg s2  }
0xaf: {  	[dreg:$0x3] =	wrdreg s24  }
0xb0: {  	[dreg:$0x4] =	wrdreg $0xF0000  }
0xb1: {  	[dreg:$0x5] =	wrdreg $0x9  }
0xb2: {  	_ =	task.clear_ibuf [dreg:s7], $0x6FFFF;
	_ =	strace $0x90000049  }
0xb3: {  	s29 =	simm.s32 $0x9;
	_ =	strace $0x8000004B  }
0xb4: {  	_ =	swait.ge [sflag:s29], $0x1  }
0xb5: {  	[sflag:s29] =	ssyncadd.s32 $0xFFFFFFFF  }
0xb6: {  	_ =	strace $0x9000004B  }
0xb7: {  	_ =	sfence  }
0xb8: {  	s30 =	sld [smem:$0x0];
	_ =	sdelay $0x2  }
0xb9: {  	s31 =	sshll.u32 s1, $0xD;
	s1 =	sshrl.u32 s1, $0x2  }
0xba: {  	s3 =	sand.u32 $0x4000, s31;
	s1 =	sadd.s32 s1, s30  }
0xbb: {  	s0 =	sor.u32 s3, s0;
	s1 =	sshll.u32 s1, $0x11  }
0xbc: {  	s0 =	sor.u32 s1, s0  }
0xbd: {  	s0 =	sadd.s32 $0x8F2B, s0  }
0xbe: {  	[sflag:s0] =	ssyncadd.remote.s32 $0x1  }
0xbf: {  	_ =	sfence.sel $0xFFFF  }
0xc0: {  	[dreg:$0x0] =	wrdreg $0xFFFFFFFF;
	(pc) =	sbr.abs _section_cstart, $3  }
0xc1: {  	[dreg:$0x1] =	wrdreg $0xFFFFFFFF  }
0xc2: {  	_ =	task.clear_ibuf [dreg:s7], $0x2FFFF;
	_ =	strace $0x9FFFFFFF  }
0xc3: {  	(tm) =	ssettm $0x7FFFFFFF  }
tec
execute0_lowered:
.L_overlay_start_1:
0x0: {  	(tag) =	ssettag $0x1  }
0x1: {  	s2 =	rddreg [dreg:$0x0]  }
0x2: {  	s0 =	rddreg [dreg:$0x1];
	s1 =	srdreg.scid  }
0x3: {  	s3 =	rddreg [dreg:$0x2];
	s8 =	stileid.u32;
	s4 =	simm.s32 $0x0  }
0x4: {  	s14 =	simm.s32 $0x5;
	s16 =	simm.s32 $0x80;
	s17 =	simm.s32 $0x5000  }
0x5: {  	s18 =	simm.s32 $0x7000;
	s20 =	simm.s32 $0x9000;
	s22 =	simm.s32 $0xB000  }
0x6: {  	s23 =	simm.s32 $0xD000;
	s24 =	simm.s32 $0x1;
	s28 =	simm.s32 $0x4  }
0x7: {  	s30 =	simm.s32 $0x4E80;
	s31 =	simm.s32 $0x4F00;
	s1 =	sand.u32 $0x1, s1  }
0x8: {  	s7 =	smul.u32 $0x9C40, s8;
	[smem:$0x7FF] =	sst s4;
	s5 =	sshll.u32 s1, $0x4  }
0x9: {  	s6 =	smul.u32 $0x9C400, s1;
	_ =	strace $0x8000004A;
	s1 =	ssub.s32 $0x2, s1  }
0xa: {  	s5 =	sor.u32 s8, s5;
	s8 =	smul.u32 $0x27100, s8;
	s26 =	sshrl.u32 s1, $0x1  }
0xb: {  	s5 =	smul.u32 $0x500, s5;
	s6 =	sadd.s32 s7, s6;
	s1 =	ssub.s32 s1, s26  }
0xc: {  	s7 =	sadd.s32 s7, s3;
	s26 =	simm.s32 $0x3;
	s25 =	sshrl.u32 s6, $0x3  }
0xd: {  	s29 =	sshrl.u32 s8, $0x2;
	s13 =	smax.u32 s1, $0x1;
	s1 =	simm.s32 $0x0  }
0xe: {  	s9 =	sadd.s32 s5, s0;
	s0 =	sadd.s32 s25, s0;
	s11 =	sadd.s32 s29, s3  }
0xf: {  	s25 =	simm.s32 $0x2;
	s5 =	sadd.s32 $0xD400, s9;
	s6 =	sadd.s32 $0x3400, s9  }
0x10: {  	s8 =	sadd.s32 $0x1F40, s11;
	s9 =	sadd.s32 $0x3E80, s11;
	s10 =	sadd.s32 $0x5DC0, s11  }
0x11: {  	v0 =	vimm.f32 $0.0e+00;
	s11 =	sadd.s32 $0x7D00, s11;
	s12 =	sadd.s32 $0x17400, s0;
	s0 =	simm.s32 $0x4F80  }
.LBB2_1:
0x12: {  	[tilespmem:s4], [sflag:$0x5] =	stream.linear.gather [hbm4b:s5+s4], $0x2800, $0x38;
	[tilespmem:$0x19000] =	vst v63  }
0x13: {  	_ =	swait.ge [sflag:s14], $0x2800  }
0x14: {  	[sflag:s14] =	ssyncset.done $0x0  }
0x15: {  	s15 =	simm.s32 $0x2800;
	[sflag:s14] =	ssyncadd.s32 $0xFFFFD800  }
0x16: {  	[tilespmem:s15], [sflag:$0x5] =	stream.linear.gather [hbm4b:s6+s4], $0x2800, $0x38;
	[tilespmem:$0x19000] =	vst v63  }
0x17: {  	_ =	swait.ge [sflag:s14], $0x2800  }
0x18: {  	[sflag:s14] =	ssyncset.done $0x0  }
0x19: {  	[sflag:s14] =	ssyncadd.s32 $0xFFFFD800  }
0x1a: {  	[tilespmem:s17], [sflag:$0x1] =	stream.indirect.gather [hbm4b:s2+s16], $0x40, s4, s16, $0xb8;
	[tilespmem:$0x19000] =	vst v63  }
0x1b: {  	_ = 	snop  }
0x1c: {  	[tilespmem:s18], [sflag:$0x2] =	stream.indirect.gather [hbm4b:s2+s16], $0x40, s16, s16, $0xb8;
	[tilespmem:$0x19000] =	vst v63  }
0x1d: {  	s19 =	simm.s32 $0x100  }
0x1e: {  	[tilespmem:s20], [sflag:$0x3] =	stream.indirect.gather [hbm4b:s2+s16], $0x40, s19, s16, $0xb8;
	[tilespmem:$0x19000] =	vst v63  }
0x1f: {  	s21 =	simm.s32 $0x180;
	s29 =	sand.u32 $0x7F00, s4  }
0x20: {  	[tilespmem:s22], [sflag:$0x4] =	stream.indirect.gather [hbm4b:s2+s16], $0x40, s21, s16, $0xb8;
	[tilespmem:$0x19000] =	vst v63  }
0x21: {  	s19 =	sand.u32 $0x30, s4;
	s21 =	sshrl.u32 s29, $0x2  }
0x22: {  	s15 =	simm.s32 $0x40;
	s21 =	sor.u32 s19, s21;
	s19 =	simm.s32 $0x0  }
.LBB2_2:
0x23: {  	p0 =	sne.s32 s15, $0x7CC0  }
0x24: {  	[tilespmem:s21+$0xD000] =	vst v0;
	s19 =	sadd.s32 $0x10, s19;
	s21 =	smov.u32 s15;
	s15 =	sadd.s32 $0x40, s15  }
.Ltmp0:
0x25: {  	(pc) =	sbr.rel @p0 .LBB2_2-.Ltmp0, $4  }
0x26: {  	_ = 	snop  }
0x27: {  	s21 =	sand.u32 $0x7F00, s21  }
0x28: {  	s29 =	sand.u32 $0x30, s19;
	s21 =	sshrl.u32 s21, $0x2  }
0x29: {  	s21 =	sor.u32 s29, s21  }
0x2a: {  	[tilespmem:s21+$0xD000] =	vst v0  }
0x2b: {  	[spmem:s7] =	stream.linear.scatter [tilespmem:s23], [sflag:$0x5], $0x1F40, $0x38;
	[tilespmem:$0x19000] =	vst v63  }
0x2c: {  	_ =	swait.ge [sflag:s14], $0x1F40  }
0x2d: {  	[sflag:s14] =	ssyncset.done $0x0  }
0x2e: {  	[sflag:s14] =	ssyncadd.s32 $0xFFFFE0C0  }
0x2f: {  	[spmem:s8] =	stream.linear.scatter [tilespmem:s23], [sflag:$0x5], $0x1F40, $0x38;
	[tilespmem:$0x19000] =	vst v63  }
0x30: {  	_ =	swait.ge [sflag:s14], $0x1F40  }
0x31: {  	[sflag:s14] =	ssyncset.done $0x0  }
0x32: {  	[sflag:s14] =	ssyncadd.s32 $0xFFFFE0C0  }
0x33: {  	[spmem:s9] =	stream.linear.scatter [tilespmem:s23], [sflag:$0x5], $0x1F40, $0x38;
	[tilespmem:$0x19000] =	vst v63  }
0x34: {  	_ =	swait.ge [sflag:s14], $0x1F40  }
0x35: {  	[sflag:s14] =	ssyncset.done $0x0  }
0x36: {  	[sflag:s14] =	ssyncadd.s32 $0xFFFFE0C0  }
0x37: {  	[spmem:s10] =	stream.linear.scatter [tilespmem:s23], [sflag:$0x5], $0x1F40, $0x38;
	[tilespmem:$0x19000] =	vst v63  }
0x38: {  	_ =	swait.ge [sflag:s14], $0x1F40  }
0x39: {  	[sflag:s14] =	ssyncset.done $0x0  }
0x3a: {  	[sflag:s14] =	ssyncadd.s32 $0xFFFFE0C0  }
0x3b: {  	[spmem:s11] =	stream.linear.scatter [tilespmem:s23], [sflag:$0x5], $0x1F40, $0x38;
	[tilespmem:$0x19000] =	vst v63  }
0x3c: {  	_ =	swait.ge [sflag:s14], $0x1F40  }
0x3d: {  	[sflag:s14] =	ssyncset.done $0x0  }
0x3e: {  	[sflag:s14] =	ssyncadd.s32 $0xFFFFE0C0  }
0x3f: {  	[bflag:$0x0] =	sbarrier.arrive $0xFFFF  }
0x40: {  	_ =	swait.ge [sflag:s24], $0x2000  }
0x41: {  	[sflag:s24] =	ssyncset.done $0x0  }
0x42: {  	s15 =	simm.s32 $0x2800;
	[sflag:s24] =	ssyncadd.s32 $0xFFFFE000  }
0x43: {  	[spmem:s3] =	stream.indirect.scatter.add.f32 [tilespmem:s17], [sflag:$0x5], $0x40, s15, s16, $0xb8;
	[tilespmem:$0x19000] =	vst v63  }
0x44: {  	_ =	swait.ge [sflag:s14], $0x2000  }
0x45: {  	[sflag:s14] =	ssyncset.done $0x0  }
0x46: {  	s19 =	simm.s32 $0x200;
	[sflag:s14] =	ssyncadd.s32 $0xFFFFE000  }
0x47: {  	[tilespmem:s17], [sflag:$0x1] =	stream.indirect.gather [hbm4b:s2+s16], $0x40, s19, s16, $0xb8;
	[tilespmem:$0x19000] =	vst v63  }
0x48: {  	_ =	swait.ge [sflag:s25], $0x2000  }
0x49: {  	[sflag:s25] =	ssyncset.done $0x0  }
0x4a: {  	s21 =	simm.s32 $0x2880;
	[sflag:s25] =	ssyncadd.s32 $0xFFFFE000  }
0x4b: {  	[spmem:s3] =	stream.indirect.scatter.add.f32 [tilespmem:s18], [sflag:$0x5], $0x40, s21, s16, $0xb8;
	[tilespmem:$0x19000] =	vst v63  }
0x4c: {  	_ =	swait.ge [sflag:s14], $0x2000  }
0x4d: {  	[sflag:s14] =	ssyncset.done $0x0  }
0x4e: {  	s29 =	simm.s32 $0x280;
	[sflag:s14] =	ssyncadd.s32 $0xFFFFE000  }
0x4f: {  	[tilespmem:s18], [sflag:$0x2] =	stream.indirect.gather [hbm4b:s2+s16], $0x40, s29, s16, $0xb8;
	[tilespmem:$0x19000] =	vst v63  }
0x50: {  	_ =	swait.ge [sflag:s26], $0x2000  }
0x51: {  	[sflag:s26] =	ssyncset.done $0x0  }
0x52: {  	s19 =	simm.s32 $0x2900;
	[sflag:s26] =	ssyncadd.s32 $0xFFFFE000  }
0x53: {  	[spmem:s3] =	stream.indirect.scatter.add.f32 [tilespmem:s20], [sflag:$0x5], $0x40, s19, s16, $0xb8;
	[tilespmem:$0x19000] =	vst v63  }
0x54: {  	_ =	swait.ge [sflag:s14], $0x2000  }
0x55: {  	[sflag:s14] =	ssyncset.done $0x0  }
0x56: {  	s21 =	simm.s32 $0x300;
	[sflag:s14] =	ssyncadd.s32 $0xFFFFE000  }
0x57: {  	[tilespmem:s20], [sflag:$0x3] =	stream.indirect.gather [hbm4b:s2+s16], $0x40, s21, s16, $0xb8;
	[tilespmem:$0x19000] =	vst v63  }
0x58: {  	_ =	swait.ge [sflag:s28], $0x2000  }
0x59: {  	[sflag:s28] =	ssyncset.done $0x0  }
0x5a: {  	s29 =	simm.s32 $0x2980;
	[sflag:s28] =	ssyncadd.s32 $0xFFFFE000  }
0x5b: {  	[spmem:s3] =	stream.indirect.scatter.add.f32 [tilespmem:s22], [sflag:$0x5], $0x40, s29, s16, $0xb8;
	[tilespmem:$0x19000] =	vst v63  }
0x5c: {  	_ =	swait.ge [sflag:s14], $0x2000  }
0x5d: {  	[sflag:s14] =	ssyncset.done $0x0  }
0x5e: {  	s15 =	simm.s32 $0x800;
	s19 =	simm.s32 $0x380;
	[sflag:s14] =	ssyncadd.s32 $0xFFFFE000  }
.LBB2_4:
0x5f: {  	[tilespmem:s22], [sflag:$0x4] =	stream.indirect.gather [hbm4b:s2+s16], $0x40, s19, s16, $0xb8;
	[tilespmem:$0x19000] =	vst v63  }
0x60: {  	s19 =	smov.u32 s15  }
0x61: {  	p0 =	sne.s32 s15, $0x9000;
	s15 =	sadd.s32 $0x800, s15;
	_ =	swait.ge [sflag:s24], $0x2000  }
0x62: {  	s19 =	sshra.s32 s19, $0x2;
	[sflag:s24] =	ssyncset.done $0x0  }
0x63: {  	s21 =	sadd.s32 $0x2800, s19;
	[sflag:s24] =	ssyncadd.s32 $0xFFFFE000  }
0x64: {  	[spmem:s3] =	stream.indirect.scatter.add.f32 [tilespmem:s17], [sflag:$0x5], $0x40, s21, s16, $0xb8;
	[tilespmem:$0x19000] =	vst v63  }
0x65: {  	_ =	swait.ge [sflag:s14], $0x2000  }
0x66: {  	[sflag:s14] =	ssyncset.done $0x0  }
0x67: {  	s21 =	sadd.s32 $0x200, s19;
	[sflag:s14] =	ssyncadd.s32 $0xFFFFE000  }
0x68: {  	[tilespmem:s17], [sflag:$0x1] =	stream.indirect.gather [hbm4b:s2+s16], $0x40, s21, s16, $0xb8;
	[tilespmem:$0x19000] =	vst v63  }
0x69: {  	_ =	swait.ge [sflag:s25], $0x2000  }
0x6a: {  	[sflag:s25] =	ssyncset.done $0x0  }
0x6b: {  	s21 =	sadd.s32 $0x2880, s19;
	[sflag:s25] =	ssyncadd.s32 $0xFFFFE000  }
0x6c: {  	[spmem:s3] =	stream.indirect.scatter.add.f32 [tilespmem:s18], [sflag:$0x5], $0x40, s21, s16, $0xb8;
	[tilespmem:$0x19000] =	vst v63  }
0x6d: {  	_ =	swait.ge [sflag:s14], $0x2000  }
0x6e: {  	[sflag:s14] =	ssyncset.done $0x0  }
0x6f: {  	s21 =	sadd.s32 $0x280, s19;
	[sflag:s14] =	ssyncadd.s32 $0xFFFFE000  }
0x70: {  	[tilespmem:s18], [sflag:$0x2] =	stream.indirect.gather [hbm4b:s2+s16], $0x40, s21, s16, $0xb8;
	[tilespmem:$0x19000] =	vst v63  }
0x71: {  	_ =	swait.ge [sflag:s26], $0x2000  }
0x72: {  	[sflag:s26] =	ssyncset.done $0x0  }
0x73: {  	s21 =	sadd.s32 $0x2900, s19;
	[sflag:s26] =	ssyncadd.s32 $0xFFFFE000  }
0x74: {  	[spmem:s3] =	stream.indirect.scatter.add.f32 [tilespmem:s20], [sflag:$0x5], $0x40, s21, s16, $0xb8;
	[tilespmem:$0x19000] =	vst v63  }
0x75: {  	_ =	swait.ge [sflag:s14], $0x2000  }
0x76: {  	[sflag:s14] =	ssyncset.done $0x0  }
0x77: {  	s21 =	sadd.s32 $0x300, s19;
	[sflag:s14] =	ssyncadd.s32 $0xFFFFE000  }
0x78: {  	[tilespmem:s20], [sflag:$0x3] =	stream.indirect.gather [hbm4b:s2+s16], $0x40, s21, s16, $0xb8;
	[tilespmem:$0x19000] =	vst v63  }
0x79: {  	_ =	swait.ge [sflag:s28], $0x2000  }
0x7a: {  	[sflag:s28] =	ssyncset.done $0x0  }
.Ltmp1:
0x7b: {  	s21 =	sadd.s32 $0x2980, s19;
	[sflag:s28] =	ssyncadd.s32 $0xFFFFE000;
	(pc) =	sbr.rel @p0 .LBB2_4-.Ltmp1, $4  }
0x7c: {  	[spmem:s3] =	stream.indirect.scatter.add.f32 [tilespmem:s22], [sflag:$0x5], $0x40, s21, s16, $0xb8;
	[tilespmem:$0x19000] =	vst v63  }
0x7d: {  	_ =	swait.ge [sflag:s14], $0x2000  }
0x7e: {  	[sflag:s14] =	ssyncset.done $0x0  }
0x7f: {  	s19 =	sadd.s32 $0x380, s19;
	[sflag:s14] =	ssyncadd.s32 $0xFFFFE000  }
0x80: {  	[tilespmem:s22], [sflag:$0x4] =	stream.indirect.gather [hbm4b:s2+s16], $0x40, s19, s16, $0xb8;
	[tilespmem:$0x19000] =	vst v63  }
0x81: {  	_ =	swait.ge [sflag:s24], $0x2000  }
0x82: {  	[sflag:s24] =	ssyncset.done $0x0  }
0x83: {  	s15 =	simm.s32 $0x4E00;
	[sflag:s24] =	ssyncadd.s32 $0xFFFFE000  }
0x84: {  	[spmem:s3] =	stream.indirect.scatter.add.f32 [tilespmem:s17], [sflag:$0x5], $0x40, s15, s16, $0xb8;
	[tilespmem:$0x19000] =	vst v63  }
0x85: {  	_ =	swait.ge [sflag:s14], $0x2000  }
0x86: {  	[sflag:s14] =	ssyncset.done $0x0  }
0x87: {  	[sflag:s14] =	ssyncadd.s32 $0xFFFFE000  }
0x88: {  	_ =	swait.ge [sflag:s25], $0x2000  }
0x89: {  	[sflag:s25] =	ssyncset.done $0x0  }
0x8a: {  	[sflag:s25] =	ssyncadd.s32 $0xFFFFE000  }
0x8b: {  	[spmem:s3] =	stream.indirect.scatter.add.f32 [tilespmem:s18], [sflag:$0x5], $0x40, s30, s16, $0xb8;
	[tilespmem:$0x19000] =	vst v63  }
0x8c: {  	_ =	swait.ge [sflag:s14], $0x2000  }
0x8d: {  	[sflag:s14] =	ssyncset.done $0x0  }
0x8e: {  	[sflag:s14] =	ssyncadd.s32 $0xFFFFE000  }
0x8f: {  	_ =	swait.ge [sflag:s26], $0x2000  }
0x90: {  	[sflag:s26] =	ssyncset.done $0x0  }
0x91: {  	[sflag:s26] =	ssyncadd.s32 $0xFFFFE000  }
0x92: {  	[spmem:s3] =	stream.indirect.scatter.add.f32 [tilespmem:s20], [sflag:$0x5], $0x40, s31, s16, $0xb8;
	[tilespmem:$0x19000] =	vst v63  }
0x93: {  	_ =	swait.ge [sflag:s14], $0x2000  }
0x94: {  	[sflag:s14] =	ssyncset.done $0x0  }
0x95: {  	[sflag:s14] =	ssyncadd.s32 $0xFFFFE000  }
0x96: {  	_ =	swait.ge [sflag:s28], $0x2000  }
0x97: {  	[sflag:s28] =	ssyncset.done $0x0  }
0x98: {  	[sflag:s28] =	ssyncadd.s32 $0xFFFFE000  }
0x99: {  	[spmem:s3] =	stream.indirect.scatter.add.f32 [tilespmem:s22], [sflag:$0x5], $0x40, s0, s16, $0xb8;
	[tilespmem:$0x19000] =	vst v63  }
0x9a: {  	s21 =	stileid.u32;
	_ =	swait.ge [sflag:s14], $0x2000  }
0x9b: {  	s29 =	sshrl.u32 s7, $0x3;
	s1 =	sadd.s32 $0x1, s1;
	[sflag:s14] =	ssyncset.done $0x0  }
0x9c: {  	p0 =	sne.s32 s1, s13;
	s15 =	sshll.u32 s21, $0x6;
	[sflag:s14] =	ssyncadd.s32 $0xFFFFE000  }
.Ltmp2:
0x9d: {  	s15 =	sor.u32 $0x1C05, s15;
	[bflag:$0x0] =	sbarrier.arrive $0xFFFF;
	(pc) =	sbr.rel @p0 .LBB2_1-.Ltmp2, $4  }
0x9e: {  	[hbm:s12], [sflag:s15] =	dma.local [spmem:s29], $0x1388  }
0x9f: {  	_ =	swait.ge [sflag:s14], $0x1388  }
0xa0: {  	[sflag:s14] =	ssyncset.done $0x0  }
0xa1: {  	[sflag:s14] =	ssyncadd.s32 $0xFFFFEC78  }
0xa2: {  	_ =	sfence.sel $0x180000  }
0xa3: {  	[bflag:$0x0] =	sbarrier.arrive $0xFFFF  }
0xa4: {  	_ =	strace $0x9000004A  }
0xa5: {  	s0 =	stileid.u32;
	[bflag:$0x2] =	sbarrier.arrive $0xFFFF  }
0xa6: {  	p0 =	sne.s32 s0, $0x0;
	s0 =	rddreg [dreg:$0x3]  }
0xa7: {  	s0 =	sadd.s32 @!p0 $0x100000, s0  }
0xa8: {  	[sflag:s0] =	ssyncadd.tile.s32 @!p0 $0x1;
	_ =	shalt  }
.Lfunc_end2:
_tile_overlayer_lowered:
.L_overlay_start_2:
0xa9: {  	(tag) =	ssettag $0x2  }
0xaa: {  	s0 =	rddreg [dreg:$0x0];
	s2 =	stileid.u32  }
0xab: {  	s1 =	rddreg [dreg:$0x1];
	p0 =	sne.s32 s2, $0x0  }
0xac: {  	s3 =	rddreg [dreg:$0x2];
	[bflag:$0x3] =	sbarrier.arrive $0xFFFF;
	s2 =	simm.s32 @!p0 $0x1C05  }
0xad: {  	[timem:s3], [sflag:s2] =	dma.local @!p0 [hbm:s0], s1  }
0xae: {  	s0 =	simm.s32 @!p0 $0x5  }
0xaf: {  	_ =	swait.ge @!p0 [sflag:s0], s1  }
0xb0: {  	s1 =	ssub.s32 @!p0 $0x0, s1;
	[sflag:s0] =	ssyncset.done @!p0 $0x0  }
0xb1: {  	[sflag:s0] =	ssyncadd.s32 @!p0 s1  }
0xb2: {  	[bflag:$0x3] =	sbarrier.arrive $0xFFFF  }
0xb3: {  	_ =	shalt  }

// kernel: kernel.14.cloned.1.call-start
scs
__scs_entry_jumppad:
0x0: {  	(pc) =	sbr.rel $0x88, $3  }
0x1: {  	(tag) =	ssettag $0x0;
	lr =	simm.s32 $0x1  }
0x2: {  	[smem:$0x3F97] =	sst lr;
	_ =	strace $0xD0000000  }
0x3: {  	_ = 	snop  }
0x4: {  	_ = 	snop  }
0x5: {  	_ = 	snop  }
0x6: {  	_ = 	snop  }
0x7: {  	_ = 	snop  }
__scs_overlays_trampoline_lowered:
0x8: {  	[smem:$0x3FA6] =	sst s0  }
0x9: {  	[smem:$0x3FA7] =	sst s1  }
0xa: {  	[smem:$0x3FA8] =	sst s2  }
0xb: {  	[smem:$0x3FA9] =	sst s3  }
0xc: {  	[smem:$0x3FAA] =	sst s4  }
0xd: {  	[smem:$0x3FAB] =	sst s5  }
0xe: {  	[smem:$0x3FAC] =	sst s6  }
0xf: {  	[smem:$0x3FAD] =	sst s7  }
0x10: {  	[smem:$0x3FAE] =	sst s8  }
0x11: {  	[smem:$0x3FAF] =	sst s9;
	s0 =	simm.s32 @!p0 $0x0  }
0x12: {  	s1 =	sld [smem:$0x3F95];
	s0 =	simm.s32 @p0 $0x1  }
0x13: {  	[smem:$0x3FB0] =	sst s0;
	s0 =	simm.s32 @!p1 $0x0  }
0x14: {  	s2 =	sld [smem:$0x3F94];
	s0 =	simm.s32 @p1 $0x1  }
0x15: {  	[smem:$0x3FB1] =	sst s0;
	s0 =	simm.s32 @!p2 $0x0  }
0x16: {  	s3 =	sld [smem:$0x3FDB];
	s0 =	simm.s32 @p2 $0x1  }
0x17: {  	s4 =	simm.s32 $0x1BF5;
	[smem:$0x3FB3] =	sst s0  }
0x18: {  	s0 =	sld [smem:$0x3F96];
	_ =	swait.ge [sflag:s4], $0x0  }
0x19: {  	s7 =	sld [smem:$0x3F97]  }
0x1a: {  	s8 =	sadd.s32 $0xFFFFE003, lr  }
0x1b: {  	s9 =	sadd.s32 $0xFFFFFEF7, lr;
	s5 =	simm.s32 $0xFFFFFFFF;
	p2 =	slt.u32 s8, $0xFFFFF086  }
0x1c: {  	p1 =	slt.u32 s9, $0xF7A;
	s5 =	simm.s32 @!p2 $0x0  }
0x1d: {  	s5 =	simm.s32 @p1 $0x1;
	p0 =	seq.s32 s7, s2  }
0x1e: {  	s7 =	smul.u32 @!p0 $0xF7A, s2;
	p2 =	seq.s32 @!p0 s5, $0x0  }
0x1f: {  	s9 =	smul.u32 $0xF7A, s1;
	s8 =	simm.s32 @!p0 $0x1BF5;
	p2 =	por !p2, p0  }
0x20: {  	[sflag:s8] =	ssyncset.s32 @!p0 $0xFFFFF086;
	s6 =	sadd.s32 @!p0 s3, s7;
	s7 =	simm.s32 @!p0 $0x108  }
0x21: {  	s3 =	sadd.s32 s3, s9;
	s6 =	sadd.s32 @!p0 $0x88, s6;
	s7 =	simm.s32 @p2 $0x1082  }
0x22: {  	[simem:s7], [sflag:s8] =	dma.local @!p0 [hbm:s6], $0xF7A  }
0x23: {  	s9 =	sor.u32 $0xD0000000, s2;
	s6 =	simm.s32 $0x108;
	_ =	swait.ge @!p0 [sflag:s8], $0x0  }
0x24: {  	s3 =	sadd.s32 $0x88, s3;
	s6 =	simm.s32 @!p1 $0x1082;
	[sflag:s4] =	ssyncset.s32 $0xFFFFF086  }
0x25: {  	[simem:s6], [sflag:s4] =	dma.local [hbm:s3], $0xF7A  }
0x26: {  	[smem:$0x3F97] =	sst s1;
	(tag) =	ssettag s2;
	_ =	strace s9  }
0x27: {  	s1 =	sld [smem:$0x3FA7]  }
0x28: {  	s2 =	sld [smem:$0x3FA8]  }
0x29: {  	s4 =	sld [smem:$0x3FAA]  }
0x2a: {  	p0 =	seq.s32 s5, $0x0;
	s5 =	sld [smem:$0x3FAB]  }
0x2b: {  	s6 =	sld [smem:$0x3FAC]  }
0x2c: {  	s7 =	sld [smem:$0x3FAD]  }
0x2d: {  	s3 =	simm.s32 $0x108;
	s8 =	sld [smem:$0x3FAE]  }
0x2e: {  	s3 =	simm.s32 @!p0 $0x1082;
	s9 =	sld [smem:$0x3FAF]  }
0x2f: {  	lr =	sadd.s32 s0, s3;
	s0 =	sld [smem:$0x3FA6]  }
0x30: {  	s3 =	sld [smem:$0x3FA9]  }
0x31: {  	[smem:$0x3FB2] =	sst s10  }
0x32: {  	s10 =	sld [smem:$0x3FB0];
	_ =	sdelay $0x3  }
0x33: {  	p0 =	seq.s32 s10, $0x1;
	s10 =	sld [smem:$0x3FB2];
	_ =	sdelay $0x3  }
0x34: {  	[smem:$0x3FB2] =	sst s10  }
0x35: {  	s10 =	sld [smem:$0x3FB1];
	_ =	sdelay $0x3  }
0x36: {  	p1 =	seq.s32 s10, $0x1;
	s10 =	sld [smem:$0x3FB2];
	_ =	sdelay $0x3  }
0x37: {  	[smem:$0x3FB2] =	sst s10  }
0x38: {  	s10 =	sld [smem:$0x3FB3]  }
0x39: {  	_ = 	snop;
	(pc) =	sbr.ind lr, $3  }
0x3a: {  	_ = 	snop  }
0x3b: {  	_ = 	snop  }
0x3c: {  	p2 =	seq.s32 s10, $0x1;
	s10 =	sld [smem:$0x3FB2]  }
0x3d: {  	_ =	shalt  }
0x3e: {  	_ =	shalt  }
0x3f: {  	_ =	shalt  }
0x40: {  	_ =	shalt  }
0x41: {  	_ =	shalt  }
0x42: {  	_ =	shalt  }
0x43: {  	_ =	shalt  }
0x44: {  	_ =	shalt  }
0x45: {  	_ =	shalt  }
0x46: {  	_ =	shalt  }
0x47: {  	_ =	shalt  }
0x48: {  	_ =	shalt  }
0x49: {  	_ =	shalt  }
0x4a: {  	_ =	shalt  }
0x4b: {  	_ =	shalt  }
0x4c: {  	_ =	shalt  }
0x4d: {  	_ =	shalt  }
0x4e: {  	_ =	shalt  }
0x4f: {  	_ =	shalt  }
0x50: {  	_ =	shalt  }
0x51: {  	_ =	shalt  }
0x52: {  	_ =	shalt  }
0x53: {  	_ =	shalt  }
0x54: {  	_ =	shalt  }
0x55: {  	_ =	shalt  }
0x56: {  	_ =	shalt  }
0x57: {  	_ =	shalt  }
0x58: {  	_ =	shalt  }
0x59: {  	_ =	shalt  }
0x5a: {  	_ =	shalt  }
0x5b: {  	_ =	shalt  }
0x5c: {  	_ =	shalt  }
0x5d: {  	_ =	shalt  }
0x5e: {  	_ =	shalt  }
0x5f: {  	_ =	shalt  }
0x60: {  	_ =	shalt  }
0x61: {  	_ =	shalt  }
0x62: {  	_ =	shalt  }
0x63: {  	_ =	shalt  }
0x64: {  	_ =	shalt  }
0x65: {  	_ =	shalt  }
0x66: {  	_ =	shalt  }
0x67: {  	_ =	shalt  }
0x68: {  	_ =	shalt  }
0x69: {  	_ =	shalt  }
0x6a: {  	_ =	shalt  }
0x6b: {  	_ =	shalt  }
0x6c: {  	_ =	shalt  }
0x6d: {  	_ =	shalt  }
0x6e: {  	_ =	shalt  }
0x6f: {  	_ =	shalt  }
0x70: {  	_ =	shalt  }
0x71: {  	_ =	shalt  }
0x72: {  	_ =	shalt  }
0x73: {  	_ =	shalt  }
0x74: {  	_ =	shalt  }
0x75: {  	_ =	shalt  }
0x76: {  	_ =	shalt  }
0x77: {  	_ =	shalt  }
0x78: {  	_ =	shalt  }
0x79: {  	_ =	shalt  }
0x7a: {  	_ =	shalt  }
0x7b: {  	_ =	shalt  }
0x7c: {  	_ =	shalt  }
0x7d: {  	_ =	shalt  }
0x7e: {  	_ =	shalt  }
0x7f: {  	_ =	shalt  }
0x80: {  	_ =	shalt  }
0x81: {  	_ =	shalt  }
0x82: {  	_ =	shalt  }
0x83: {  	_ =	shalt  }
0x84: {  	_ =	shalt  }
0x85: {  	_ =	shalt  }
0x86: {  	_ =	shalt  }
0x87: {  	_ =	shalt  }
.Lfunc_end0:
.L_simem_size_0:
called_computation.2_lowered:
.L_overlay_start_0:
0x88: {  	s2 =	sld [smem:$0x3FD9]  }
0x89: {  	s3 =	sld [smem:$0x3FFE];
	_ =	sdelay $0x1  }
0x8a: {  	s1 =	srdreg.scid  }
0x8b: {  	s0 =	sand.u32 $0x1, s1  }
0x8c: {  	s17 =	sshll.u32 s0, $0xA;
	s2 =	sadd.s32 s3, s2  }
0x8d: {  	s2 =	sadd.s32 s2, s17  }
0x8e: {  	[smem:$0x3FBE] =	sst s2  }
0x8f: {  	_ = 	snop  }
0x90: {  	s2 =	sld [smem:$0x3FD0];
	(tm) =	ssettm $0x1  }
0x91: {  	s18 =	sld [smem:$0x3FFB];
	_ =	sdelay $0x3  }
0x92: {  	_ =	strace s18  }
0x93: {  	s3 =	sld [smem:$0x3FFC];
	_ =	sdelay $0x3  }
0x94: {  	_ =	strace s3  }
0x95: {  	s3 =	sld [smem:$0x3FFD];
	_ =	sdelay $0x3  }
0x96: {  	_ =	strace s3  }
0x97: {  	_ =	strace $0x8FFFFFFF  }
0x98: {  	s19 =	sld [smem:$0x3FDB];
	_ =	sdelay $0x1  }
0x99: {  	s4 =	simm.s32 $_scs_section_size  }
0x9a: {  	s5 =	simm.s32 $_size__tile_overlayer_lowered;
	s6 =	simm.s32 $_tile_overlayer_lowered  }
0x9b: {  	s22 =	simm.s32 $0x1BFF;
	s21 =	sshll.u32 s6, $0x1;
	s3 =	sadd.s32 s4, s19  }
0x9c: {  	s7 =	simm.s32 $0x0;
	s20 =	sshll.u32 s5, $0x1;
	s5 =	sadd.s32 s21, s3  }
0x9d: {  	[timem:s7], [sflag:s22] =	dma.local [hbm:s5], s20  }
0x9e: {  	_ =	swait.ge [sflag:s22], s20  }
0x9f: {  	s4 =	ssub.s32 $0x0, s20;
	[sflag:s22] =	ssyncset.done $0x0  }
0xa0: {  	[sflag:s22] =	ssyncadd.s32 s4;
	_ =	sdelay $0x1  }
0xa1: {  	s23 =	simm.s32 $0x1B8B  }
0xa2: {  	_ =	swait.ge [sflag:s23], $0x1  }
0xa3: {  	[sflag:s23] =	ssyncset.done $0x0  }
0xa4: {  	s25 =	simm.s32 $0x1B8E;
	s24 =	sld [smem:$0x3FFE];
	[sflag:s23] =	ssyncadd.s32 $0xFFFFFFFF  }
0xa5: {  	s26 =	simm.s32 $execute0_lowered;
	[smem:$0x3FD2] =	sst s25  }
0xa6: {  	s5 =	sshll.u32 s26, $0x1;
	_ =	strace $0x8000004C;
	[dreg:$0x1] =	wrdreg $0xFFFFFFFF  }
0xa7: {  	s28 =	simm.s32 $_size_execute0_lowered;
	s3 =	sadd.s32 s3, s5;
	[dreg:$0x0] =	wrdreg $0x0  }
0xa8: {  	s5 =	sshll.u32 s28, $0x1;
	[dreg:$0x2] =	wrdreg s3  }
0xa9: {  	[dreg:$0x3] =	wrdreg s5  }
0xaa: {  	[dreg:$0x4] =	wrdreg $0xC0  }
0xab: {  	_ =	task [dreg:s7], $0x5FFFF  }
0xac: {  	[dreg:$0x1] =	wrdreg $0xFFFFFFFF  }
0xad: {  	[dreg:$0x0] =	wrdreg $0x60  }
0xae: {  	[dreg:$0x2] =	wrdreg s2  }
0xaf: {  	[dreg:$0x3] =	wrdreg s24  }
0xb0: {  	[dreg:$0x4] =	wrdreg $0xF0000  }
0xb1: {  	[dreg:$0x5] =	wrdreg $0x9  }
0xb2: {  	_ =	task.clear_ibuf [dreg:s7], $0x6FFFF;
	_ =	strace $0x9000004C  }
0xb3: {  	s29 =	simm.s32 $0x9;
	_ =	strace $0x8000004E  }
0xb4: {  	_ =	swait.ge [sflag:s29], $0x1  }
0xb5: {  	[sflag:s29] =	ssyncadd.s32 $0xFFFFFFFF  }
0xb6: {  	_ =	strace $0x9000004E  }
0xb7: {  	_ =	sfence  }
0xb8: {  	s30 =	sld [smem:$0x0];
	_ =	sdelay $0x2  }
0xb9: {  	s31 =	sshll.u32 s1, $0xD;
	s1 =	sshrl.u32 s1, $0x2  }
0xba: {  	s3 =	sand.u32 $0x4000, s31;
	s1 =	sadd.s32 s1, s30  }
0xbb: {  	s0 =	sor.u32 s3, s0;
	s1 =	sshll.u32 s1, $0x11  }
0xbc: {  	s0 =	sor.u32 s1, s0  }
0xbd: {  	s0 =	sadd.s32 $0x8F2B, s0  }
0xbe: {  	[sflag:s0] =	ssyncadd.remote.s32 $0x1  }
0xbf: {  	_ =	sfence.sel $0xFFFF  }
0xc0: {  	[dreg:$0x0] =	wrdreg $0xFFFFFFFF;
	(pc) =	sbr.abs _section_cstart, $3  }
0xc1: {  	[dreg:$0x1] =	wrdreg $0xFFFFFFFF  }
0xc2: {  	_ =	task.clear_ibuf [dreg:s7], $0x2FFFF;
	_ =	strace $0x9FFFFFFF  }
0xc3: {  	(tm) =	ssettm $0x7FFFFFFF  }
tec
execute0_lowered:
.L_overlay_start_1:
0x0: {  	(tag) =	ssettag $0x1  }
0x1: {  	s2 =	rddreg [dreg:$0x0]  }
0x2: {  	s0 =	rddreg [dreg:$0x1];
	s1 =	srdreg.scid  }
0x3: {  	s3 =	rddreg [dreg:$0x2];
	s8 =	stileid.u32;
	s4 =	simm.s32 $0x0  }
0x4: {  	s14 =	simm.s32 $0x5;
	s16 =	simm.s32 $0x80;
	s17 =	simm.s32 $0x5000  }
0x5: {  	s18 =	simm.s32 $0x7000;
	s20 =	simm.s32 $0x9000;
	s22 =	simm.s32 $0xB000  }
0x6: {  	s23 =	simm.s32 $0xD000;
	s24 =	simm.s32 $0x1;
	s28 =	simm.s32 $0x4  }
0x7: {  	s30 =	simm.s32 $0x4E80;
	s31 =	simm.s32 $0x4F00;
	s1 =	sand.u32 $0x1, s1  }
0x8: {  	s7 =	smul.u32 $0x9C40, s8;
	[smem:$0x7FF] =	sst s4;
	s5 =	sshll.u32 s1, $0x4  }
0x9: {  	s6 =	smul.u32 $0x9C400, s1;
	_ =	strace $0x8000004D;
	s1 =	ssub.s32 $0x2, s1  }
0xa: {  	s5 =	sor.u32 s8, s5;
	s8 =	smul.u32 $0x27100, s8;
	s26 =	sshrl.u32 s1, $0x1  }
0xb: {  	s5 =	smul.u32 $0x500, s5;
	s6 =	sadd.s32 s7, s6;
	s1 =	ssub.s32 s1, s26  }
0xc: {  	s7 =	sadd.s32 s7, s3;
	s26 =	simm.s32 $0x3;
	s25 =	sshrl.u32 s6, $0x3  }
0xd: {  	s29 =	sshrl.u32 s8, $0x2;
	s13 =	smax.u32 s1, $0x1;
	s1 =	simm.s32 $0x0  }
0xe: {  	s9 =	sadd.s32 s5, s0;
	s0 =	sadd.s32 s25, s0;
	s11 =	sadd.s32 s29, s3  }
0xf: {  	s25 =	simm.s32 $0x2;
	s5 =	sadd.s32 $0xD400, s9;
	s6 =	sadd.s32 $0x3400, s9  }
0x10: {  	s8 =	sadd.s32 $0x1F40, s11;
	s9 =	sadd.s32 $0x3E80, s11;
	s10 =	sadd.s32 $0x5DC0, s11  }
0x11: {  	v0 =	vimm.f32 $0.0e+00;
	s11 =	sadd.s32 $0x7D00, s11;
	s12 =	sadd.s32 $0x17400, s0;
	s0 =	simm.s32 $0x4F80  }
.LBB2_1:
0x12: {  	[tilespmem:s4], [sflag:$0x5] =	stream.linear.gather [hbm4b:s5+s4], $0x2800, $0x38;
	[tilespmem:$0x19000] =	vst v63  }
0x13: {  	_ =	swait.ge [sflag:s14], $0x2800  }
0x14: {  	[sflag:s14] =	ssyncset.done $0x0  }
0x15: {  	s15 =	simm.s32 $0x2800;
	[sflag:s14] =	ssyncadd.s32 $0xFFFFD800  }
0x16: {  	[tilespmem:s15], [sflag:$0x5] =	stream.linear.gather [hbm4b:s6+s4], $0x2800, $0x38;
	[tilespmem:$0x19000] =	vst v63  }
0x17: {  	_ =	swait.ge [sflag:s14], $0x2800  }
0x18: {  	[sflag:s14] =	ssyncset.done $0x0  }
0x19: {  	[sflag:s14] =	ssyncadd.s32 $0xFFFFD800  }
0x1a: {  	[tilespmem:s17], [sflag:$0x1] =	stream.indirect.gather [hbm4b:s2+s16], $0x40, s4, s16, $0xb8;
	[tilespmem:$0x19000] =	vst v63  }
0x1b: {  	_ = 	snop  }
0x1c: {  	[tilespmem:s18], [sflag:$0x2] =	stream.indirect.gather [hbm4b:s2+s16], $0x40, s16, s16, $0xb8;
	[tilespmem:$0x19000] =	vst v63  }
0x1d: {  	s19 =	simm.s32 $0x100  }
0x1e: {  	[tilespmem:s20], [sflag:$0x3] =	stream.indirect.gather [hbm4b:s2+s16], $0x40, s19, s16, $0xb8;
	[tilespmem:$0x19000] =	vst v63  }
0x1f: {  	s21 =	simm.s32 $0x180;
	s29 =	sand.u32 $0x7F00, s4  }
0x20: {  	[tilespmem:s22], [sflag:$0x4] =	stream.indirect.gather [hbm4b:s2+s16], $0x40, s21, s16, $0xb8;
	[tilespmem:$0x19000] =	vst v63  }
0x21: {  	s19 =	sand.u32 $0x30, s4;
	s21 =	sshrl.u32 s29, $0x2  }
0x22: {  	s15 =	simm.s32 $0x40;
	s21 =	sor.u32 s19, s21;
	s19 =	simm.s32 $0x0  }
.LBB2_2:
0x23: {  	p0 =	sne.s32 s15, $0x7CC0  }
0x24: {  	[tilespmem:s21+$0xD000] =	vst v0;
	s19 =	sadd.s32 $0x10, s19;
	s21 =	smov.u32 s15;
	s15 =	sadd.s32 $0x40, s15  }
.Ltmp0:
0x25: {  	(pc) =	sbr.rel @p0 .LBB2_2-.Ltmp0, $4  }
0x26: {  	_ = 	snop  }
0x27: {  	s21 =	sand.u32 $0x7F00, s21  }
0x28: {  	s29 =	sand.u32 $0x30, s19;
	s21 =	sshrl.u32 s21, $0x2  }
0x29: {  	s21 =	sor.u32 s29, s21  }
0x2a: {  	[tilespmem:s21+$0xD000] =	vst v0  }
0x2b: {  	[spmem:s7] =	stream.linear.scatter [tilespmem:s23], [sflag:$0x5], $0x1F40, $0x38;
	[tilespmem:$0x19000] =	vst v63  }
0x2c: {  	_ =	swait.ge [sflag:s14], $0x1F40  }
0x2d: {  	[sflag:s14] =	ssyncset.done $0x0  }
0x2e: {  	[sflag:s14] =	ssyncadd.s32 $0xFFFFE0C0  }
0x2f: {  	[spmem:s8] =	stream.linear.scatter [tilespmem:s23], [sflag:$0x5], $0x1F40, $0x38;
	[tilespmem:$0x19000] =	vst v63  }
0x30: {  	_ =	swait.ge [sflag:s14], $0x1F40  }
0x31: {  	[sflag:s14] =	ssyncset.done $0x0  }
0x32: {  	[sflag:s14] =	ssyncadd.s32 $0xFFFFE0C0  }
0x33: {  	[spmem:s9] =	stream.linear.scatter [tilespmem:s23], [sflag:$0x5], $0x1F40, $0x38;
	[tilespmem:$0x19000] =	vst v63  }
0x34: {  	_ =	swait.ge [sflag:s14], $0x1F40  }
0x35: {  	[sflag:s14] =	ssyncset.done $0x0  }
0x36: {  	[sflag:s14] =	ssyncadd.s32 $0xFFFFE0C0  }
0x37: {  	[spmem:s10] =	stream.linear.scatter [tilespmem:s23], [sflag:$0x5], $0x1F40, $0x38;
	[tilespmem:$0x19000] =	vst v63  }
0x38: {  	_ =	swait.ge [sflag:s14], $0x1F40  }
0x39: {  	[sflag:s14] =	ssyncset.done $0x0  }
0x3a: {  	[sflag:s14] =	ssyncadd.s32 $0xFFFFE0C0  }
0x3b: {  	[spmem:s11] =	stream.linear.scatter [tilespmem:s23], [sflag:$0x5], $0x1F40, $0x38;
	[tilespmem:$0x19000] =	vst v63  }
0x3c: {  	_ =	swait.ge [sflag:s14], $0x1F40  }
0x3d: {  	[sflag:s14] =	ssyncset.done $0x0  }
0x3e: {  	[sflag:s14] =	ssyncadd.s32 $0xFFFFE0C0  }
0x3f: {  	[bflag:$0x0] =	sbarrier.arrive $0xFFFF  }
0x40: {  	_ =	swait.ge [sflag:s24], $0x2000  }
0x41: {  	[sflag:s24] =	ssyncset.done $0x0  }
0x42: {  	s15 =	simm.s32 $0x2800;
	[sflag:s24] =	ssyncadd.s32 $0xFFFFE000  }
0x43: {  	[spmem:s3] =	stream.indirect.scatter.add.f32 [tilespmem:s17], [sflag:$0x5], $0x40, s15, s16, $0xb8;
	[tilespmem:$0x19000] =	vst v63  }
0x44: {  	_ =	swait.ge [sflag:s14], $0x2000  }
0x45: {  	[sflag:s14] =	ssyncset.done $0x0  }
0x46: {  	s19 =	simm.s32 $0x200;
	[sflag:s14] =	ssyncadd.s32 $0xFFFFE000  }
0x47: {  	[tilespmem:s17], [sflag:$0x1] =	stream.indirect.gather [hbm4b:s2+s16], $0x40, s19, s16, $0xb8;
	[tilespmem:$0x19000] =	vst v63  }
0x48: {  	_ =	swait.ge [sflag:s25], $0x2000  }
0x49: {  	[sflag:s25] =	ssyncset.done $0x0  }
0x4a: {  	s21 =	simm.s32 $0x2880;
	[sflag:s25] =	ssyncadd.s32 $0xFFFFE000  }
0x4b: {  	[spmem:s3] =	stream.indirect.scatter.add.f32 [tilespmem:s18], [sflag:$0x5], $0x40, s21, s16, $0xb8;
	[tilespmem:$0x19000] =	vst v63  }
0x4c: {  	_ =	swait.ge [sflag:s14], $0x2000  }
0x4d: {  	[sflag:s14] =	ssyncset.done $0x0  }
0x4e: {  	s29 =	simm.s32 $0x280;
	[sflag:s14] =	ssyncadd.s32 $0xFFFFE000  }
0x4f: {  	[tilespmem:s18], [sflag:$0x2] =	stream.indirect.gather [hbm4b:s2+s16], $0x40, s29, s16, $0xb8;
	[tilespmem:$0x19000] =	vst v63  }
0x50: {  	_ =	swait.ge [sflag:s26], $0x2000  }
0x51: {  	[sflag:s26] =	ssyncset.done $0x0  }
0x52: {  	s19 =	simm.s32 $0x2900;
	[sflag:s26] =	ssyncadd.s32 $0xFFFFE000  }
0x53: {  	[spmem:s3] =	stream.indirect.scatter.add.f32 [tilespmem:s20], [sflag:$0x5], $0x40, s19, s16, $0xb8;
	[tilespmem:$0x19000] =	vst v63  }
0x54: {  	_ =	swait.ge [sflag:s14], $0x2000  }
0x55: {  	[sflag:s14] =	ssyncset.done $0x0  }
0x56: {  	s21 =	simm.s32 $0x300;
	[sflag:s14] =	ssyncadd.s32 $0xFFFFE000  }
0x57: {  	[tilespmem:s20], [sflag:$0x3] =	stream.indirect.gather [hbm4b:s2+s16], $0x40, s21, s16, $0xb8;
	[tilespmem:$0x19000] =	vst v63  }
0x58: {  	_ =	swait.ge [sflag:s28], $0x2000  }
0x59: {  	[sflag:s28] =	ssyncset.done $0x0  }
0x5a: {  	s29 =	simm.s32 $0x2980;
	[sflag:s28] =	ssyncadd.s32 $0xFFFFE000  }
0x5b: {  	[spmem:s3] =	stream.indirect.scatter.add.f32 [tilespmem:s22], [sflag:$0x5], $0x40, s29, s16, $0xb8;
	[tilespmem:$0x19000] =	vst v63  }
0x5c: {  	_ =	swait.ge [sflag:s14], $0x2000  }
0x5d: {  	[sflag:s14] =	ssyncset.done $0x0  }
0x5e: {  	s15 =	simm.s32 $0x800;
	s19 =	simm.s32 $0x380;
	[sflag:s14] =	ssyncadd.s32 $0xFFFFE000  }
.LBB2_4:
0x5f: {  	[tilespmem:s22], [sflag:$0x4] =	stream.indirect.gather [hbm4b:s2+s16], $0x40, s19, s16, $0xb8;
	[tilespmem:$0x19000] =	vst v63  }
0x60: {  	s19 =	smov.u32 s15  }
0x61: {  	p0 =	sne.s32 s15, $0x9000;
	s15 =	sadd.s32 $0x800, s15;
	_ =	swait.ge [sflag:s24], $0x2000  }
0x62: {  	s19 =	sshra.s32 s19, $0x2;
	[sflag:s24] =	ssyncset.done $0x0  }
0x63: {  	s21 =	sadd.s32 $0x2800, s19;
	[sflag:s24] =	ssyncadd.s32 $0xFFFFE000  }
0x64: {  	[spmem:s3] =	stream.indirect.scatter.add.f32 [tilespmem:s17], [sflag:$0x5], $0x40, s21, s16, $0xb8;
	[tilespmem:$0x19000] =	vst v63  }
0x65: {  	_ =	swait.ge [sflag:s14], $0x2000  }
0x66: {  	[sflag:s14] =	ssyncset.done $0x0  }
0x67: {  	s21 =	sadd.s32 $0x200, s19;
	[sflag:s14] =	ssyncadd.s32 $0xFFFFE000  }
0x68: {  	[tilespmem:s17], [sflag:$0x1] =	stream.indirect.gather [hbm4b:s2+s16], $0x40, s21, s16, $0xb8;
	[tilespmem:$0x19000] =	vst v63  }
0x69: {  	_ =	swait.ge [sflag:s25], $0x2000  }
0x6a: {  	[sflag:s25] =	ssyncset.done $0x0  }
0x6b: {  	s21 =	sadd.s32 $0x2880, s19;
	[sflag:s25] =	ssyncadd.s32 $0xFFFFE000  }
0x6c: {  	[spmem:s3] =	stream.indirect.scatter.add.f32 [tilespmem:s18], [sflag:$0x5], $0x40, s21, s16, $0xb8;
	[tilespmem:$0x19000] =	vst v63  }
0x6d: {  	_ =	swait.ge [sflag:s14], $0x2000  }
0x6e: {  	[sflag:s14] =	ssyncset.done $0x0  }
0x6f: {  	s21 =	sadd.s32 $0x280, s19;
	[sflag:s14] =	ssyncadd.s32 $0xFFFFE000  }
0x70: {  	[tilespmem:s18], [sflag:$0x2] =	stream.indirect.gather [hbm4b:s2+s16], $0x40, s21, s16, $0xb8;
	[tilespmem:$0x19000] =	vst v63  }
0x71: {  	_ =	swait.ge [sflag:s26], $0x2000  }
0x72: {  	[sflag:s26] =	ssyncset.done $0x0  }
0x73: {  	s21 =	sadd.s32 $0x2900, s19;
	[sflag:s26] =	ssyncadd.s32 $0xFFFFE000  }
0x74: {  	[spmem:s3] =	stream.indirect.scatter.add.f32 [tilespmem:s20], [sflag:$0x5], $0x40, s21, s16, $0xb8;
	[tilespmem:$0x19000] =	vst v63  }
0x75: {  	_ =	swait.ge [sflag:s14], $0x2000  }
0x76: {  	[sflag:s14] =	ssyncset.done $0x0  }
0x77: {  	s21 =	sadd.s32 $0x300, s19;
	[sflag:s14] =	ssyncadd.s32 $0xFFFFE000  }
0x78: {  	[tilespmem:s20], [sflag:$0x3] =	stream.indirect.gather [hbm4b:s2+s16], $0x40, s21, s16, $0xb8;
	[tilespmem:$0x19000] =	vst v63  }
0x79: {  	_ =	swait.ge [sflag:s28], $0x2000  }
0x7a: {  	[sflag:s28] =	ssyncset.done $0x0  }
.Ltmp1:
0x7b: {  	s21 =	sadd.s32 $0x2980, s19;
	[sflag:s28] =	ssyncadd.s32 $0xFFFFE000;
	(pc) =	sbr.rel @p0 .LBB2_4-.Ltmp1, $4  }
0x7c: {  	[spmem:s3] =	stream.indirect.scatter.add.f32 [tilespmem:s22], [sflag:$0x5], $0x40, s21, s16, $0xb8;
	[tilespmem:$0x19000] =	vst v63  }
0x7d: {  	_ =	swait.ge [sflag:s14], $0x2000  }
0x7e: {  	[sflag:s14] =	ssyncset.done $0x0  }
0x7f: {  	s19 =	sadd.s32 $0x380, s19;
	[sflag:s14] =	ssyncadd.s32 $0xFFFFE000  }
0x80: {  	[tilespmem:s22], [sflag:$0x4] =	stream.indirect.gather [hbm4b:s2+s16], $0x40, s19, s16, $0xb8;
	[tilespmem:$0x19000] =	vst v63  }
0x81: {  	_ =	swait.ge [sflag:s24], $0x2000  }
0x82: {  	[sflag:s24] =	ssyncset.done $0x0  }
0x83: {  	s15 =	simm.s32 $0x4E00;
	[sflag:s24] =	ssyncadd.s32 $0xFFFFE000  }
0x84: {  	[spmem:s3] =	stream.indirect.scatter.add.f32 [tilespmem:s17], [sflag:$0x5], $0x40, s15, s16, $0xb8;
	[tilespmem:$0x19000] =	vst v63  }
0x85: {  	_ =	swait.ge [sflag:s14], $0x2000  }
0x86: {  	[sflag:s14] =	ssyncset.done $0x0  }
0x87: {  	[sflag:s14] =	ssyncadd.s32 $0xFFFFE000  }
0x88: {  	_ =	swait.ge [sflag:s25], $0x2000  }
0x89: {  	[sflag:s25] =	ssyncset.done $0x0  }
0x8a: {  	[sflag:s25] =	ssyncadd.s32 $0xFFFFE000  }
0x8b: {  	[spmem:s3] =	stream.indirect.scatter.add.f32 [tilespmem:s18], [sflag:$0x5], $0x40, s30, s16, $0xb8;
	[tilespmem:$0x19000] =	vst v63  }
0x8c: {  	_ =	swait.ge [sflag:s14], $0x2000  }
0x8d: {  	[sflag:s14] =	ssyncset.done $0x0  }
0x8e: {  	[sflag:s14] =	ssyncadd.s32 $0xFFFFE000  }
0x8f: {  	_ =	swait.ge [sflag:s26], $0x2000  }
0x90: {  	[sflag:s26] =	ssyncset.done $0x0  }
0x91: {  	[sflag:s26] =	ssyncadd.s32 $0xFFFFE000  }
0x92: {  	[spmem:s3] =	stream.indirect.scatter.add.f32 [tilespmem:s20], [sflag:$0x5], $0x40, s31, s16, $0xb8;
	[tilespmem:$0x19000] =	vst v63  }
0x93: {  	_ =	swait.ge [sflag:s14], $0x2000  }
0x94: {  	[sflag:s14] =	ssyncset.done $0x0  }
0x95: {  	[sflag:s14] =	ssyncadd.s32 $0xFFFFE000  }
0x96: {  	_ =	swait.ge [sflag:s28], $0x2000  }
0x97: {  	[sflag:s28] =	ssyncset.done $0x0  }
0x98: {  	[sflag:s28] =	ssyncadd.s32 $0xFFFFE000  }
0x99: {  	[spmem:s3] =	stream.indirect.scatter.add.f32 [tilespmem:s22], [sflag:$0x5], $0x40, s0, s16, $0xb8;
	[tilespmem:$0x19000] =	vst v63  }
0x9a: {  	s21 =	stileid.u32;
	_ =	swait.ge [sflag:s14], $0x2000  }
0x9b: {  	s29 =	sshrl.u32 s7, $0x3;
	s1 =	sadd.s32 $0x1, s1;
	[sflag:s14] =	ssyncset.done $0x0  }
0x9c: {  	p0 =	sne.s32 s1, s13;
	s15 =	sshll.u32 s21, $0x6;
	[sflag:s14] =	ssyncadd.s32 $0xFFFFE000  }
.Ltmp2:
0x9d: {  	s15 =	sor.u32 $0x1C05, s15;
	[bflag:$0x0] =	sbarrier.arrive $0xFFFF;
	(pc) =	sbr.rel @p0 .LBB2_1-.Ltmp2, $4  }
0x9e: {  	[hbm:s12], [sflag:s15] =	dma.local [spmem:s29], $0x1388  }
0x9f: {  	_ =	swait.ge [sflag:s14], $0x1388  }
0xa0: {  	[sflag:s14] =	ssyncset.done $0x0  }
0xa1: {  	[sflag:s14] =	ssyncadd.s32 $0xFFFFEC78  }
0xa2: {  	_ =	sfence.sel $0x180000  }
0xa3: {  	[bflag:$0x0] =	sbarrier.arrive $0xFFFF  }
0xa4: {  	_ =	strace $0x9000004D  }
0xa5: {  	s0 =	stileid.u32;
	[bflag:$0x2] =	sbarrier.arrive $0xFFFF  }
0xa6: {  	p0 =	sne.s32 s0, $0x0;
	s0 =	rddreg [dreg:$0x3]  }
0xa7: {  	s0 =	sadd.s32 @!p0 $0x100000, s0  }
0xa8: {  	[sflag:s0] =	ssyncadd.tile.s32 @!p0 $0x1;
	_ =	shalt  }
.Lfunc_end2:
_tile_overlayer_lowered:
.L_overlay_start_2:
0xa9: {  	(tag) =	ssettag $0x2  }
0xaa: {  	s0 =	rddreg [dreg:$0x0];
	s2 =	stileid.u32  }
0xab: {  	s1 =	rddreg [dreg:$0x1];
	p0 =	sne.s32 s2, $0x0  }
0xac: {  	s3 =	rddreg [dreg:$0x2];
	[bflag:$0x3] =	sbarrier.arrive $0xFFFF;
	s2 =	simm.s32 @!p0 $0x1C05  }
0xad: {  	[timem:s3], [sflag:s2] =	dma.local @!p0 [hbm:s0], s1  }
0xae: {  	s0 =	simm.s32 @!p0 $0x5  }
0xaf: {  	_ =	swait.ge @!p0 [sflag:s0], s1  }
0xb0: {  	s1 =	ssub.s32 @!p0 $0x0, s1;
	[sflag:s0] =	ssyncset.done @!p0 $0x0  }
0xb1: {  	[sflag:s0] =	ssyncadd.s32 @!p0 s1  }
0xb2: {  	[bflag:$0x3] =	sbarrier.arrive $0xFFFF  }
0xb3: {  	_ =	shalt  }

// kernel: kernel.8.cloned.1.call-start
scs
__scs_entry_jumppad:
0x0: {  	(pc) =	sbr.rel $0x88, $3  }
0x1: {  	(tag) =	ssettag $0x0;
	lr =	simm.s32 $0x1  }
0x2: {  	[smem:$0x3F97] =	sst lr;
	_ =	strace $0xD0000000  }
0x3: {  	_ = 	snop  }
0x4: {  	_ = 	snop  }
0x5: {  	_ = 	snop  }
0x6: {  	_ = 	snop  }
0x7: {  	_ = 	snop  }
__scs_overlays_trampoline_lowered:
0x8: {  	[smem:$0x3FA6] =	sst s0  }
0x9: {  	[smem:$0x3FA7] =	sst s1  }
0xa: {  	[smem:$0x3FA8] =	sst s2  }
0xb: {  	[smem:$0x3FA9] =	sst s3  }
0xc: {  	[smem:$0x3FAA] =	sst s4  }
0xd: {  	[smem:$0x3FAB] =	sst s5  }
0xe: {  	[smem:$0x3FAC] =	sst s6  }
0xf: {  	[smem:$0x3FAD] =	sst s7  }
0x10: {  	[smem:$0x3FAE] =	sst s8  }
0x11: {  	[smem:$0x3FAF] =	sst s9;
	s0 =	simm.s32 @!p0 $0x0  }
0x12: {  	s1 =	sld [smem:$0x3F95];
	s0 =	simm.s32 @p0 $0x1  }
0x13: {  	[smem:$0x3FB0] =	sst s0;
	s0 =	simm.s32 @!p1 $0x0  }
0x14: {  	s2 =	sld [smem:$0x3F94];
	s0 =	simm.s32 @p1 $0x1  }
0x15: {  	[smem:$0x3FB1] =	sst s0;
	s0 =	simm.s32 @!p2 $0x0  }
0x16: {  	s3 =	sld [smem:$0x3FDB];
	s0 =	simm.s32 @p2 $0x1  }
0x17: {  	s4 =	simm.s32 $0x1BF5;
	[smem:$0x3FB3] =	sst s0  }
0x18: {  	s0 =	sld [smem:$0x3F96];
	_ =	swait.ge [sflag:s4], $0x0  }
0x19: {  	s7 =	sld [smem:$0x3F97]  }
0x1a: {  	s8 =	sadd.s32 $0xFFFFE003, lr  }
0x1b: {  	s9 =	sadd.s32 $0xFFFFFEF7, lr;
	s5 =	simm.s32 $0xFFFFFFFF;
	p2 =	slt.u32 s8, $0xFFFFF086  }
0x1c: {  	p1 =	slt.u32 s9, $0xF7A;
	s5 =	simm.s32 @!p2 $0x0  }
0x1d: {  	s5 =	simm.s32 @p1 $0x1;
	p0 =	seq.s32 s7, s2  }
0x1e: {  	s7 =	smul.u32 @!p0 $0xF7A, s2;
	p2 =	seq.s32 @!p0 s5, $0x0  }
0x1f: {  	s9 =	smul.u32 $0xF7A, s1;
	s8 =	simm.s32 @!p0 $0x1BF5;
	p2 =	por !p2, p0  }
0x20: {  	[sflag:s8] =	ssyncset.s32 @!p0 $0xFFFFF086;
	s6 =	sadd.s32 @!p0 s3, s7;
	s7 =	simm.s32 @!p0 $0x108  }
0x21: {  	s3 =	sadd.s32 s3, s9;
	s6 =	sadd.s32 @!p0 $0x88, s6;
	s7 =	simm.s32 @p2 $0x1082  }
0x22: {  	[simem:s7], [sflag:s8] =	dma.local @!p0 [hbm:s6], $0xF7A  }
0x23: {  	s9 =	sor.u32 $0xD0000000, s2;
	s6 =	simm.s32 $0x108;
	_ =	swait.ge @!p0 [sflag:s8], $0x0  }
0x24: {  	s3 =	sadd.s32 $0x88, s3;
	s6 =	simm.s32 @!p1 $0x1082;
	[sflag:s4] =	ssyncset.s32 $0xFFFFF086  }
0x25: {  	[simem:s6], [sflag:s4] =	dma.local [hbm:s3], $0xF7A  }
0x26: {  	[smem:$0x3F97] =	sst s1;
	(tag) =	ssettag s2;
	_ =	strace s9  }
0x27: {  	s1 =	sld [smem:$0x3FA7]  }
0x28: {  	s2 =	sld [smem:$0x3FA8]  }
0x29: {  	s4 =	sld [smem:$0x3FAA]  }
0x2a: {  	p0 =	seq.s32 s5, $0x0;
	s5 =	sld [smem:$0x3FAB]  }
0x2b: {  	s6 =	sld [smem:$0x3FAC]  }
0x2c: {  	s7 =	sld [smem:$0x3FAD]  }
0x2d: {  	s3 =	simm.s32 $0x108;
	s8 =	sld [smem:$0x3FAE]  }
0x2e: {  	s3 =	simm.s32 @!p0 $0x1082;
	s9 =	sld [smem:$0x3FAF]  }
0x2f: {  	lr =	sadd.s32 s0, s3;
	s0 =	sld [smem:$0x3FA6]  }
0x30: {  	s3 =	sld [smem:$0x3FA9]  }
0x31: {  	[smem:$0x3FB2] =	sst s10  }
0x32: {  	s10 =	sld [smem:$0x3FB0];
	_ =	sdelay $0x3  }
0x33: {  	p0 =	seq.s32 s10, $0x1;
	s10 =	sld [smem:$0x3FB2];
	_ =	sdelay $0x3  }
0x34: {  	[smem:$0x3FB2] =	sst s10  }
0x35: {  	s10 =	sld [smem:$0x3FB1];
	_ =	sdelay $0x3  }
0x36: {  	p1 =	seq.s32 s10, $0x1;
	s10 =	sld [smem:$0x3FB2];
	_ =	sdelay $0x3  }
0x37: {  	[smem:$0x3FB2] =	sst s10  }
0x38: {  	s10 =	sld [smem:$0x3FB3]  }
0x39: {  	_ = 	snop;
	(pc) =	sbr.ind lr, $3  }
0x3a: {  	_ = 	snop  }
0x3b: {  	_ = 	snop  }
0x3c: {  	p2 =	seq.s32 s10, $0x1;
	s10 =	sld [smem:$0x3FB2]  }
0x3d: {  	_ =	shalt  }
0x3e: {  	_ =	shalt  }
0x3f: {  	_ =	shalt  }
0x40: {  	_ =	shalt  }
0x41: {  	_ =	shalt  }
0x42: {  	_ =	shalt  }
0x43: {  	_ =	shalt  }
0x44: {  	_ =	shalt  }
0x45: {  	_ =	shalt  }
0x46: {  	_ =	shalt  }
0x47: {  	_ =	shalt  }
0x48: {  	_ =	shalt  }
0x49: {  	_ =	shalt  }
0x4a: {  	_ =	shalt  }
0x4b: {  	_ =	shalt  }
0x4c: {  	_ =	shalt  }
0x4d: {  	_ =	shalt  }
0x4e: {  	_ =	shalt  }
0x4f: {  	_ =	shalt  }
0x50: {  	_ =	shalt  }
0x51: {  	_ =	shalt  }
0x52: {  	_ =	shalt  }
0x53: {  	_ =	shalt  }
0x54: {  	_ =	shalt  }
0x55: {  	_ =	shalt  }
0x56: {  	_ =	shalt  }
0x57: {  	_ =	shalt  }
0x58: {  	_ =	shalt  }
0x59: {  	_ =	shalt  }
0x5a: {  	_ =	shalt  }
0x5b: {  	_ =	shalt  }
0x5c: {  	_ =	shalt  }
0x5d: {  	_ =	shalt  }
0x5e: {  	_ =	shalt  }
0x5f: {  	_ =	shalt  }
0x60: {  	_ =	shalt  }
0x61: {  	_ =	shalt  }
0x62: {  	_ =	shalt  }
0x63: {  	_ =	shalt  }
0x64: {  	_ =	shalt  }
0x65: {  	_ =	shalt  }
0x66: {  	_ =	shalt  }
0x67: {  	_ =	shalt  }
0x68: {  	_ =	shalt  }
0x69: {  	_ =	shalt  }
0x6a: {  	_ =	shalt  }
0x6b: {  	_ =	shalt  }
0x6c: {  	_ =	shalt  }
0x6d: {  	_ =	shalt  }
0x6e: {  	_ =	shalt  }
0x6f: {  	_ =	shalt  }
0x70: {  	_ =	shalt  }
0x71: {  	_ =	shalt  }
0x72: {  	_ =	shalt  }
0x73: {  	_ =	shalt  }
0x74: {  	_ =	shalt  }
0x75: {  	_ =	shalt  }
0x76: {  	_ =	shalt  }
0x77: {  	_ =	shalt  }
0x78: {  	_ =	shalt  }
0x79: {  	_ =	shalt  }
0x7a: {  	_ =	shalt  }
0x7b: {  	_ =	shalt  }
0x7c: {  	_ =	shalt  }
0x7d: {  	_ =	shalt  }
0x7e: {  	_ =	shalt  }
0x7f: {  	_ =	shalt  }
0x80: {  	_ =	shalt  }
0x81: {  	_ =	shalt  }
0x82: {  	_ =	shalt  }
0x83: {  	_ =	shalt  }
0x84: {  	_ =	shalt  }
0x85: {  	_ =	shalt  }
0x86: {  	_ =	shalt  }
0x87: {  	_ =	shalt  }
.Lfunc_end0:
.L_simem_size_0:
called_computation_lowered:
.L_overlay_start_0:
0x88: {  	s2 =	sld [smem:$0x3FD9]  }
0x89: {  	s3 =	sld [smem:$0x3FFE];
	_ =	sdelay $0x1  }
0x8a: {  	s1 =	srdreg.scid  }
0x8b: {  	s0 =	sand.u32 $0x1, s1  }
0x8c: {  	s17 =	sshll.u32 s0, $0xA;
	s2 =	sadd.s32 s3, s2  }
0x8d: {  	s2 =	sadd.s32 s2, s17  }
0x8e: {  	[smem:$0x3FBE] =	sst s2  }
0x8f: {  	_ = 	snop  }
0x90: {  	s2 =	sld [smem:$0x3FD0];
	(tm) =	ssettm $0x1  }
0x91: {  	s18 =	sld [smem:$0x3FFB];
	_ =	sdelay $0x3  }
0x92: {  	_ =	strace s18  }
0x93: {  	s3 =	sld [smem:$0x3FFC];
	_ =	sdelay $0x3  }
0x94: {  	_ =	strace s3  }
0x95: {  	s3 =	sld [smem:$0x3FFD];
	_ =	sdelay $0x3  }
0x96: {  	_ =	strace s3  }
0x97: {  	_ =	strace $0x8FFFFFFF  }
0x98: {  	s19 =	sld [smem:$0x3FDB];
	_ =	sdelay $0x1  }
0x99: {  	s4 =	simm.s32 $_scs_section_size  }
0x9a: {  	s5 =	simm.s32 $_size__tile_overlayer_lowered;
	s6 =	simm.s32 $_tile_overlayer_lowered  }
0x9b: {  	s22 =	simm.s32 $0x1BFF;
	s21 =	sshll.u32 s6, $0x1;
	s3 =	sadd.s32 s4, s19  }
0x9c: {  	s7 =	simm.s32 $0x0;
	s20 =	sshll.u32 s5, $0x1;
	s5 =	sadd.s32 s21, s3  }
0x9d: {  	[timem:s7], [sflag:s22] =	dma.local [hbm:s5], s20  }
0x9e: {  	_ =	swait.ge [sflag:s22], s20  }
0x9f: {  	s4 =	ssub.s32 $0x0, s20;
	[sflag:s22] =	ssyncset.done $0x0  }
0xa0: {  	[sflag:s22] =	ssyncadd.s32 s4;
	_ =	sdelay $0x1  }
0xa1: {  	s23 =	simm.s32 $0x1B8B  }
0xa2: {  	_ =	swait.ge [sflag:s23], $0x1  }
0xa3: {  	[sflag:s23] =	ssyncset.done $0x0  }
0xa4: {  	s25 =	simm.s32 $0x1B8E;
	s24 =	sld [smem:$0x3FFE];
	[sflag:s23] =	ssyncadd.s32 $0xFFFFFFFF  }
0xa5: {  	s26 =	simm.s32 $execute0_lowered;
	[smem:$0x3FD2] =	sst s25  }
0xa6: {  	s5 =	sshll.u32 s26, $0x1;
	_ =	strace $0x80000046;
	[dreg:$0x1] =	wrdreg $0xFFFFFFFF  }
0xa7: {  	s28 =	simm.s32 $_size_execute0_lowered;
	s3 =	sadd.s32 s3, s5;
	[dreg:$0x0] =	wrdreg $0x0  }
0xa8: {  	s5 =	sshll.u32 s28, $0x1;
	[dreg:$0x2] =	wrdreg s3  }
0xa9: {  	[dreg:$0x3] =	wrdreg s5  }
0xaa: {  	[dreg:$0x4] =	wrdreg $0xC0  }
0xab: {  	_ =	task [dreg:s7], $0x5FFFF  }
0xac: {  	[dreg:$0x1] =	wrdreg $0xFFFFFFFF  }
0xad: {  	[dreg:$0x0] =	wrdreg $0x60  }
0xae: {  	[dreg:$0x2] =	wrdreg s24  }
0xaf: {  	[dreg:$0x3] =	wrdreg s2  }
0xb0: {  	[dreg:$0x4] =	wrdreg $0x52800  }
0xb1: {  	[dreg:$0x5] =	wrdreg $0x9  }
0xb2: {  	_ =	task.clear_ibuf [dreg:s7], $0x6FFFF;
	_ =	strace $0x90000046  }
0xb3: {  	s29 =	simm.s32 $0x9;
	_ =	strace $0x80000048  }
0xb4: {  	_ =	swait.ge [sflag:s29], $0x1  }
0xb5: {  	[sflag:s29] =	ssyncadd.s32 $0xFFFFFFFF  }
0xb6: {  	_ =	strace $0x90000048  }
0xb7: {  	_ =	sfence  }
0xb8: {  	s30 =	sld [smem:$0x0];
	_ =	sdelay $0x2  }
0xb9: {  	s31 =	sshll.u32 s1, $0xD;
	s1 =	sshrl.u32 s1, $0x2  }
0xba: {  	s3 =	sand.u32 $0x4000, s31;
	s1 =	sadd.s32 s1, s30  }
0xbb: {  	s0 =	sor.u32 s3, s0;
	s1 =	sshll.u32 s1, $0x11  }
0xbc: {  	s0 =	sor.u32 s1, s0  }
0xbd: {  	s0 =	sadd.s32 $0x8F2B, s0  }
0xbe: {  	[sflag:s0] =	ssyncadd.remote.s32 $0x1  }
0xbf: {  	_ =	sfence.sel $0xFFFF  }
0xc0: {  	[dreg:$0x0] =	wrdreg $0xFFFFFFFF;
	(pc) =	sbr.abs _section_cstart, $3  }
0xc1: {  	[dreg:$0x1] =	wrdreg $0xFFFFFFFF  }
0xc2: {  	_ =	task.clear_ibuf [dreg:s7], $0x2FFFF;
	_ =	strace $0x9FFFFFFF  }
0xc3: {  	(tm) =	ssettm $0x7FFFFFFF  }
tec
execute0_lowered:
.L_overlay_start_1:
0x0: {  	(tag) =	ssettag $0x1  }
0x1: {  	s5 =	rddreg [dreg:$0x0]  }
0x2: {  	s0 =	srdreg.scid;
	v0 =	vlaneseq.u32;
	v1 =	vimm.f32 $0.0e+00;
	s7 =	rddreg [dreg:$0x1];
	v41 =	vimm.f32 $1.000000000e+00  }
0x3: {  	s2 =	rddreg [dreg:$0x2];
	s3 =	simm.s32 $0x0;
	s11 =	simm.s32 $0x80;
	v2 =	vor.u32 $0x10, v0;
	v3 =	vor.u32 $0x20, v0;
	v4 =	vor.u32 $0x30, v0  }
0x4: {  	s12 =	simm.s32 $0x5000;
	s13 =	simm.s32 $0x5080;
	s14 =	simm.s32 $0x3000;
	v5 =	vor.u32 $0x40, v0;
	v6 =	vor.u32 $0x50, v0;
	v7 =	vor.u32 $0x60, v0  }
0x5: {  	s15 =	simm.s32 $0x5100;
	s16 =	simm.s32 $0x3800;
	s17 =	simm.s32 $0x5180;
	v8 =	vor.u32 $0x70, v0;
	v9 =	vor.u32 $0x80, v0;
	v10 =	vor.u32 $0x90, v0  }
0x6: {  	s18 =	simm.s32 $0x4000;
	s19 =	simm.s32 $0x5200;
	s20 =	simm.s32 $0x4800;
	v11 =	vor.u32 $0xA0, v0;
	v12 =	vor.u32 $0xB0, v0;
	v13 =	vor.u32 $0xC0, v0  }
0x7: {  	s23 =	simm.s32 $0x0;
	s4 =	sand.u32 $0x1, s0;
	s0 =	stileid.u32;
	v14 =	vor.u32 $0xD0, v0;
	v15 =	vor.u32 $0xE0, v0;
	v16 =	vor.u32 $0xF0, v0  }
0x8: {  	[smem:$0x7FF] =	sst s3;
	v17 =	vor.u32 $0x100, v0;
	v18 =	vor.u32 $0x110, v0;
	v19 =	vor.u32 $0x120, v0;
	s1 =	sshll.u32 s4, $0x4;
	s8 =	smul.u32 $0x280, s0  }
0x9: {  	v20 =	vor.u32 $0x130, v0;
	v21 =	vor.u32 $0x140, v0;
	v22 =	vor.u32 $0x150, v0;
	s9 =	ssub.s32 $0x2, s4;
	s10 =	smul.u32 $0x2800, s4;
	s21 =	sshll.u32 s0, $0x6  }
0xa: {  	v23 =	vor.u32 $0x160, v0;
	v24 =	vor.u32 $0x170, v0;
	v25 =	vor.u32 $0x180, v0;
	s1 =	sor.u32 s0, s1;
	s30 =	sshrl.u32 s9, $0x1;
	s21 =	sor.u32 $0x1C01, s21  }
0xb: {  	v26 =	vor.u32 $0x190, v0;
	v27 =	vor.u32 $0x1A0, v0;
	v28 =	vor.u32 $0x1B0, v0;
	s6 =	smul.u32 $0x500, s1;
	s1 =	rddreg [dreg:$0x3];
	s10 =	sadd.s32 s8, s10  }
0xc: {  	v29 =	vor.u32 $0x1C0, v0;
	v30 =	vor.u32 $0x1D0, v0;
	v31 =	vor.u32 $0x1E0, v0;
	_ =	strace $0x80000047;
	s9 =	ssub.s32 s9, s30;
	s31 =	sshrl.u32 s10, $0x3  }
0xd: {  	v32 =	vor.u32 $0x1F0, v0;
	v33 =	vor.u32 $0x200, v0;
	v34 =	vor.u32 $0x210, v0;
	s10 =	simm.s32 $0x2800;
	s29 =	sadd.s32 s6, s5;
	s5 =	sadd.s32 s8, s2  }
0xe: {  	v35 =	vor.u32 $0x220, v0;
	v36 =	vor.u32 $0x230, v0;
	v37 =	vor.u32 $0x240, v0;
	s6 =	sadd.s32 $0x2800, s8;
	s7 =	sadd.s32 s7, s31;
	s8 =	smax.u32 s9, $0x1  }
0xf: {  	v38 =	vor.u32 $0x250, v0;
	v39 =	vor.u32 $0x260, v0;
	v40 =	vor.u32 $0x270, v0;
	s9 =	simm.s32 $0x1;
	s4 =	sadd.s32 $0x3400, s29;
	s22 =	sshrl.u32 s5, $0x3  }
.LBB2_1:
0x10: {  	[tilespmem:s3], [sflag:$0x1] =	stream.linear.gather [hbm4b:s4+s3], $0x2800, $0x38;
	[tilespmem:$0x5500] =	vst v63  }
0x11: {  	_ =	swait.ge [sflag:s9], $0x2800  }
0x12: {  	[sflag:s9] =	ssyncset.done $0x0  }
0x13: {  	s24 =	simm.s32 $0x40;
	s25 =	simm.s32 $0x0;
	[sflag:s9] =	ssyncadd.s32 $0xFFFFD800  }
.LBB2_2:
0x14: {  	p0 =	sne.s32 s24, $0x9FC0;
	[tilespmem:s25+$0x2800] =	vst v1;
	s25 =	smov.u32 s24;
	s24 =	sadd.s32 $0x40, s24  }
.Ltmp0:
0x15: {  	(pc) =	sbr.rel @p0 .LBB2_2-.Ltmp0, $2  }
0x16: {  	_ =	sdelay $0x2  }
0x17: {  	s25 =	sshra.s32 s25, $0x2  }
0x18: {  	[tilespmem:s25+$0x2800] =	vst v1  }
0x19: {  	[tilespmem:$0x5000] =	vst v0  }
0x1a: {  	[tilespmem:$0x5010] =	vst v2  }
0x1b: {  	[tilespmem:$0x5020] =	vst v3  }
0x1c: {  	[tilespmem:$0x5030] =	vst v4  }
0x1d: {  	[tilespmem:$0x5040] =	vst v5  }
0x1e: {  	[tilespmem:$0x5050] =	vst v6  }
0x1f: {  	[tilespmem:$0x5060] =	vst v7  }
0x20: {  	[tilespmem:$0x5070] =	vst v8  }
0x21: {  	[tilespmem:$0x5080] =	vst v9  }
0x22: {  	[tilespmem:$0x5090] =	vst v10  }
0x23: {  	[tilespmem:$0x50A0] =	vst v11  }
0x24: {  	[tilespmem:$0x50B0] =	vst v12  }
0x25: {  	[tilespmem:$0x50C0] =	vst v13  }
0x26: {  	[tilespmem:$0x50D0] =	vst v14  }
0x27: {  	[tilespmem:$0x50E0] =	vst v15  }
0x28: {  	[tilespmem:$0x50F0] =	vst v16  }
0x29: {  	[tilespmem:$0x5100] =	vst v17  }
0x2a: {  	[tilespmem:$0x5110] =	vst v18  }
0x2b: {  	[tilespmem:$0x5120] =	vst v19  }
0x2c: {  	[tilespmem:$0x5130] =	vst v20  }
0x2d: {  	[tilespmem:$0x5140] =	vst v21  }
0x2e: {  	[tilespmem:$0x5150] =	vst v22  }
0x2f: {  	[tilespmem:$0x5160] =	vst v23  }
0x30: {  	[tilespmem:$0x5170] =	vst v24  }
0x31: {  	[tilespmem:$0x5180] =	vst v25  }
0x32: {  	[tilespmem:$0x5190] =	vst v26  }
0x33: {  	[tilespmem:$0x51A0] =	vst v27  }
0x34: {  	[tilespmem:$0x51B0] =	vst v28  }
0x35: {  	[tilespmem:$0x51C0] =	vst v29  }
0x36: {  	[tilespmem:$0x51D0] =	vst v30  }
0x37: {  	[tilespmem:$0x51E0] =	vst v31  }
0x38: {  	[tilespmem:$0x51F0] =	vst v32  }
0x39: {  	[tilespmem:$0x5200] =	vst v33  }
0x3a: {  	[tilespmem:$0x5210] =	vst v34  }
0x3b: {  	[tilespmem:$0x5220] =	vst v35  }
0x3c: {  	[tilespmem:$0x5230] =	vst v36  }
0x3d: {  	[tilespmem:$0x5240] =	vst v37  }
0x3e: {  	[tilespmem:$0x5250] =	vst v38  }
0x3f: {  	[tilespmem:$0x5260] =	vst v39  }
0x40: {  	[tilespmem:$0x5270] =	vst v40  }
0x41: {  	[spmem:s5] =	stream.linear.scatter [tilespmem:s6], [sflag:$0x1], $0x280, $0x38;
	[tilespmem:$0x5500] =	vst v63  }
0x42: {  	_ =	swait.ge [sflag:s9], $0x280  }
0x43: {  	[sflag:s9] =	ssyncset.done $0x0  }
0x44: {  	[sflag:s9] =	ssyncadd.s32 $0xFFFFFD80  }
0x45: {  	s25 =	simm.s32 $0x0;
	s24 =	simm.s32 $0x40;
	[bflag:$0x0] =	sbarrier.arrive $0xFFFF  }
.LBB2_4:
0x46: {  	p0 =	sne.s32 s24, $0x9FC0;
	v42 =	vld [tilespmem:s25+$0x0];
	_ =	sdelay $0x3  }
.Ltmp1:
0x47: {  	(pc) =	sbr.rel @p0 .LBB2_4-.Ltmp1, $2  }
0x48: {  	_ =	sdelay $0x2  }
0x49: {  	s25 =	sshra.s32 s24, $0x2;
	s24 =	sadd.s32 $0x40, s24;
	[tilespmem:v42+s10+$0x0] =	vst.idx.add.f32.msk $0xffff, v41  }
0x4a: {  	v42 =	vld [tilespmem:s25+$0x0];
	_ =	sdelay $0x7  }
0x4b: {  	[tilespmem:v42+s10+$0x0] =	vst.idx.add.f32.msk $0xffff, v41  }
0x4c: {  	[spmem:s2] =	stream.indirect.scatter.add.f32 [tilespmem:s10], [sflag:$0x1], $0x10, s12, s11, $0xb8;
	[tilespmem:$0x5500] =	vst v63  }
0x4d: {  	_ =	swait.ge [sflag:s9], $0x800  }
0x4e: {  	[sflag:s9] =	ssyncset.done $0x0  }
0x4f: {  	[sflag:s9] =	ssyncadd.s32 $0xFFFFF800  }
0x50: {  	[spmem:s2] =	stream.indirect.scatter.add.f32 [tilespmem:s14], [sflag:$0x1], $0x10, s13, s11, $0xb8;
	[tilespmem:$0x5500] =	vst v63  }
0x51: {  	_ =	swait.ge [sflag:s9], $0x800  }
0x52: {  	[sflag:s9] =	ssyncset.done $0x0  }
0x53: {  	[sflag:s9] =	ssyncadd.s32 $0xFFFFF800  }
0x54: {  	[spmem:s2] =	stream.indirect.scatter.add.f32 [tilespmem:s16], [sflag:$0x1], $0x10, s15, s11, $0xb8;
	[tilespmem:$0x5500] =	vst v63  }
0x55: {  	_ =	swait.ge [sflag:s9], $0x800  }
0x56: {  	[sflag:s9] =	ssyncset.done $0x0  }
0x57: {  	[sflag:s9] =	ssyncadd.s32 $0xFFFFF800  }
0x58: {  	[spmem:s2] =	stream.indirect.scatter.add.f32 [tilespmem:s18], [sflag:$0x1], $0x10, s17, s11, $0xb8;
	[tilespmem:$0x5500] =	vst v63  }
0x59: {  	_ =	swait.ge [sflag:s9], $0x800  }
0x5a: {  	[sflag:s9] =	ssyncset.done $0x0  }
0x5b: {  	[sflag:s9] =	ssyncadd.s32 $0xFFFFF800  }
0x5c: {  	[spmem:s2] =	stream.indirect.scatter.add.f32 [tilespmem:s20], [sflag:$0x1], $0x10, s19, s11, $0xb8;
	[tilespmem:$0x5500] =	vst v63  }
0x5d: {  	_ =	swait.ge [sflag:s9], $0x800  }
0x5e: {  	s23 =	sadd.s32 $0x1, s23;
	[sflag:s9] =	ssyncset.done $0x0  }
0x5f: {  	p0 =	sne.s32 s23, s8;
	[sflag:s9] =	ssyncadd.s32 $0xFFFFF800  }
.Ltmp2:
0x60: {  	[bflag:$0x0] =	sbarrier.arrive $0xFFFF;
	(pc) =	sbr.rel @p0 .LBB2_1-.Ltmp2, $4  }
0x61: {  	[hbm:s7], [sflag:s21] =	dma.local [spmem:s22], $0x50  }
0x62: {  	_ =	swait.ge [sflag:s9], $0x50  }
0x63: {  	[sflag:s9] =	ssyncset.done $0x0  }
0x64: {  	[sflag:s9] =	ssyncadd.s32 $0xFFFFFFB0  }
0x65: {  	_ =	sfence.sel $0x180000  }
0x66: {  	[bflag:$0x0] =	sbarrier.arrive $0xFFFF  }
0x67: {  	p0 =	sne.s32 s0, $0x0;
	_ =	strace $0x90000047  }
0x68: {  	s0 =	sadd.s32 @!p0 $0x100000, s1;
	[bflag:$0x2] =	sbarrier.arrive $0xFFFF  }
0x69: {  	[sflag:s0] =	ssyncadd.tile.s32 @!p0 $0x1;
	_ =	shalt  }
.Lfunc_end2:
_tile_overlayer_lowered:
.L_overlay_start_2:
0x6a: {  	(tag) =	ssettag $0x2  }
0x6b: {  	s0 =	rddreg [dreg:$0x0];
	s2 =	stileid.u32  }
0x6c: {  	s1 =	rddreg [dreg:$0x1];
	p0 =	sne.s32 s2, $0x0  }
0x6d: {  	s3 =	rddreg [dreg:$0x2];
	[bflag:$0x3] =	sbarrier.arrive $0xFFFF;
	s2 =	simm.s32 @!p0 $0x1C01  }
0x6e: {  	[timem:s3], [sflag:s2] =	dma.local @!p0 [hbm:s0], s1  }
0x6f: {  	s0 =	simm.s32 @!p0 $0x1  }
0x70: {  	_ =	swait.ge @!p0 [sflag:s0], s1  }
0x71: {  	s1 =	ssub.s32 @!p0 $0x0, s1;
	[sflag:s0] =	ssyncset.done @!p0 $0x0  }
0x72: {  	[sflag:s0] =	ssyncadd.s32 @!p0 s1  }
0x73: {  	[bflag:$0x3] =	sbarrier.arrive $0xFFFF  }
0x74: {  	_ =	shalt  }

</sc_bundles>
